<compile_context>
chip_gen: v7x
topology: tpu7x:2x2x1
jax: 0.10.2.dev20260603
libtpu: 0.0.44.dev20260713+nightly
codegen_flags: <defaults>
</compile_context>

<pallas_src>
import jax
import jax.numpy as jnp
from jax import lax
from jax.experimental import pallas as pl
from jax.experimental.pallas import tpu as pltpu
from jax.experimental.pallas import tpu_sc as plsc

_B = 16384
_N = 1000
_TOPK = 7

_SC_ROWS = 8192
_TC_ROWS = _B - _SC_ROWS

_NW = 32
_RPW = _SC_ROWS // _NW
_DMAB = 128
_NDMA = _RPW // _DMAB
_NSUB = _DMAB // 16
_UNROLL = 8

_TC_BLOCK = 1024
_TC_GRID = _TC_ROWS // _TC_BLOCK
_TC_BLOCK0 = _SC_ROWS // _TC_BLOCK


_SORT8 = (
    (0, 1), (2, 3), (4, 5), (6, 7), (0, 2), (1, 3), (4, 6), (5, 7),
    (1, 2), (5, 6), (0, 4), (1, 5), (2, 6), (3, 7), (2, 4), (3, 5),
    (1, 2), (3, 4), (5, 6),
)
_BITONIC8 = (
    (0, 4), (1, 5), (2, 6), (3, 7), (0, 2), (1, 3), (4, 6), (5, 7),
    (0, 1), (2, 3), (4, 5), (6, 7),
)


def _net_desc(a, net):
    for i, j in net:
        hi = jnp.maximum(a[i], a[j])
        a[j] = jnp.minimum(a[i], a[j])
        a[i] = hi
    return a


def _sc_body(x_hbm, tgt_hbm, out_hbm, buf, tgt_v, out_v):
    wid = lax.axis_index("s") * 2 + lax.axis_index("c")
    base = wid * _RPW
    pltpu.sync_copy(tgt_hbm.at[pl.ds(base, _RPW)], tgt_v)

    lane = lax.iota(jnp.int32, 16)
    zero16 = jnp.zeros((16,), jnp.float32)
    ninf = jnp.full((16,), -jnp.inf, jnp.float32)

    def slab_body(tb, acc):
        pltpu.sync_copy(
            x_hbm.at[pl.ds(0, _N), pl.ds(base + tb * _DMAB, _DMAB)], buf
        )
        for st in range(_NSUB):
            tgt16 = tgt_v[pl.ds(pl.multiple_of(tb * _DMAB + st * 16, 16), 16)]
            tv = plsc.load_gather(buf, [tgt16, lane + st * 16])

            def feat_body(fb, carry, _st=st):
                s_acc, t1, t2, t3, t4, t5, t6, t7 = carry
                top = [t1, t2, t3, t4, t5, t6, t7]
                xs = []
                for u in range(_UNROLL):
                    x = buf[fb * _UNROLL + u, pl.ds(_st * 16, 16)]
                    s_acc = s_acc + jnp.maximum(x - tv, 0.0)
                    xs.append(x)
                xs = _net_desc(xs, _SORT8)
                h = [jnp.maximum(top[i], xs[7 - i]) for i in range(_TOPK)]
                h.append(xs[0])
                h = _net_desc(h, _BITONIC8)
                return (s_acc, *h[:_TOPK])

            carry = lax.fori_loop(
                0, _N // _UNROLL, feat_body, (zero16,) + (ninf,) * _TOPK
            )
            s_acc = carry[0]
            for t in carry[1:]:
                s_acc = s_acc - jnp.maximum(t - tv, 0.0)
            acc = acc + s_acc
        return acc

    acc = lax.fori_loop(0, _NDMA, slab_body, zero16)
    out_v[...] = acc
    pltpu.sync_copy(out_v, out_hbm.at[wid])


def _sc_partial(xt, tgt):
    mesh = plsc.VectorSubcoreMesh(core_axis_name="c", subcore_axis_name="s")
    partials = pl.kernel(
        _sc_body,
        out_type=jax.ShapeDtypeStruct((_NW, 16), jnp.float32),
        mesh=mesh,
        compiler_params=pltpu.CompilerParams(needs_layout_passes=False),
        scratch_types=[
            pltpu.VMEM((_N, _DMAB), jnp.float32),
            pltpu.VMEM((_RPW,), jnp.int32),
            pltpu.VMEM((16,), jnp.float32),
        ],
    )(xt, tgt)
    return jnp.sum(partials)


def _tc_block_body(x_ref, t_ref, out_ref):
    v = x_ref[...]
    tgt = t_ref[...]

    feat = jax.lax.broadcasted_iota(jnp.int32, v.shape, 0)
    is_tgt = feat == tgt
    tsc = jnp.max(jnp.where(is_tgt, v, v - 100000.0), axis=0, keepdims=True)

    s_all = jnp.sum(jnp.maximum(v, tsc), axis=0) - float(_N) * tsc[0, :]

    neg_inf = jnp.float32(-jnp.inf)
    remaining = jnp.full((v.shape[1],), float(_TOPK), dtype=jnp.float32)
    top_sum = jnp.zeros((v.shape[1],), dtype=jnp.float32)
    for k in range(_TOPK):
        if k == 0:
            theta = jnp.max(v, axis=0, keepdims=True)
        else:
            masked = jnp.where(v < theta, v, neg_inf)
            theta = jnp.max(masked, axis=0, keepdims=True)
        cnt = jnp.sum(jnp.where(v == theta, 1.0, 0.0), axis=0)
        take = jnp.minimum(cnt, remaining)
        top_sum += take * jnp.maximum(theta[0, :] - tsc[0, :], 0.0)
        remaining -= take

    block_loss = jnp.sum(s_all - top_sum).reshape(1, 1)

    @pl.when(pl.program_id(0) == 0)
    def _init():
        out_ref[...] = jnp.zeros((1, 1), dtype=jnp.float32)

    out_ref[...] += block_loss


def _tc_partial(xt, tgt_row):
    out = pl.pallas_call(
        _tc_block_body,
        grid=(_TC_GRID,),
        in_specs=[
            pl.BlockSpec((_N, _TC_BLOCK), lambda i: (0, i + _TC_BLOCK0)),
            pl.BlockSpec((1, _TC_BLOCK), lambda i: (0, i + _TC_BLOCK0)),
        ],
        out_specs=pl.BlockSpec((1, 1), lambda i: (0, 0)),
        out_shape=jax.ShapeDtypeStruct((1, 1), jnp.float32),
    )(xt, tgt_row)
    return out[0, 0]


@jax.jit
def _cluster_margin_loss(x, tgt):
    xt = x.T
    tgt_row = tgt.reshape(1, _B)
    sc = _sc_partial(xt, tgt.reshape(_B))
    tc = _tc_partial(xt, tgt_row)
    return (sc + tc) / (_B * 500.0)


def kernel(input, target):
    return _cluster_margin_loss(input, target)

# --- scband reference (transcript-rebuilt; emitter-appended) ---
"""Pipeline reference for scband-cluster-margin-loss-58454504899153 (READ-ONLY COPY).

The authoritative reference and input builder live on the scoring server;
editing this copy changes nothing except your own understanding.
"""

import jax, jax.numpy as jnp
import numpy as np

NEAREST_CENTROID_NUM = 8
CLUSTER_NUM = 1000
BATCH = 16384


def setup_inputs(seed: int = 0) -> dict:
    key = jax.random.key(seed)
    k1, k2 = jax.random.split(key)
    inp = jax.random.normal(k1, (BATCH, CLUSTER_NUM), dtype=jnp.float32)
    target = jax.random.randint(k2, (BATCH, 1), 0, CLUSTER_NUM, dtype=jnp.int32)
    return {"input": inp, "target": target}


def reference(input, target):
    batch_size = input.shape[0]
    num = CLUSTER_NUM - NEAREST_CENTROID_NUM + 1
    # torch.topk(largest=False) -> smallest `num` values, ascending order
    neg_vals, _ = jax.lax.top_k(-input, num)
    bottom_scores = -neg_vals
    # mask = -100000 everywhere, 0 at target indices (scatter-overwrite along dim 1)
    mask = jnp.full((batch_size, CLUSTER_NUM), -100000.0, dtype=input.dtype)
    rows = jnp.arange(batch_size)[:, None]
    mask = mask.at[rows, target].set(0.0)
    target_scores, _ = jax.lax.top_k(mask + input, 1)
    batch_loss = jnp.maximum(bottom_scores - target_scores, jnp.zeros((batch_size, num), dtype=input.dtype))
    avg_loss = batch_loss.sum() / batch_size
    return avg_loss / 500

if __name__ == "__main__":
    import jax
    _d = setup_inputs()
    print(jax.jit(kernel)(*tuple(_d.values())))

</pallas_src>

<mosaic_0001>
#map = affine_map<(d0, d1) -> (0, 0)>
#map1 = affine_map<(d0, d1) -> (0)>
module attributes {stable_mosaic.version = 14 : i64} {
  func.func @_sc_body(%arg0: i32, %arg1: i32, %arg2: memref<1000x16384xf32, #tpu.memory_space<hbm>>, %arg3: memref<16384xi32, #tpu.memory_space<hbm>>, %arg4: memref<32x16xf32, #tpu.memory_space<hbm>>, %arg5: memref<1000x128xf32, #tpu.memory_space<vmem>>, %arg6: memref<256xi32, #tpu.memory_space<vmem>>, %arg7: memref<16xf32, #tpu.memory_space<vmem>>) attributes {dimension_semantics = [#tpu.dimension_semantics<core_parallel>, #tpu.dimension_semantics<subcore_parallel>], iteration_bounds = array<i64: 2, 16>, scalar_prefetch = 0 : i64, scratch_operands = 3 : i64, tpu.core_type = #tpu.core_type<sc_vector_subcore>, window_params = [{transform_indices = #map}, {transform_indices = #map1}, {transform_indices = #map}]} {
    %mul3A = arith.constant 2 : i32
    %mul3A_0 = arith.muli %arg1, %mul3A : i32
    %add3A = arith.addi %mul3A_0, %arg0 : i32
    %mul3A_1 = arith.constant 256 : i32
    %mul3A_2 = arith.muli %add3A, %mul3A_1 : i32
    "tpu.region"() ({
      %run_scoped3A = tpu.sem_alloc : memref<!tpu.dma_semaphore, #tpu.memory_space<semaphore_mem>>
      %dma_start3A = tpu.memref_slice %arg3[%mul3A_2] : memref<16384xi32, #tpu.memory_space<hbm>> -> memref<256xi32, #tpu.memory_space<hbm>>
      %dma_start3A_12 = tpu.memref_slice %arg3[%mul3A_2] : memref<16384xi32, #tpu.memory_space<hbm>> -> memref<256xi32, #tpu.memory_space<hbm>>
      tpu.enqueue_dma source(%dma_start3A_12 : memref<256xi32, #tpu.memory_space<hbm>>) target(%arg6 : memref<256xi32, #tpu.memory_space<vmem>>) target_semaphore(%run_scoped3A : memref<!tpu.dma_semaphore, #tpu.memory_space<semaphore_mem>>)
      %dma_wait3A = tpu.memref_slice %arg3[%mul3A_2] : memref<16384xi32, #tpu.memory_space<hbm>> -> memref<256xi32, #tpu.memory_space<hbm>>
      %dma_wait3A_13 = tpu.memref_slice %arg3[%mul3A_2] : memref<16384xi32, #tpu.memory_space<hbm>> -> memref<256xi32, #tpu.memory_space<hbm>>
      tpu.wait_dma2 semaphore(%run_scoped3A : memref<!tpu.dma_semaphore, #tpu.memory_space<semaphore_mem>>) src(%dma_wait3A_13 : memref<256xi32, #tpu.memory_space<hbm>>) dst(%arg6 : memref<256xi32, #tpu.memory_space<vmem>>)
      tpu.yield
    }) : () -> ()
    %iota3A = tpu.iota {dimensions = array<i32: 0>} : vector<16xi32>
    %broadcast_in_dim3A = arith.constant 0.000000e+00 : f32
    %broadcast_in_dim3A_3 = vector.broadcast %broadcast_in_dim3A : f32 to vector<16xf32>
    %broadcast_in_dim3A_4 = arith.constant 0xFF800000 : f32
    %broadcast_in_dim3A_5 = vector.broadcast %broadcast_in_dim3A_4 : f32 to vector<16xf32>
    %scan3A = arith.constant 0 : i32
    %scan3A_6 = arith.constant 2 : i32
    %scan3A_7 = arith.addi %scan3A, %scan3A_6 : i32
    %scan3A_8 = arith.constant 1 : i32
    %scan3A_9 = scf.for %scan3A_12 = %scan3A to %scan3A_7 step %scan3A_8 iter_args(%scan3A_13 = %broadcast_in_dim3A_3) -> (vector<16xf32>)  : i32 {
      %mul3A_14 = arith.constant 128 : i32
      %mul3A_15 = arith.muli %scan3A_12, %mul3A_14 : i32
      %add3A_16 = arith.addi %mul3A_2, %mul3A_15 : i32
      "tpu.region"() ({
        %run_scoped3A = tpu.sem_alloc : memref<!tpu.dma_semaphore, #tpu.memory_space<semaphore_mem>>
        %dma_start3A = arith.constant 0 : i32
        %dma_start3A_436 = tpu.memref_slice %arg2[%dma_start3A, %add3A_16] : memref<1000x16384xf32, #tpu.memory_space<hbm>> -> memref<1000x128xf32, #tpu.memory_space<hbm>>
        %dma_start3A_437 = arith.constant 0 : i32
        %dma_start3A_438 = tpu.memref_slice %arg2[%dma_start3A_437, %add3A_16] : memref<1000x16384xf32, #tpu.memory_space<hbm>> -> memref<1000x128xf32, #tpu.memory_space<hbm>>
        tpu.enqueue_dma source(%dma_start3A_438 : memref<1000x128xf32, #tpu.memory_space<hbm>>) target(%arg5 : memref<1000x128xf32, #tpu.memory_space<vmem>>) target_semaphore(%run_scoped3A : memref<!tpu.dma_semaphore, #tpu.memory_space<semaphore_mem>>)
        %dma_wait3A = arith.constant 0 : i32
        %dma_wait3A_439 = tpu.memref_slice %arg2[%dma_wait3A, %add3A_16] : memref<1000x16384xf32, #tpu.memory_space<hbm>> -> memref<1000x128xf32, #tpu.memory_space<hbm>>
        %dma_wait3A_440 = arith.constant 0 : i32
        %dma_wait3A_441 = tpu.memref_slice %arg2[%dma_wait3A_440, %add3A_16] : memref<1000x16384xf32, #tpu.memory_space<hbm>> -> memref<1000x128xf32, #tpu.memory_space<hbm>>
        tpu.wait_dma2 semaphore(%run_scoped3A : memref<!tpu.dma_semaphore, #tpu.memory_space<semaphore_mem>>) src(%dma_wait3A_441 : memref<1000x128xf32, #tpu.memory_space<hbm>>) dst(%arg5 : memref<1000x128xf32, #tpu.memory_space<vmem>>)
        tpu.yield
      }) : () -> ()
      %mul3A_17 = arith.constant 128 : i32
      %mul3A_18 = arith.muli %scan3A_12, %mul3A_17 : i32
      %add3A_19 = arith.constant 0 : i32
      %add3A_20 = arith.addi %mul3A_18, %add3A_19 : i32
      %multiple_of3A = tpu.assume_multiple %add3A_20, 16 : i32
      %get3A = arith.index_cast %multiple_of3A : i32 to index
      %get3A_21 = tpu.vector_load %arg6[%get3A] {strides = array<i32>} : memref<256xi32, #tpu.memory_space<vmem>>, vector<16xi32>,
      %add3A_22 = arith.constant 0 : i32
      %add3A_23 = vector.broadcast %add3A_22 : i32 to vector<16xi32>
      %add3A_24 = arith.addi %iota3A, %add3A_23 : vector<16xi32>
      %gather3A = tpu.vector_load_idx %arg5[%get3A_21, %add3A_24] : memref<1000x128xf32, #tpu.memory_space<vmem>>[vector<16xi32>, vector<16xi32>], vector<16xf32>,
      %scan3A_25 = arith.constant 0 : i32
      %scan3A_26 = arith.constant 125 : i32
      %scan3A_27 = arith.addi %scan3A_25, %scan3A_26 : i32
      %scan3A_28 = arith.constant 1 : i32
      %scan3A_29:8 = scf.for %scan3A_436 = %scan3A_25 to %scan3A_27 step %scan3A_28 iter_args(%scan3A_437 = %broadcast_in_dim3A_3, %scan3A_438 = %broadcast_in_dim3A_5, %scan3A_439 = %broadcast_in_dim3A_5, %scan3A_440 = %broadcast_in_dim3A_5, %scan3A_441 = %broadcast_in_dim3A_5, %scan3A_442 = %broadcast_in_dim3A_5, %scan3A_443 = %broadcast_in_dim3A_5, %scan3A_444 = %broadcast_in_dim3A_5) -> (vector<16xf32>, vector<16xf32>, vector<16xf32>, vector<16xf32>, vector<16xf32>, vector<16xf32>, vector<16xf32>, vector<16xf32>)  : i32 {
        %mul3A_445 = arith.constant 8 : i32
        %mul3A_446 = arith.muli %scan3A_436, %mul3A_445 : i32
        %add3A_447 = arith.constant 0 : i32
        %add3A_448 = arith.addi %mul3A_446, %add3A_447 : i32
        %get3A_449 = arith.index_cast %add3A_448 : i32 to index
        %get3A_450 = arith.constant 0 : index
        %get3A_451 = tpu.vector_load %arg5[%get3A_449, %get3A_450] {strides = array<i32>} : memref<1000x128xf32, #tpu.memory_space<vmem>>, vector<16xf32>,
        %sub3A_452 = arith.subf %get3A_451, %gather3A : vector<16xf32>
        %max3A_453 = arith.constant 0.000000e+00 : f32
        %max3A_454 = vector.broadcast %max3A_453 : f32 to vector<16xf32>
        %max3A_455 = arith.maximumf %sub3A_452, %max3A_454 : vector<16xf32>
        %add3A_456 = arith.addf %scan3A_437, %max3A_455 : vector<16xf32>
        %mul3A_457 = arith.constant 8 : i32
        %mul3A_458 = arith.muli %scan3A_436, %mul3A_457 : i32
        %add3A_459 = arith.constant 1 : i32
        %add3A_460 = arith.addi %mul3A_458, %add3A_459 : i32
        %get3A_461 = arith.index_cast %add3A_460 : i32 to index
        %get3A_462 = arith.constant 0 : index
        %get3A_463 = tpu.vector_load %arg5[%get3A_461, %get3A_462] {strides = array<i32>} : memref<1000x128xf32, #tpu.memory_space<vmem>>, vector<16xf32>,
        %sub3A_464 = arith.subf %get3A_463, %gather3A : vector<16xf32>
        %max3A_465 = arith.constant 0.000000e+00 : f32
        %max3A_466 = vector.broadcast %max3A_465 : f32 to vector<16xf32>
        %max3A_467 = arith.maximumf %sub3A_464, %max3A_466 : vector<16xf32>
        %add3A_468 = arith.addf %add3A_456, %max3A_467 : vector<16xf32>
        %mul3A_469 = arith.constant 8 : i32
        %mul3A_470 = arith.muli %scan3A_436, %mul3A_469 : i32
        %add3A_471 = arith.constant 2 : i32
        %add3A_472 = arith.addi %mul3A_470, %add3A_471 : i32
        %get3A_473 = arith.index_cast %add3A_472 : i32 to index
        %get3A_474 = arith.constant 0 : index
        %get3A_475 = tpu.vector_load %arg5[%get3A_473, %get3A_474] {strides = array<i32>} : memref<1000x128xf32, #tpu.memory_space<vmem>>, vector<16xf32>,
        %sub3A_476 = arith.subf %get3A_475, %gather3A : vector<16xf32>
        %max3A_477 = arith.constant 0.000000e+00 : f32
        %max3A_478 = vector.broadcast %max3A_477 : f32 to vector<16xf32>
        %max3A_479 = arith.maximumf %sub3A_476, %max3A_478 : vector<16xf32>
        %add3A_480 = arith.addf %add3A_468, %max3A_479 : vector<16xf32>
        %mul3A_481 = arith.constant 8 : i32
        %mul3A_482 = arith.muli %scan3A_436, %mul3A_481 : i32
        %add3A_483 = arith.constant 3 : i32
        %add3A_484 = arith.addi %mul3A_482, %add3A_483 : i32
        %get3A_485 = arith.index_cast %add3A_484 : i32 to index
        %get3A_486 = arith.constant 0 : index
        %get3A_487 = tpu.vector_load %arg5[%get3A_485, %get3A_486] {strides = array<i32>} : memref<1000x128xf32, #tpu.memory_space<vmem>>, vector<16xf32>,
        %sub3A_488 = arith.subf %get3A_487, %gather3A : vector<16xf32>
        %max3A_489 = arith.constant 0.000000e+00 : f32
        %max3A_490 = vector.broadcast %max3A_489 : f32 to vector<16xf32>
        %max3A_491 = arith.maximumf %sub3A_488, %max3A_490 : vector<16xf32>
        %add3A_492 = arith.addf %add3A_480, %max3A_491 : vector<16xf32>
        %mul3A_493 = arith.constant 8 : i32
        %mul3A_494 = arith.muli %scan3A_436, %mul3A_493 : i32
        %add3A_495 = arith.constant 4 : i32
        %add3A_496 = arith.addi %mul3A_494, %add3A_495 : i32
        %get3A_497 = arith.index_cast %add3A_496 : i32 to index
        %get3A_498 = arith.constant 0 : index
        %get3A_499 = tpu.vector_load %arg5[%get3A_497, %get3A_498] {strides = array<i32>} : memref<1000x128xf32, #tpu.memory_space<vmem>>, vector<16xf32>,
        %sub3A_500 = arith.subf %get3A_499, %gather3A : vector<16xf32>
        %max3A_501 = arith.constant 0.000000e+00 : f32
        %max3A_502 = vector.broadcast %max3A_501 : f32 to vector<16xf32>
        %max3A_503 = arith.maximumf %sub3A_500, %max3A_502 : vector<16xf32>
        %add3A_504 = arith.addf %add3A_492, %max3A_503 : vector<16xf32>
        %mul3A_505 = arith.constant 8 : i32
        %mul3A_506 = arith.muli %scan3A_436, %mul3A_505 : i32
        %add3A_507 = arith.constant 5 : i32
        %add3A_508 = arith.addi %mul3A_506, %add3A_507 : i32
        %get3A_509 = arith.index_cast %add3A_508 : i32 to index
        %get3A_510 = arith.constant 0 : index
        %get3A_511 = tpu.vector_load %arg5[%get3A_509, %get3A_510] {strides = array<i32>} : memref<1000x128xf32, #tpu.memory_space<vmem>>, vector<16xf32>,
        %sub3A_512 = arith.subf %get3A_511, %gather3A : vector<16xf32>
        %max3A_513 = arith.constant 0.000000e+00 : f32
        %max3A_514 = vector.broadcast %max3A_513 : f32 to vector<16xf32>
        %max3A_515 = arith.maximumf %sub3A_512, %max3A_514 : vector<16xf32>
        %add3A_516 = arith.addf %add3A_504, %max3A_515 : vector<16xf32>
        %mul3A_517 = arith.constant 8 : i32
        %mul3A_518 = arith.muli %scan3A_436, %mul3A_517 : i32
        %add3A_519 = arith.constant 6 : i32
        %add3A_520 = arith.addi %mul3A_518, %add3A_519 : i32
        %get3A_521 = arith.index_cast %add3A_520 : i32 to index
        %get3A_522 = arith.constant 0 : index
        %get3A_523 = tpu.vector_load %arg5[%get3A_521, %get3A_522] {strides = array<i32>} : memref<1000x128xf32, #tpu.memory_space<vmem>>, vector<16xf32>,
        %sub3A_524 = arith.subf %get3A_523, %gather3A : vector<16xf32>
        %max3A_525 = arith.constant 0.000000e+00 : f32
        %max3A_526 = vector.broadcast %max3A_525 : f32 to vector<16xf32>
        %max3A_527 = arith.maximumf %sub3A_524, %max3A_526 : vector<16xf32>
        %add3A_528 = arith.addf %add3A_516, %max3A_527 : vector<16xf32>
        %mul3A_529 = arith.constant 8 : i32
        %mul3A_530 = arith.muli %scan3A_436, %mul3A_529 : i32
        %add3A_531 = arith.constant 7 : i32
        %add3A_532 = arith.addi %mul3A_530, %add3A_531 : i32
        %get3A_533 = arith.index_cast %add3A_532 : i32 to index
        %get3A_534 = arith.constant 0 : index
        %get3A_535 = tpu.vector_load %arg5[%get3A_533, %get3A_534] {strides = array<i32>} : memref<1000x128xf32, #tpu.memory_space<vmem>>, vector<16xf32>,
        %sub3A_536 = arith.subf %get3A_535, %gather3A : vector<16xf32>
        %max3A_537 = arith.constant 0.000000e+00 : f32
        %max3A_538 = vector.broadcast %max3A_537 : f32 to vector<16xf32>
        %max3A_539 = arith.maximumf %sub3A_536, %max3A_538 : vector<16xf32>
        %add3A_540 = arith.addf %add3A_528, %max3A_539 : vector<16xf32>
        %max3A_541 = arith.maximumf %get3A_451, %get3A_463 : vector<16xf32>
        %min3A = arith.minimumf %get3A_451, %get3A_463 : vector<16xf32>
        %max3A_542 = arith.maximumf %get3A_475, %get3A_487 : vector<16xf32>
        %min3A_543 = arith.minimumf %get3A_475, %get3A_487 : vector<16xf32>
        %max3A_544 = arith.maximumf %get3A_499, %get3A_511 : vector<16xf32>
        %min3A_545 = arith.minimumf %get3A_499, %get3A_511 : vector<16xf32>
        %max3A_546 = arith.maximumf %get3A_523, %get3A_535 : vector<16xf32>
        %min3A_547 = arith.minimumf %get3A_523, %get3A_535 : vector<16xf32>
        %max3A_548 = arith.maximumf %max3A_541, %max3A_542 : vector<16xf32>
        %min3A_549 = arith.minimumf %max3A_541, %max3A_542 : vector<16xf32>
        %max3A_550 = arith.maximumf %min3A, %min3A_543 : vector<16xf32>
        %min3A_551 = arith.minimumf %min3A, %min3A_543 : vector<16xf32>
        %max3A_552 = arith.maximumf %max3A_544, %max3A_546 : vector<16xf32>
        %min3A_553 = arith.minimumf %max3A_544, %max3A_546 : vector<16xf32>
        %max3A_554 = arith.maximumf %min3A_545, %min3A_547 : vector<16xf32>
        %min3A_555 = arith.minimumf %min3A_545, %min3A_547 : vector<16xf32>
        %max3A_556 = arith.maximumf %max3A_550, %min3A_549 : vector<16xf32>
        %min3A_557 = arith.minimumf %max3A_550, %min3A_549 : vector<16xf32>
        %max3A_558 = arith.maximumf %max3A_554, %min3A_553 : vector<16xf32>
        %min3A_559 = arith.minimumf %max3A_554, %min3A_553 : vector<16xf32>
        %max3A_560 = arith.maximumf %max3A_548, %max3A_552 : vector<16xf32>
        %min3A_561 = arith.minimumf %max3A_548, %max3A_552 : vector<16xf32>
        %max3A_562 = arith.maximumf %max3A_556, %max3A_558 : vector<16xf32>
        %min3A_563 = arith.minimumf %max3A_556, %max3A_558 : vector<16xf32>
        %max3A_564 = arith.maximumf %min3A_557, %min3A_559 : vector<16xf32>
        %min3A_565 = arith.minimumf %min3A_557, %min3A_559 : vector<16xf32>
        %max3A_566 = arith.maximumf %min3A_551, %min3A_555 : vector<16xf32>
        %min3A_567 = arith.minimumf %min3A_551, %min3A_555 : vector<16xf32>
        %max3A_568 = arith.maximumf %max3A_564, %min3A_561 : vector<16xf32>
        %min3A_569 = arith.minimumf %max3A_564, %min3A_561 : vector<16xf32>
        %max3A_570 = arith.maximumf %max3A_566, %min3A_563 : vector<16xf32>
        %min3A_571 = arith.minimumf %max3A_566, %min3A_563 : vector<16xf32>
        %max3A_572 = arith.maximumf %max3A_562, %max3A_568 : vector<16xf32>
        %min3A_573 = arith.minimumf %max3A_562, %max3A_568 : vector<16xf32>
        %max3A_574 = arith.maximumf %max3A_570, %min3A_569 : vector<16xf32>
        %min3A_575 = arith.minimumf %max3A_570, %min3A_569 : vector<16xf32>
        %max3A_576 = arith.maximumf %min3A_571, %min3A_565 : vector<16xf32>
        %min3A_577 = arith.minimumf %min3A_571, %min3A_565 : vector<16xf32>
        %max3A_578 = arith.maximumf %scan3A_438, %min3A_567 : vector<16xf32>
        %max3A_579 = arith.maximumf %scan3A_439, %min3A_577 : vector<16xf32>
        %max3A_580 = arith.maximumf %scan3A_440, %max3A_576 : vector<16xf32>
        %max3A_581 = arith.maximumf %scan3A_441, %min3A_575 : vector<16xf32>
        %max3A_582 = arith.maximumf %scan3A_442, %max3A_574 : vector<16xf32>
        %max3A_583 = arith.maximumf %scan3A_443, %min3A_573 : vector<16xf32>
        %max3A_584 = arith.maximumf %scan3A_444, %max3A_572 : vector<16xf32>
        %max3A_585 = arith.maximumf %max3A_578, %max3A_582 : vector<16xf32>
        %min3A_586 = arith.minimumf %max3A_578, %max3A_582 : vector<16xf32>
        %max3A_587 = arith.maximumf %max3A_579, %max3A_583 : vector<16xf32>
        %min3A_588 = arith.minimumf %max3A_579, %max3A_583 : vector<16xf32>
        %max3A_589 = arith.maximumf %max3A_580, %max3A_584 : vector<16xf32>
        %min3A_590 = arith.minimumf %max3A_580, %max3A_584 : vector<16xf32>
        %max3A_591 = arith.maximumf %max3A_581, %max3A_560 : vector<16xf32>
        %min3A_592 = arith.minimumf %max3A_581, %max3A_560 : vector<16xf32>
        %max3A_593 = arith.maximumf %max3A_585, %max3A_589 : vector<16xf32>
        %min3A_594 = arith.minimumf %max3A_585, %max3A_589 : vector<16xf32>
        %max3A_595 = arith.maximumf %max3A_587, %max3A_591 : vector<16xf32>
        %min3A_596 = arith.minimumf %max3A_587, %max3A_591 : vector<16xf32>
        %max3A_597 = arith.maximumf %min3A_586, %min3A_590 : vector<16xf32>
        %min3A_598 = arith.minimumf %min3A_586, %min3A_590 : vector<16xf32>
        %max3A_599 = arith.maximumf %min3A_588, %min3A_592 : vector<16xf32>
        %min3A_600 = arith.minimumf %min3A_588, %min3A_592 : vector<16xf32>
        %max3A_601 = arith.maximumf %max3A_593, %max3A_595 : vector<16xf32>
        %min3A_602 = arith.minimumf %max3A_593, %max3A_595 : vector<16xf32>
        %max3A_603 = arith.maximumf %min3A_594, %min3A_596 : vector<16xf32>
        %min3A_604 = arith.minimumf %min3A_594, %min3A_596 : vector<16xf32>
        %max3A_605 = arith.maximumf %max3A_597, %max3A_599 : vector<16xf32>
        %min3A_606 = arith.minimumf %max3A_597, %max3A_599 : vector<16xf32>
        %max3A_607 = arith.maximumf %min3A_598, %min3A_600 : vector<16xf32>
        %min3A_608 = arith.minimumf %min3A_598, %min3A_600 : vector<16xf32>
        scf.yield %add3A_540, %max3A_601, %min3A_602, %max3A_603, %min3A_604, %max3A_605, %min3A_606, %max3A_607 : vector<16xf32>, vector<16xf32>, vector<16xf32>, vector<16xf32>, vector<16xf32>, vector<16xf32>, vector<16xf32>, vector<16xf32>
      }
      %scan3A_30 = arith.constant 125 : i32
      %sub3A = arith.subf %scan3A_29#1, %gather3A : vector<16xf32>
      %max3A = arith.constant 0.000000e+00 : f32
      %max3A_31 = vector.broadcast %max3A : f32 to vector<16xf32>
      %max3A_32 = arith.maximumf %sub3A, %max3A_31 : vector<16xf32>
      %sub3A_33 = arith.subf %scan3A_29#0, %max3A_32 : vector<16xf32>
      %sub3A_34 = arith.subf %scan3A_29#2, %gather3A : vector<16xf32>
      %max3A_35 = arith.constant 0.000000e+00 : f32
      %max3A_36 = vector.broadcast %max3A_35 : f32 to vector<16xf32>
      %max3A_37 = arith.maximumf %sub3A_34, %max3A_36 : vector<16xf32>
      %sub3A_38 = arith.subf %sub3A_33, %max3A_37 : vector<16xf32>
      %sub3A_39 = arith.subf %scan3A_29#3, %gather3A : vector<16xf32>
      %max3A_40 = arith.constant 0.000000e+00 : f32
      %max3A_41 = vector.broadcast %max3A_40 : f32 to vector<16xf32>
      %max3A_42 = arith.maximumf %sub3A_39, %max3A_41 : vector<16xf32>
      %sub3A_43 = arith.subf %sub3A_38, %max3A_42 : vector<16xf32>
      %sub3A_44 = arith.subf %scan3A_29#4, %gather3A : vector<16xf32>
      %max3A_45 = arith.constant 0.000000e+00 : f32
      %max3A_46 = vector.broadcast %max3A_45 : f32 to vector<16xf32>
      %max3A_47 = arith.maximumf %sub3A_44, %max3A_46 : vector<16xf32>
      %sub3A_48 = arith.subf %sub3A_43, %max3A_47 : vector<16xf32>
      %sub3A_49 = arith.subf %scan3A_29#5, %gather3A : vector<16xf32>
      %max3A_50 = arith.constant 0.000000e+00 : f32
      %max3A_51 = vector.broadcast %max3A_50 : f32 to vector<16xf32>
      %max3A_52 = arith.maximumf %sub3A_49, %max3A_51 : vector<16xf32>
      %sub3A_53 = arith.subf %sub3A_48, %max3A_52 : vector<16xf32>
      %sub3A_54 = arith.subf %scan3A_29#6, %gather3A : vector<16xf32>
      %max3A_55 = arith.constant 0.000000e+00 : f32
      %max3A_56 = vector.broadcast %max3A_55 : f32 to vector<16xf32>
      %max3A_57 = arith.maximumf %sub3A_54, %max3A_56 : vector<16xf32>
      %sub3A_58 = arith.subf %sub3A_53, %max3A_57 : vector<16xf32>
      %sub3A_59 = arith.subf %scan3A_29#7, %gather3A : vector<16xf32>
      %max3A_60 = arith.constant 0.000000e+00 : f32
      %max3A_61 = vector.broadcast %max3A_60 : f32 to vector<16xf32>
      %max3A_62 = arith.maximumf %sub3A_59, %max3A_61 : vector<16xf32>
      %sub3A_63 = arith.subf %sub3A_58, %max3A_62 : vector<16xf32>
      %add3A_64 = arith.addf %scan3A_13, %sub3A_63 : vector<16xf32>
      %mul3A_65 = arith.constant 128 : i32
      %mul3A_66 = arith.muli %scan3A_12, %mul3A_65 : i32
      %add3A_67 = arith.constant 16 : i32
      %add3A_68 = arith.addi %mul3A_66, %add3A_67 : i32
      %multiple_of3A_69 = tpu.assume_multiple %add3A_68, 16 : i32
      %get3A_70 = arith.index_cast %multiple_of3A_69 : i32 to index
      %get3A_71 = tpu.vector_load %arg6[%get3A_70] {strides = array<i32>} : memref<256xi32, #tpu.memory_space<vmem>>, vector<16xi32>,
      %add3A_72 = arith.constant 16 : i32
      %add3A_73 = vector.broadcast %add3A_72 : i32 to vector<16xi32>
      %add3A_74 = arith.addi %iota3A, %add3A_73 : vector<16xi32>
      %gather3A_75 = tpu.vector_load_idx %arg5[%get3A_71, %add3A_74] : memref<1000x128xf32, #tpu.memory_space<vmem>>[vector<16xi32>, vector<16xi32>], vector<16xf32>,
      %scan3A_76 = arith.constant 0 : i32
      %scan3A_77 = arith.constant 125 : i32
      %scan3A_78 = arith.addi %scan3A_76, %scan3A_77 : i32
      %scan3A_79 = arith.constant 1 : i32
      %scan3A_80:8 = scf.for %scan3A_436 = %scan3A_76 to %scan3A_78 step %scan3A_79 iter_args(%scan3A_437 = %broadcast_in_dim3A_3, %scan3A_438 = %broadcast_in_dim3A_5, %scan3A_439 = %broadcast_in_dim3A_5, %scan3A_440 = %broadcast_in_dim3A_5, %scan3A_441 = %broadcast_in_dim3A_5, %scan3A_442 = %broadcast_in_dim3A_5, %scan3A_443 = %broadcast_in_dim3A_5, %scan3A_444 = %broadcast_in_dim3A_5) -> (vector<16xf32>, vector<16xf32>, vector<16xf32>, vector<16xf32>, vector<16xf32>, vector<16xf32>, vector<16xf32>, vector<16xf32>)  : i32 {
        %mul3A_445 = arith.constant 8 : i32
        %mul3A_446 = arith.muli %scan3A_436, %mul3A_445 : i32
        %add3A_447 = arith.constant 0 : i32
        %add3A_448 = arith.addi %mul3A_446, %add3A_447 : i32
        %get3A_449 = arith.index_cast %add3A_448 : i32 to index
        %get3A_450 = arith.constant 16 : index
        %get3A_451 = tpu.vector_load %arg5[%get3A_449, %get3A_450] {strides = array<i32>} : memref<1000x128xf32, #tpu.memory_space<vmem>>, vector<16xf32>,
        %sub3A_452 = arith.subf %get3A_451, %gather3A_75 : vector<16xf32>
        %max3A_453 = arith.constant 0.000000e+00 : f32
        %max3A_454 = vector.broadcast %max3A_453 : f32 to vector<16xf32>
        %max3A_455 = arith.maximumf %sub3A_452, %max3A_454 : vector<16xf32>
        %add3A_456 = arith.addf %scan3A_437, %max3A_455 : vector<16xf32>
        %mul3A_457 = arith.constant 8 : i32
        %mul3A_458 = arith.muli %scan3A_436, %mul3A_457 : i32
        %add3A_459 = arith.constant 1 : i32
        %add3A_460 = arith.addi %mul3A_458, %add3A_459 : i32
        %get3A_461 = arith.index_cast %add3A_460 : i32 to index
        %get3A_462 = arith.constant 16 : index
        %get3A_463 = tpu.vector_load %arg5[%get3A_461, %get3A_462] {strides = array<i32>} : memref<1000x128xf32, #tpu.memory_space<vmem>>, vector<16xf32>,
        %sub3A_464 = arith.subf %get3A_463, %gather3A_75 : vector<16xf32>
        %max3A_465 = arith.constant 0.000000e+00 : f32
        %max3A_466 = vector.broadcast %max3A_465 : f32 to vector<16xf32>
        %max3A_467 = arith.maximumf %sub3A_464, %max3A_466 : vector<16xf32>
        %add3A_468 = arith.addf %add3A_456, %max3A_467 : vector<16xf32>
        %mul3A_469 = arith.constant 8 : i32
        %mul3A_470 = arith.muli %scan3A_436, %mul3A_469 : i32
        %add3A_471 = arith.constant 2 : i32
        %add3A_472 = arith.addi %mul3A_470, %add3A_471 : i32
        %get3A_473 = arith.index_cast %add3A_472 : i32 to index
        %get3A_474 = arith.constant 16 : index
        %get3A_475 = tpu.vector_load %arg5[%get3A_473, %get3A_474] {strides = array<i32>} : memref<1000x128xf32, #tpu.memory_space<vmem>>, vector<16xf32>,
        %sub3A_476 = arith.subf %get3A_475, %gather3A_75 : vector<16xf32>
        %max3A_477 = arith.constant 0.000000e+00 : f32
        %max3A_478 = vector.broadcast %max3A_477 : f32 to vector<16xf32>
        %max3A_479 = arith.maximumf %sub3A_476, %max3A_478 : vector<16xf32>
        %add3A_480 = arith.addf %add3A_468, %max3A_479 : vector<16xf32>
        %mul3A_481 = arith.constant 8 : i32
        %mul3A_482 = arith.muli %scan3A_436, %mul3A_481 : i32
        %add3A_483 = arith.constant 3 : i32
        %add3A_484 = arith.addi %mul3A_482, %add3A_483 : i32
        %get3A_485 = arith.index_cast %add3A_484 : i32 to index
        %get3A_486 = arith.constant 16 : index
        %get3A_487 = tpu.vector_load %arg5[%get3A_485, %get3A_486] {strides = array<i32>} : memref<1000x128xf32, #tpu.memory_space<vmem>>, vector<16xf32>,
        %sub3A_488 = arith.subf %get3A_487, %gather3A_75 : vector<16xf32>
        %max3A_489 = arith.constant 0.000000e+00 : f32
        %max3A_490 = vector.broadcast %max3A_489 : f32 to vector<16xf32>
        %max3A_491 = arith.maximumf %sub3A_488, %max3A_490 : vector<16xf32>
        %add3A_492 = arith.addf %add3A_480, %max3A_491 : vector<16xf32>
        %mul3A_493 = arith.constant 8 : i32
        %mul3A_494 = arith.muli %scan3A_436, %mul3A_493 : i32
        %add3A_495 = arith.constant 4 : i32
        %add3A_496 = arith.addi %mul3A_494, %add3A_495 : i32
        %get3A_497 = arith.index_cast %add3A_496 : i32 to index
        %get3A_498 = arith.constant 16 : index
        %get3A_499 = tpu.vector_load %arg5[%get3A_497, %get3A_498] {strides = array<i32>} : memref<1000x128xf32, #tpu.memory_space<vmem>>, vector<16xf32>,
        %sub3A_500 = arith.subf %get3A_499, %gather3A_75 : vector<16xf32>
        %max3A_501 = arith.constant 0.000000e+00 : f32
        %max3A_502 = vector.broadcast %max3A_501 : f32 to vector<16xf32>
        %max3A_503 = arith.maximumf %sub3A_500, %max3A_502 : vector<16xf32>
        %add3A_504 = arith.addf %add3A_492, %max3A_503 : vector<16xf32>
        %mul3A_505 = arith.constant 8 : i32
        %mul3A_506 = arith.muli %scan3A_436, %mul3A_505 : i32
        %add3A_507 = arith.constant 5 : i32
        %add3A_508 = arith.addi %mul3A_506, %add3A_507 : i32
        %get3A_509 = arith.index_cast %add3A_508 : i32 to index
        %get3A_510 = arith.constant 16 : index
        %get3A_511 = tpu.vector_load %arg5[%get3A_509, %get3A_510] {strides = array<i32>} : memref<1000x128xf32, #tpu.memory_space<vmem>>, vector<16xf32>,
        %sub3A_512 = arith.subf %get3A_511, %gather3A_75 : vector<16xf32>
        %max3A_513 = arith.constant 0.000000e+00 : f32
        %max3A_514 = vector.broadcast %max3A_513 : f32 to vector<16xf32>
        %max3A_515 = arith.maximumf %sub3A_512, %max3A_514 : vector<16xf32>
        %add3A_516 = arith.addf %add3A_504, %max3A_515 : vector<16xf32>
        %mul3A_517 = arith.constant 8 : i32
        %mul3A_518 = arith.muli %scan3A_436, %mul3A_517 : i32
        %add3A_519 = arith.constant 6 : i32
        %add3A_520 = arith.addi %mul3A_518, %add3A_519 : i32
        %get3A_521 = arith.index_cast %add3A_520 : i32 to index
        %get3A_522 = arith.constant 16 : index
        %get3A_523 = tpu.vector_load %arg5[%get3A_521, %get3A_522] {strides = array<i32>} : memref<1000x128xf32, #tpu.memory_space<vmem>>, vector<16xf32>,
        %sub3A_524 = arith.subf %get3A_523, %gather3A_75 : vector<16xf32>
        %max3A_525 = arith.constant 0.000000e+00 : f32
        %max3A_526 = vector.broadcast %max3A_525 : f32 to vector<16xf32>
        %max3A_527 = arith.maximumf %sub3A_524, %max3A_526 : vector<16xf32>
        %add3A_528 = arith.addf %add3A_516, %max3A_527 : vector<16xf32>
        %mul3A_529 = arith.constant 8 : i32
        %mul3A_530 = arith.muli %scan3A_436, %mul3A_529 : i32
        %add3A_531 = arith.constant 7 : i32
        %add3A_532 = arith.addi %mul3A_530, %add3A_531 : i32
        %get3A_533 = arith.index_cast %add3A_532 : i32 to index
        %get3A_534 = arith.constant 16 : index
        %get3A_535 = tpu.vector_load %arg5[%get3A_533, %get3A_534] {strides = array<i32>} : memref<1000x128xf32, #tpu.memory_space<vmem>>, vector<16xf32>,
        %sub3A_536 = arith.subf %get3A_535, %gather3A_75 : vector<16xf32>
        %max3A_537 = arith.constant 0.000000e+00 : f32
        %max3A_538 = vector.broadcast %max3A_537 : f32 to vector<16xf32>
        %max3A_539 = arith.maximumf %sub3A_536, %max3A_538 : vector<16xf32>
        %add3A_540 = arith.addf %add3A_528, %max3A_539 : vector<16xf32>
        %max3A_541 = arith.maximumf %get3A_451, %get3A_463 : vector<16xf32>
        %min3A = arith.minimumf %get3A_451, %get3A_463 : vector<16xf32>
        %max3A_542 = arith.maximumf %get3A_475, %get3A_487 : vector<16xf32>
        %min3A_543 = arith.minimumf %get3A_475, %get3A_487 : vector<16xf32>
        %max3A_544 = arith.maximumf %get3A_499, %get3A_511 : vector<16xf32>
        %min3A_545 = arith.minimumf %get3A_499, %get3A_511 : vector<16xf32>
        %max3A_546 = arith.maximumf %get3A_523, %get3A_535 : vector<16xf32>
        %min3A_547 = arith.minimumf %get3A_523, %get3A_535 : vector<16xf32>
        %max3A_548 = arith.maximumf %max3A_541, %max3A_542 : vector<16xf32>
        %min3A_549 = arith.minimumf %max3A_541, %max3A_542 : vector<16xf32>
        %max3A_550 = arith.maximumf %min3A, %min3A_543 : vector<16xf32>
        %min3A_551 = arith.minimumf %min3A, %min3A_543 : vector<16xf32>
        %max3A_552 = arith.maximumf %max3A_544, %max3A_546 : vector<16xf32>
        %min3A_553 = arith.minimumf %max3A_544, %max3A_546 : vector<16xf32>
        %max3A_554 = arith.maximumf %min3A_545, %min3A_547 : vector<16xf32>
        %min3A_555 = arith.minimumf %min3A_545, %min3A_547 : vector<16xf32>
        %max3A_556 = arith.maximumf %max3A_550, %min3A_549 : vector<16xf32>
        %min3A_557 = arith.minimumf %max3A_550, %min3A_549 : vector<16xf32>
        %max3A_558 = arith.maximumf %max3A_554, %min3A_553 : vector<16xf32>
        %min3A_559 = arith.minimumf %max3A_554, %min3A_553 : vector<16xf32>
        %max3A_560 = arith.maximumf %max3A_548, %max3A_552 : vector<16xf32>
        %min3A_561 = arith.minimumf %max3A_548, %max3A_552 : vector<16xf32>
        %max3A_562 = arith.maximumf %max3A_556, %max3A_558 : vector<16xf32>
        %min3A_563 = arith.minimumf %max3A_556, %max3A_558 : vector<16xf32>
        %max3A_564 = arith.maximumf %min3A_557, %min3A_559 : vector<16xf32>
        %min3A_565 = arith.minimumf %min3A_557, %min3A_559 : vector<16xf32>
        %max3A_566 = arith.maximumf %min3A_551, %min3A_555 : vector<16xf32>
        %min3A_567 = arith.minimumf %min3A_551, %min3A_555 : vector<16xf32>
        %max3A_568 = arith.maximumf %max3A_564, %min3A_561 : vector<16xf32>
        %min3A_569 = arith.minimumf %max3A_564, %min3A_561 : vector<16xf32>
        %max3A_570 = arith.maximumf %max3A_566, %min3A_563 : vector<16xf32>
        %min3A_571 = arith.minimumf %max3A_566, %min3A_563 : vector<16xf32>
        %max3A_572 = arith.maximumf %max3A_562, %max3A_568 : vector<16xf32>
        %min3A_573 = arith.minimumf %max3A_562, %max3A_568 : vector<16xf32>
        %max3A_574 = arith.maximumf %max3A_570, %min3A_569 : vector<16xf32>
        %min3A_575 = arith.minimumf %max3A_570, %min3A_569 : vector<16xf32>
        %max3A_576 = arith.maximumf %min3A_571, %min3A_565 : vector<16xf32>
        %min3A_577 = arith.minimumf %min3A_571, %min3A_565 : vector<16xf32>
        %max3A_578 = arith.maximumf %scan3A_438, %min3A_567 : vector<16xf32>
        %max3A_579 = arith.maximumf %scan3A_439, %min3A_577 : vector<16xf32>
        %max3A_580 = arith.maximumf %scan3A_440, %max3A_576 : vector<16xf32>
        %max3A_581 = arith.maximumf %scan3A_441, %min3A_575 : vector<16xf32>
        %max3A_582 = arith.maximumf %scan3A_442, %max3A_574 : vector<16xf32>
        %max3A_583 = arith.maximumf %scan3A_443, %min3A_573 : vector<16xf32>
        %max3A_584 = arith.maximumf %scan3A_444, %max3A_572 : vector<16xf32>
        %max3A_585 = arith.maximumf %max3A_578, %max3A_582 : vector<16xf32>
        %min3A_586 = arith.minimumf %max3A_578, %max3A_582 : vector<16xf32>
        %max3A_587 = arith.maximumf %max3A_579, %max3A_583 : vector<16xf32>
        %min3A_588 = arith.minimumf %max3A_579, %max3A_583 : vector<16xf32>
        %max3A_589 = arith.maximumf %max3A_580, %max3A_584 : vector<16xf32>
        %min3A_590 = arith.minimumf %max3A_580, %max3A_584 : vector<16xf32>
        %max3A_591 = arith.maximumf %max3A_581, %max3A_560 : vector<16xf32>
        %min3A_592 = arith.minimumf %max3A_581, %max3A_560 : vector<16xf32>
        %max3A_593 = arith.maximumf %max3A_585, %max3A_589 : vector<16xf32>
        %min3A_594 = arith.minimumf %max3A_585, %max3A_589 : vector<16xf32>
        %max3A_595 = arith.maximumf %max3A_587, %max3A_591 : vector<16xf32>
        %min3A_596 = arith.minimumf %max3A_587, %max3A_591 : vector<16xf32>
        %max3A_597 = arith.maximumf %min3A_586, %min3A_590 : vector<16xf32>
        %min3A_598 = arith.minimumf %min3A_586, %min3A_590 : vector<16xf32>
        %max3A_599 = arith.maximumf %min3A_588, %min3A_592 : vector<16xf32>
        %min3A_600 = arith.minimumf %min3A_588, %min3A_592 : vector<16xf32>
        %max3A_601 = arith.maximumf %max3A_593, %max3A_595 : vector<16xf32>
        %min3A_602 = arith.minimumf %max3A_593, %max3A_595 : vector<16xf32>
        %max3A_603 = arith.maximumf %min3A_594, %min3A_596 : vector<16xf32>
        %min3A_604 = arith.minimumf %min3A_594, %min3A_596 : vector<16xf32>
        %max3A_605 = arith.maximumf %max3A_597, %max3A_599 : vector<16xf32>
        %min3A_606 = arith.minimumf %max3A_597, %max3A_599 : vector<16xf32>
        %max3A_607 = arith.maximumf %min3A_598, %min3A_600 : vector<16xf32>
        %min3A_608 = arith.minimumf %min3A_598, %min3A_600 : vector<16xf32>
        scf.yield %add3A_540, %max3A_601, %min3A_602, %max3A_603, %min3A_604, %max3A_605, %min3A_606, %max3A_607 : vector<16xf32>, vector<16xf32>, vector<16xf32>, vector<16xf32>, vector<16xf32>, vector<16xf32>, vector<16xf32>, vector<16xf32>
      }
      %scan3A_81 = arith.constant 125 : i32
      %sub3A_82 = arith.subf %scan3A_80#1, %gather3A_75 : vector<16xf32>
      %max3A_83 = arith.constant 0.000000e+00 : f32
      %max3A_84 = vector.broadcast %max3A_83 : f32 to vector<16xf32>
      %max3A_85 = arith.maximumf %sub3A_82, %max3A_84 : vector<16xf32>
      %sub3A_86 = arith.subf %scan3A_80#0, %max3A_85 : vector<16xf32>
      %sub3A_87 = arith.subf %scan3A_80#2, %gather3A_75 : vector<16xf32>
      %max3A_88 = arith.constant 0.000000e+00 : f32
      %max3A_89 = vector.broadcast %max3A_88 : f32 to vector<16xf32>
      %max3A_90 = arith.maximumf %sub3A_87, %max3A_89 : vector<16xf32>
      %sub3A_91 = arith.subf %sub3A_86, %max3A_90 : vector<16xf32>
      %sub3A_92 = arith.subf %scan3A_80#3, %gather3A_75 : vector<16xf32>
      %max3A_93 = arith.constant 0.000000e+00 : f32
      %max3A_94 = vector.broadcast %max3A_93 : f32 to vector<16xf32>
      %max3A_95 = arith.maximumf %sub3A_92, %max3A_94 : vector<16xf32>
      %sub3A_96 = arith.subf %sub3A_91, %max3A_95 : vector<16xf32>
      %sub3A_97 = arith.subf %scan3A_80#4, %gather3A_75 : vector<16xf32>
      %max3A_98 = arith.constant 0.000000e+00 : f32
      %max3A_99 = vector.broadcast %max3A_98 : f32 to vector<16xf32>
      %max3A_100 = arith.maximumf %sub3A_97, %max3A_99 : vector<16xf32>
      %sub3A_101 = arith.subf %sub3A_96, %max3A_100 : vector<16xf32>
      %sub3A_102 = arith.subf %scan3A_80#5, %gather3A_75 : vector<16xf32>
      %max3A_103 = arith.constant 0.000000e+00 : f32
      %max3A_104 = vector.broadcast %max3A_103 : f32 to vector<16xf32>
      %max3A_105 = arith.maximumf %sub3A_102, %max3A_104 : vector<16xf32>
      %sub3A_106 = arith.subf %sub3A_101, %max3A_105 : vector<16xf32>
      %sub3A_107 = arith.subf %scan3A_80#6, %gather3A_75 : vector<16xf32>
      %max3A_108 = arith.constant 0.000000e+00 : f32
      %max3A_109 = vector.broadcast %max3A_108 : f32 to vector<16xf32>
      %max3A_110 = arith.maximumf %sub3A_107, %max3A_109 : vector<16xf32>
      %sub3A_111 = arith.subf %sub3A_106, %max3A_110 : vector<16xf32>
      %sub3A_112 = arith.subf %scan3A_80#7, %gather3A_75 : vector<16xf32>
      %max3A_113 = arith.constant 0.000000e+00 : f32
      %max3A_114 = vector.broadcast %max3A_113 : f32 to vector<16xf32>
      %max3A_115 = arith.maximumf %sub3A_112, %max3A_114 : vector<16xf32>
      %sub3A_116 = arith.subf %sub3A_111, %max3A_115 : vector<16xf32>
      %add3A_117 = arith.addf %add3A_64, %sub3A_116 : vector<16xf32>
      %mul3A_118 = arith.constant 128 : i32
      %mul3A_119 = arith.muli %scan3A_12, %mul3A_118 : i32
      %add3A_120 = arith.constant 32 : i32
      %add3A_121 = arith.addi %mul3A_119, %add3A_120 : i32
      %multiple_of3A_122 = tpu.assume_multiple %add3A_121, 16 : i32
      %get3A_123 = arith.index_cast %multiple_of3A_122 : i32 to index
      %get3A_124 = tpu.vector_load %arg6[%get3A_123] {strides = array<i32>} : memref<256xi32, #tpu.memory_space<vmem>>, vector<16xi32>,
      %add3A_125 = arith.constant 32 : i32
      %add3A_126 = vector.broadcast %add3A_125 : i32 to vector<16xi32>
      %add3A_127 = arith.addi %iota3A, %add3A_126 : vector<16xi32>
      %gather3A_128 = tpu.vector_load_idx %arg5[%get3A_124, %add3A_127] : memref<1000x128xf32, #tpu.memory_space<vmem>>[vector<16xi32>, vector<16xi32>], vector<16xf32>,
      %scan3A_129 = arith.constant 0 : i32
      %scan3A_130 = arith.constant 125 : i32
      %scan3A_131 = arith.addi %scan3A_129, %scan3A_130 : i32
      %scan3A_132 = arith.constant 1 : i32
      %scan3A_133:8 = scf.for %scan3A_436 = %scan3A_129 to %scan3A_131 step %scan3A_132 iter_args(%scan3A_437 = %broadcast_in_dim3A_3, %scan3A_438 = %broadcast_in_dim3A_5, %scan3A_439 = %broadcast_in_dim3A_5, %scan3A_440 = %broadcast_in_dim3A_5, %scan3A_441 = %broadcast_in_dim3A_5, %scan3A_442 = %broadcast_in_dim3A_5, %scan3A_443 = %broadcast_in_dim3A_5, %scan3A_444 = %broadcast_in_dim3A_5) -> (vector<16xf32>, vector<16xf32>, vector<16xf32>, vector<16xf32>, vector<16xf32>, vector<16xf32>, vector<16xf32>, vector<16xf32>)  : i32 {
        %mul3A_445 = arith.constant 8 : i32
        %mul3A_446 = arith.muli %scan3A_436, %mul3A_445 : i32
        %add3A_447 = arith.constant 0 : i32
        %add3A_448 = arith.addi %mul3A_446, %add3A_447 : i32
        %get3A_449 = arith.index_cast %add3A_448 : i32 to index
        %get3A_450 = arith.constant 32 : index
        %get3A_451 = tpu.vector_load %arg5[%get3A_449, %get3A_450] {strides = array<i32>} : memref<1000x128xf32, #tpu.memory_space<vmem>>, vector<16xf32>,
        %sub3A_452 = arith.subf %get3A_451, %gather3A_128 : vector<16xf32>
        %max3A_453 = arith.constant 0.000000e+00 : f32
        %max3A_454 = vector.broadcast %max3A_453 : f32 to vector<16xf32>
        %max3A_455 = arith.maximumf %sub3A_452, %max3A_454 : vector<16xf32>
        %add3A_456 = arith.addf %scan3A_437, %max3A_455 : vector<16xf32>
        %mul3A_457 = arith.constant 8 : i32
        %mul3A_458 = arith.muli %scan3A_436, %mul3A_457 : i32
        %add3A_459 = arith.constant 1 : i32
        %add3A_460 = arith.addi %mul3A_458, %add3A_459 : i32
        %get3A_461 = arith.index_cast %add3A_460 : i32 to index
        %get3A_462 = arith.constant 32 : index
        %get3A_463 = tpu.vector_load %arg5[%get3A_461, %get3A_462] {strides = array<i32>} : memref<1000x128xf32, #tpu.memory_space<vmem>>, vector<16xf32>,
        %sub3A_464 = arith.subf %get3A_463, %gather3A_128 : vector<16xf32>
        %max3A_465 = arith.constant 0.000000e+00 : f32
        %max3A_466 = vector.broadcast %max3A_465 : f32 to vector<16xf32>
        %max3A_467 = arith.maximumf %sub3A_464, %max3A_466 : vector<16xf32>
        %add3A_468 = arith.addf %add3A_456, %max3A_467 : vector<16xf32>
        %mul3A_469 = arith.constant 8 : i32
        %mul3A_470 = arith.muli %scan3A_436, %mul3A_469 : i32
        %add3A_471 = arith.constant 2 : i32
        %add3A_472 = arith.addi %mul3A_470, %add3A_471 : i32
        %get3A_473 = arith.index_cast %add3A_472 : i32 to index
        %get3A_474 = arith.constant 32 : index
        %get3A_475 = tpu.vector_load %arg5[%get3A_473, %get3A_474] {strides = array<i32>} : memref<1000x128xf32, #tpu.memory_space<vmem>>, vector<16xf32>,
        %sub3A_476 = arith.subf %get3A_475, %gather3A_128 : vector<16xf32>
        %max3A_477 = arith.constant 0.000000e+00 : f32
        %max3A_478 = vector.broadcast %max3A_477 : f32 to vector<16xf32>
        %max3A_479 = arith.maximumf %sub3A_476, %max3A_478 : vector<16xf32>
        %add3A_480 = arith.addf %add3A_468, %max3A_479 : vector<16xf32>
        %mul3A_481 = arith.constant 8 : i32
        %mul3A_482 = arith.muli %scan3A_436, %mul3A_481 : i32
        %add3A_483 = arith.constant 3 : i32
        %add3A_484 = arith.addi %mul3A_482, %add3A_483 : i32
        %get3A_485 = arith.index_cast %add3A_484 : i32 to index
        %get3A_486 = arith.constant 32 : index
        %get3A_487 = tpu.vector_load %arg5[%get3A_485, %get3A_486] {strides = array<i32>} : memref<1000x128xf32, #tpu.memory_space<vmem>>, vector<16xf32>,
        %sub3A_488 = arith.subf %get3A_487, %gather3A_128 : vector<16xf32>
        %max3A_489 = arith.constant 0.000000e+00 : f32
        %max3A_490 = vector.broadcast %max3A_489 : f32 to vector<16xf32>
        %max3A_491 = arith.maximumf %sub3A_488, %max3A_490 : vector<16xf32>
        %add3A_492 = arith.addf %add3A_480, %max3A_491 : vector<16xf32>
        %mul3A_493 = arith.constant 8 : i32
        %mul3A_494 = arith.muli %scan3A_436, %mul3A_493 : i32
        %add3A_495 = arith.constant 4 : i32
        %add3A_496 = arith.addi %mul3A_494, %add3A_495 : i32
        %get3A_497 = arith.index_cast %add3A_496 : i32 to index
        %get3A_498 = arith.constant 32 : index
        %get3A_499 = tpu.vector_load %arg5[%get3A_497, %get3A_498] {strides = array<i32>} : memref<1000x128xf32, #tpu.memory_space<vmem>>, vector<16xf32>,
        %sub3A_500 = arith.subf %get3A_499, %gather3A_128 : vector<16xf32>
        %max3A_501 = arith.constant 0.000000e+00 : f32
        %max3A_502 = vector.broadcast %max3A_501 : f32 to vector<16xf32>
        %max3A_503 = arith.maximumf %sub3A_500, %max3A_502 : vector<16xf32>
        %add3A_504 = arith.addf %add3A_492, %max3A_503 : vector<16xf32>
        %mul3A_505 = arith.constant 8 : i32
        %mul3A_506 = arith.muli %scan3A_436, %mul3A_505 : i32
        %add3A_507 = arith.constant 5 : i32
        %add3A_508 = arith.addi %mul3A_506, %add3A_507 : i32
        %get3A_509 = arith.index_cast %add3A_508 : i32 to index
        %get3A_510 = arith.constant 32 : index
        %get3A_511 = tpu.vector_load %arg5[%get3A_509, %get3A_510] {strides = array<i32>} : memref<1000x128xf32, #tpu.memory_space<vmem>>, vector<16xf32>,
        %sub3A_512 = arith.subf %get3A_511, %gather3A_128 : vector<16xf32>
        %max3A_513 = arith.constant 0.000000e+00 : f32
        %max3A_514 = vector.broadcast %max3A_513 : f32 to vector<16xf32>
        %max3A_515 = arith.maximumf %sub3A_512, %max3A_514 : vector<16xf32>
        %add3A_516 = arith.addf %add3A_504, %max3A_515 : vector<16xf32>
        %mul3A_517 = arith.constant 8 : i32
        %mul3A_518 = arith.muli %scan3A_436, %mul3A_517 : i32
        %add3A_519 = arith.constant 6 : i32
        %add3A_520 = arith.addi %mul3A_518, %add3A_519 : i32
        %get3A_521 = arith.index_cast %add3A_520 : i32 to index
        %get3A_522 = arith.constant 32 : index
        %get3A_523 = tpu.vector_load %arg5[%get3A_521, %get3A_522] {strides = array<i32>} : memref<1000x128xf32, #tpu.memory_space<vmem>>, vector<16xf32>,
        %sub3A_524 = arith.subf %get3A_523, %gather3A_128 : vector<16xf32>
        %max3A_525 = arith.constant 0.000000e+00 : f32
        %max3A_526 = vector.broadcast %max3A_525 : f32 to vector<16xf32>
        %max3A_527 = arith.maximumf %sub3A_524, %max3A_526 : vector<16xf32>
        %add3A_528 = arith.addf %add3A_516, %max3A_527 : vector<16xf32>
        %mul3A_529 = arith.constant 8 : i32
        %mul3A_530 = arith.muli %scan3A_436, %mul3A_529 : i32
        %add3A_531 = arith.constant 7 : i32
        %add3A_532 = arith.addi %mul3A_530, %add3A_531 : i32
        %get3A_533 = arith.index_cast %add3A_532 : i32 to index
        %get3A_534 = arith.constant 32 : index
        %get3A_535 = tpu.vector_load %arg5[%get3A_533, %get3A_534] {strides = array<i32>} : memref<1000x128xf32, #tpu.memory_space<vmem>>, vector<16xf32>,
        %sub3A_536 = arith.subf %get3A_535, %gather3A_128 : vector<16xf32>
        %max3A_537 = arith.constant 0.000000e+00 : f32
        %max3A_538 = vector.broadcast %max3A_537 : f32 to vector<16xf32>
        %max3A_539 = arith.maximumf %sub3A_536, %max3A_538 : vector<16xf32>
        %add3A_540 = arith.addf %add3A_528, %max3A_539 : vector<16xf32>
        %max3A_541 = arith.maximumf %get3A_451, %get3A_463 : vector<16xf32>
        %min3A = arith.minimumf %get3A_451, %get3A_463 : vector<16xf32>
        %max3A_542 = arith.maximumf %get3A_475, %get3A_487 : vector<16xf32>
        %min3A_543 = arith.minimumf %get3A_475, %get3A_487 : vector<16xf32>
        %max3A_544 = arith.maximumf %get3A_499, %get3A_511 : vector<16xf32>
        %min3A_545 = arith.minimumf %get3A_499, %get3A_511 : vector<16xf32>
        %max3A_546 = arith.maximumf %get3A_523, %get3A_535 : vector<16xf32>
        %min3A_547 = arith.minimumf %get3A_523, %get3A_535 : vector<16xf32>
        %max3A_548 = arith.maximumf %max3A_541, %max3A_542 : vector<16xf32>
        %min3A_549 = arith.minimumf %max3A_541, %max3A_542 : vector<16xf32>
        %max3A_550 = arith.maximumf %min3A, %min3A_543 : vector<16xf32>
        %min3A_551 = arith.minimumf %min3A, %min3A_543 : vector<16xf32>
        %max3A_552 = arith.maximumf %max3A_544, %max3A_546 : vector<16xf32>
        %min3A_553 = arith.minimumf %max3A_544, %max3A_546 : vector<16xf32>
        %max3A_554 = arith.maximumf %min3A_545, %min3A_547 : vector<16xf32>
        %min3A_555 = arith.minimumf %min3A_545, %min3A_547 : vector<16xf32>
        %max3A_556 = arith.maximumf %max3A_550, %min3A_549 : vector<16xf32>
        %min3A_557 = arith.minimumf %max3A_550, %min3A_549 : vector<16xf32>
        %max3A_558 = arith.maximumf %max3A_554, %min3A_553 : vector<16xf32>
        %min3A_559 = arith.minimumf %max3A_554, %min3A_553 : vector<16xf32>
        %max3A_560 = arith.maximumf %max3A_548, %max3A_552 : vector<16xf32>
        %min3A_561 = arith.minimumf %max3A_548, %max3A_552 : vector<16xf32>
        %max3A_562 = arith.maximumf %max3A_556, %max3A_558 : vector<16xf32>
        %min3A_563 = arith.minimumf %max3A_556, %max3A_558 : vector<16xf32>
        %max3A_564 = arith.maximumf %min3A_557, %min3A_559 : vector<16xf32>
        %min3A_565 = arith.minimumf %min3A_557, %min3A_559 : vector<16xf32>
        %max3A_566 = arith.maximumf %min3A_551, %min3A_555 : vector<16xf32>
        %min3A_567 = arith.minimumf %min3A_551, %min3A_555 : vector<16xf32>
        %max3A_568 = arith.maximumf %max3A_564, %min3A_561 : vector<16xf32>
        %min3A_569 = arith.minimumf %max3A_564, %min3A_561 : vector<16xf32>
        %max3A_570 = arith.maximumf %max3A_566, %min3A_563 : vector<16xf32>
        %min3A_571 = arith.minimumf %max3A_566, %min3A_563 : vector<16xf32>
        %max3A_572 = arith.maximumf %max3A_562, %max3A_568 : vector<16xf32>
        %min3A_573 = arith.minimumf %max3A_562, %max3A_568 : vector<16xf32>
        %max3A_574 = arith.maximumf %max3A_570, %min3A_569 : vector<16xf32>
        %min3A_575 = arith.minimumf %max3A_570, %min3A_569 : vector<16xf32>
        %max3A_576 = arith.maximumf %min3A_571, %min3A_565 : vector<16xf32>
        %min3A_577 = arith.minimumf %min3A_571, %min3A_565 : vector<16xf32>
        %max3A_578 = arith.maximumf %scan3A_438, %min3A_567 : vector<16xf32>
        %max3A_579 = arith.maximumf %scan3A_439, %min3A_577 : vector<16xf32>
        %max3A_580 = arith.maximumf %scan3A_440, %max3A_576 : vector<16xf32>
        %max3A_581 = arith.maximumf %scan3A_441, %min3A_575 : vector<16xf32>
        %max3A_582 = arith.maximumf %scan3A_442, %max3A_574 : vector<16xf32>
        %max3A_583 = arith.maximumf %scan3A_443, %min3A_573 : vector<16xf32>
        %max3A_584 = arith.maximumf %scan3A_444, %max3A_572 : vector<16xf32>
        %max3A_585 = arith.maximumf %max3A_578, %max3A_582 : vector<16xf32>
        %min3A_586 = arith.minimumf %max3A_578, %max3A_582 : vector<16xf32>
        %max3A_587 = arith.maximumf %max3A_579, %max3A_583 : vector<16xf32>
        %min3A_588 = arith.minimumf %max3A_579, %max3A_583 : vector<16xf32>
        %max3A_589 = arith.maximumf %max3A_580, %max3A_584 : vector<16xf32>
        %min3A_590 = arith.minimumf %max3A_580, %max3A_584 : vector<16xf32>
        %max3A_591 = arith.maximumf %max3A_581, %max3A_560 : vector<16xf32>
        %min3A_592 = arith.minimumf %max3A_581, %max3A_560 : vector<16xf32>
        %max3A_593 = arith.maximumf %max3A_585, %max3A_589 : vector<16xf32>
        %min3A_594 = arith.minimumf %max3A_585, %max3A_589 : vector<16xf32>
        %max3A_595 = arith.maximumf %max3A_587, %max3A_591 : vector<16xf32>
        %min3A_596 = arith.minimumf %max3A_587, %max3A_591 : vector<16xf32>
        %max3A_597 = arith.maximumf %min3A_586, %min3A_590 : vector<16xf32>
        %min3A_598 = arith.minimumf %min3A_586, %min3A_590 : vector<16xf32>
        %max3A_599 = arith.maximumf %min3A_588, %min3A_592 : vector<16xf32>
        %min3A_600 = arith.minimumf %min3A_588, %min3A_592 : vector<16xf32>
        %max3A_601 = arith.maximumf %max3A_593, %max3A_595 : vector<16xf32>
        %min3A_602 = arith.minimumf %max3A_593, %max3A_595 : vector<16xf32>
        %max3A_603 = arith.maximumf %min3A_594, %min3A_596 : vector<16xf32>
        %min3A_604 = arith.minimumf %min3A_594, %min3A_596 : vector<16xf32>
        %max3A_605 = arith.maximumf %max3A_597, %max3A_599 : vector<16xf32>
        %min3A_606 = arith.minimumf %max3A_597, %max3A_599 : vector<16xf32>
        %max3A_607 = arith.maximumf %min3A_598, %min3A_600 : vector<16xf32>
        %min3A_608 = arith.minimumf %min3A_598, %min3A_600 : vector<16xf32>
        scf.yield %add3A_540, %max3A_601, %min3A_602, %max3A_603, %min3A_604, %max3A_605, %min3A_606, %max3A_607 : vector<16xf32>, vector<16xf32>, vector<16xf32>, vector<16xf32>, vector<16xf32>, vector<16xf32>, vector<16xf32>, vector<16xf32>
      }
      %scan3A_134 = arith.constant 125 : i32
      %sub3A_135 = arith.subf %scan3A_133#1, %gather3A_128 : vector<16xf32>
      %max3A_136 = arith.constant 0.000000e+00 : f32
      %max3A_137 = vector.broadcast %max3A_136 : f32 to vector<16xf32>
      %max3A_138 = arith.maximumf %sub3A_135, %max3A_137 : vector<16xf32>
      %sub3A_139 = arith.subf %scan3A_133#0, %max3A_138 : vector<16xf32>
      %sub3A_140 = arith.subf %scan3A_133#2, %gather3A_128 : vector<16xf32>
      %max3A_141 = arith.constant 0.000000e+00 : f32
      %max3A_142 = vector.broadcast %max3A_141 : f32 to vector<16xf32>
      %max3A_143 = arith.maximumf %sub3A_140, %max3A_142 : vector<16xf32>
      %sub3A_144 = arith.subf %sub3A_139, %max3A_143 : vector<16xf32>
      %sub3A_145 = arith.subf %scan3A_133#3, %gather3A_128 : vector<16xf32>
      %max3A_146 = arith.constant 0.000000e+00 : f32
      %max3A_147 = vector.broadcast %max3A_146 : f32 to vector<16xf32>
      %max3A_148 = arith.maximumf %sub3A_145, %max3A_147 : vector<16xf32>
      %sub3A_149 = arith.subf %sub3A_144, %max3A_148 : vector<16xf32>
      %sub3A_150 = arith.subf %scan3A_133#4, %gather3A_128 : vector<16xf32>
      %max3A_151 = arith.constant 0.000000e+00 : f32
      %max3A_152 = vector.broadcast %max3A_151 : f32 to vector<16xf32>
      %max3A_153 = arith.maximumf %sub3A_150, %max3A_152 : vector<16xf32>
      %sub3A_154 = arith.subf %sub3A_149, %max3A_153 : vector<16xf32>
      %sub3A_155 = arith.subf %scan3A_133#5, %gather3A_128 : vector<16xf32>
      %max3A_156 = arith.constant 0.000000e+00 : f32
      %max3A_157 = vector.broadcast %max3A_156 : f32 to vector<16xf32>
      %max3A_158 = arith.maximumf %sub3A_155, %max3A_157 : vector<16xf32>
      %sub3A_159 = arith.subf %sub3A_154, %max3A_158 : vector<16xf32>
      %sub3A_160 = arith.subf %scan3A_133#6, %gather3A_128 : vector<16xf32>
      %max3A_161 = arith.constant 0.000000e+00 : f32
      %max3A_162 = vector.broadcast %max3A_161 : f32 to vector<16xf32>
      %max3A_163 = arith.maximumf %sub3A_160, %max3A_162 : vector<16xf32>
      %sub3A_164 = arith.subf %sub3A_159, %max3A_163 : vector<16xf32>
      %sub3A_165 = arith.subf %scan3A_133#7, %gather3A_128 : vector<16xf32>
      %max3A_166 = arith.constant 0.000000e+00 : f32
      %max3A_167 = vector.broadcast %max3A_166 : f32 to vector<16xf32>
      %max3A_168 = arith.maximumf %sub3A_165, %max3A_167 : vector<16xf32>
      %sub3A_169 = arith.subf %sub3A_164, %max3A_168 : vector<16xf32>
      %add3A_170 = arith.addf %add3A_117, %sub3A_169 : vector<16xf32>
      %mul3A_171 = arith.constant 128 : i32
      %mul3A_172 = arith.muli %scan3A_12, %mul3A_171 : i32
      %add3A_173 = arith.constant 48 : i32
      %add3A_174 = arith.addi %mul3A_172, %add3A_173 : i32
      %multiple_of3A_175 = tpu.assume_multiple %add3A_174, 16 : i32
      %get3A_176 = arith.index_cast %multiple_of3A_175 : i32 to index
      %get3A_177 = tpu.vector_load %arg6[%get3A_176] {strides = array<i32>} : memref<256xi32, #tpu.memory_space<vmem>>, vector<16xi32>,
      %add3A_178 = arith.constant 48 : i32
      %add3A_179 = vector.broadcast %add3A_178 : i32 to vector<16xi32>
      %add3A_180 = arith.addi %iota3A, %add3A_179 : vector<16xi32>
      %gather3A_181 = tpu.vector_load_idx %arg5[%get3A_177, %add3A_180] : memref<1000x128xf32, #tpu.memory_space<vmem>>[vector<16xi32>, vector<16xi32>], vector<16xf32>,
      %scan3A_182 = arith.constant 0 : i32
      %scan3A_183 = arith.constant 125 : i32
      %scan3A_184 = arith.addi %scan3A_182, %scan3A_183 : i32
      %scan3A_185 = arith.constant 1 : i32
      %scan3A_186:8 = scf.for %scan3A_436 = %scan3A_182 to %scan3A_184 step %scan3A_185 iter_args(%scan3A_437 = %broadcast_in_dim3A_3, %scan3A_438 = %broadcast_in_dim3A_5, %scan3A_439 = %broadcast_in_dim3A_5, %scan3A_440 = %broadcast_in_dim3A_5, %scan3A_441 = %broadcast_in_dim3A_5, %scan3A_442 = %broadcast_in_dim3A_5, %scan3A_443 = %broadcast_in_dim3A_5, %scan3A_444 = %broadcast_in_dim3A_5) -> (vector<16xf32>, vector<16xf32>, vector<16xf32>, vector<16xf32>, vector<16xf32>, vector<16xf32>, vector<16xf32>, vector<16xf32>)  : i32 {
        %mul3A_445 = arith.constant 8 : i32
        %mul3A_446 = arith.muli %scan3A_436, %mul3A_445 : i32
        %add3A_447 = arith.constant 0 : i32
        %add3A_448 = arith.addi %mul3A_446, %add3A_447 : i32
        %get3A_449 = arith.index_cast %add3A_448 : i32 to index
        %get3A_450 = arith.constant 48 : index
        %get3A_451 = tpu.vector_load %arg5[%get3A_449, %get3A_450] {strides = array<i32>} : memref<1000x128xf32, #tpu.memory_space<vmem>>, vector<16xf32>,
        %sub3A_452 = arith.subf %get3A_451, %gather3A_181 : vector<16xf32>
        %max3A_453 = arith.constant 0.000000e+00 : f32
        %max3A_454 = vector.broadcast %max3A_453 : f32 to vector<16xf32>
        %max3A_455 = arith.maximumf %sub3A_452, %max3A_454 : vector<16xf32>
        %add3A_456 = arith.addf %scan3A_437, %max3A_455 : vector<16xf32>
        %mul3A_457 = arith.constant 8 : i32
        %mul3A_458 = arith.muli %scan3A_436, %mul3A_457 : i32
        %add3A_459 = arith.constant 1 : i32
        %add3A_460 = arith.addi %mul3A_458, %add3A_459 : i32
        %get3A_461 = arith.index_cast %add3A_460 : i32 to index
        %get3A_462 = arith.constant 48 : index
        %get3A_463 = tpu.vector_load %arg5[%get3A_461, %get3A_462] {strides = array<i32>} : memref<1000x128xf32, #tpu.memory_space<vmem>>, vector<16xf32>,
        %sub3A_464 = arith.subf %get3A_463, %gather3A_181 : vector<16xf32>
        %max3A_465 = arith.constant 0.000000e+00 : f32
        %max3A_466 = vector.broadcast %max3A_465 : f32 to vector<16xf32>
        %max3A_467 = arith.maximumf %sub3A_464, %max3A_466 : vector<16xf32>
        %add3A_468 = arith.addf %add3A_456, %max3A_467 : vector<16xf32>
        %mul3A_469 = arith.constant 8 : i32
        %mul3A_470 = arith.muli %scan3A_436, %mul3A_469 : i32
        %add3A_471 = arith.constant 2 : i32
        %add3A_472 = arith.addi %mul3A_470, %add3A_471 : i32
        %get3A_473 = arith.index_cast %add3A_472 : i32 to index
        %get3A_474 = arith.constant 48 : index
        %get3A_475 = tpu.vector_load %arg5[%get3A_473, %get3A_474] {strides = array<i32>} : memref<1000x128xf32, #tpu.memory_space<vmem>>, vector<16xf32>,
        %sub3A_476 = arith.subf %get3A_475, %gather3A_181 : vector<16xf32>
        %max3A_477 = arith.constant 0.000000e+00 : f32
        %max3A_478 = vector.broadcast %max3A_477 : f32 to vector<16xf32>
        %max3A_479 = arith.maximumf %sub3A_476, %max3A_478 : vector<16xf32>
        %add3A_480 = arith.addf %add3A_468, %max3A_479 : vector<16xf32>
        %mul3A_481 = arith.constant 8 : i32
        %mul3A_482 = arith.muli %scan3A_436, %mul3A_481 : i32
        %add3A_483 = arith.constant 3 : i32
        %add3A_484 = arith.addi %mul3A_482, %add3A_483 : i32
        %get3A_485 = arith.index_cast %add3A_484 : i32 to index
        %get3A_486 = arith.constant 48 : index
        %get3A_487 = tpu.vector_load %arg5[%get3A_485, %get3A_486] {strides = array<i32>} : memref<1000x128xf32, #tpu.memory_space<vmem>>, vector<16xf32>,
        %sub3A_488 = arith.subf %get3A_487, %gather3A_181 : vector<16xf32>
        %max3A_489 = arith.constant 0.000000e+00 : f32
        %max3A_490 = vector.broadcast %max3A_489 : f32 to vector<16xf32>
        %max3A_491 = arith.maximumf %sub3A_488, %max3A_490 : vector<16xf32>
        %add3A_492 = arith.addf %add3A_480, %max3A_491 : vector<16xf32>
        %mul3A_493 = arith.constant 8 : i32
        %mul3A_494 = arith.muli %scan3A_436, %mul3A_493 : i32
        %add3A_495 = arith.constant 4 : i32
        %add3A_496 = arith.addi %mul3A_494, %add3A_495 : i32
        %get3A_497 = arith.index_cast %add3A_496 : i32 to index
        %get3A_498 = arith.constant 48 : index
        %get3A_499 = tpu.vector_load %arg5[%get3A_497, %get3A_498] {strides = array<i32>} : memref<1000x128xf32, #tpu.memory_space<vmem>>, vector<16xf32>,
        %sub3A_500 = arith.subf %get3A_499, %gather3A_181 : vector<16xf32>
        %max3A_501 = arith.constant 0.000000e+00 : f32
        %max3A_502 = vector.broadcast %max3A_501 : f32 to vector<16xf32>
        %max3A_503 = arith.maximumf %sub3A_500, %max3A_502 : vector<16xf32>
        %add3A_504 = arith.addf %add3A_492, %max3A_503 : vector<16xf32>
        %mul3A_505 = arith.constant 8 : i32
        %mul3A_506 = arith.muli %scan3A_436, %mul3A_505 : i32
        %add3A_507 = arith.constant 5 : i32
        %add3A_508 = arith.addi %mul3A_506, %add3A_507 : i32
        %get3A_509 = arith.index_cast %add3A_508 : i32 to index
        %get3A_510 = arith.constant 48 : index
        %get3A_511 = tpu.vector_load %arg5[%get3A_509, %get3A_510] {strides = array<i32>} : memref<1000x128xf32, #tpu.memory_space<vmem>>, vector<16xf32>,
        %sub3A_512 = arith.subf %get3A_511, %gather3A_181 : vector<16xf32>
        %max3A_513 = arith.constant 0.000000e+00 : f32
        %max3A_514 = vector.broadcast %max3A_513 : f32 to vector<16xf32>
        %max3A_515 = arith.maximumf %sub3A_512, %max3A_514 : vector<16xf32>
        %add3A_516 = arith.addf %add3A_504, %max3A_515 : vector<16xf32>
        %mul3A_517 = arith.constant 8 : i32
        %mul3A_518 = arith.muli %scan3A_436, %mul3A_517 : i32
        %add3A_519 = arith.constant 6 : i32
        %add3A_520 = arith.addi %mul3A_518, %add3A_519 : i32
        %get3A_521 = arith.index_cast %add3A_520 : i32 to index
        %get3A_522 = arith.constant 48 : index
        %get3A_523 = tpu.vector_load %arg5[%get3A_521, %get3A_522] {strides = array<i32>} : memref<1000x128xf32, #tpu.memory_space<vmem>>, vector<16xf32>,
        %sub3A_524 = arith.subf %get3A_523, %gather3A_181 : vector<16xf32>
        %max3A_525 = arith.constant 0.000000e+00 : f32
        %max3A_526 = vector.broadcast %max3A_525 : f32 to vector<16xf32>
        %max3A_527 = arith.maximumf %sub3A_524, %max3A_526 : vector<16xf32>
        %add3A_528 = arith.addf %add3A_516, %max3A_527 : vector<16xf32>
        %mul3A_529 = arith.constant 8 : i32
        %mul3A_530 = arith.muli %scan3A_436, %mul3A_529 : i32
        %add3A_531 = arith.constant 7 : i32
        %add3A_532 = arith.addi %mul3A_530, %add3A_531 : i32
        %get3A_533 = arith.index_cast %add3A_532 : i32 to index
        %get3A_534 = arith.constant 48 : index
        %get3A_535 = tpu.vector_load %arg5[%get3A_533, %get3A_534] {strides = array<i32>} : memref<1000x128xf32, #tpu.memory_space<vmem>>, vector<16xf32>,
        %sub3A_536 = arith.subf %get3A_535, %gather3A_181 : vector<16xf32>
        %max3A_537 = arith.constant 0.000000e+00 : f32
        %max3A_538 = vector.broadcast %max3A_537 : f32 to vector<16xf32>
        %max3A_539 = arith.maximumf %sub3A_536, %max3A_538 : vector<16xf32>
        %add3A_540 = arith.addf %add3A_528, %max3A_539 : vector<16xf32>
        %max3A_541 = arith.maximumf %get3A_451, %get3A_463 : vector<16xf32>
        %min3A = arith.minimumf %get3A_451, %get3A_463 : vector<16xf32>
        %max3A_542 = arith.maximumf %get3A_475, %get3A_487 : vector<16xf32>
        %min3A_543 = arith.minimumf %get3A_475, %get3A_487 : vector<16xf32>
        %max3A_544 = arith.maximumf %get3A_499, %get3A_511 : vector<16xf32>
        %min3A_545 = arith.minimumf %get3A_499, %get3A_511 : vector<16xf32>
        %max3A_546 = arith.maximumf %get3A_523, %get3A_535 : vector<16xf32>
        %min3A_547 = arith.minimumf %get3A_523, %get3A_535 : vector<16xf32>
        %max3A_548 = arith.maximumf %max3A_541, %max3A_542 : vector<16xf32>
        %min3A_549 = arith.minimumf %max3A_541, %max3A_542 : vector<16xf32>
        %max3A_550 = arith.maximumf %min3A, %min3A_543 : vector<16xf32>
        %min3A_551 = arith.minimumf %min3A, %min3A_543 : vector<16xf32>
        %max3A_552 = arith.maximumf %max3A_544, %max3A_546 : vector<16xf32>
        %min3A_553 = arith.minimumf %max3A_544, %max3A_546 : vector<16xf32>
        %max3A_554 = arith.maximumf %min3A_545, %min3A_547 : vector<16xf32>
        %min3A_555 = arith.minimumf %min3A_545, %min3A_547 : vector<16xf32>
        %max3A_556 = arith.maximumf %max3A_550, %min3A_549 : vector<16xf32>
        %min3A_557 = arith.minimumf %max3A_550, %min3A_549 : vector<16xf32>
        %max3A_558 = arith.maximumf %max3A_554, %min3A_553 : vector<16xf32>
        %min3A_559 = arith.minimumf %max3A_554, %min3A_553 : vector<16xf32>
        %max3A_560 = arith.maximumf %max3A_548, %max3A_552 : vector<16xf32>
        %min3A_561 = arith.minimumf %max3A_548, %max3A_552 : vector<16xf32>
        %max3A_562 = arith.maximumf %max3A_556, %max3A_558 : vector<16xf32>
        %min3A_563 = arith.minimumf %max3A_556, %max3A_558 : vector<16xf32>
        %max3A_564 = arith.maximumf %min3A_557, %min3A_559 : vector<16xf32>
        %min3A_565 = arith.minimumf %min3A_557, %min3A_559 : vector<16xf32>
        %max3A_566 = arith.maximumf %min3A_551, %min3A_555 : vector<16xf32>
        %min3A_567 = arith.minimumf %min3A_551, %min3A_555 : vector<16xf32>
        %max3A_568 = arith.maximumf %max3A_564, %min3A_561 : vector<16xf32>
        %min3A_569 = arith.minimumf %max3A_564, %min3A_561 : vector<16xf32>
        %max3A_570 = arith.maximumf %max3A_566, %min3A_563 : vector<16xf32>
        %min3A_571 = arith.minimumf %max3A_566, %min3A_563 : vector<16xf32>
        %max3A_572 = arith.maximumf %max3A_562, %max3A_568 : vector<16xf32>
        %min3A_573 = arith.minimumf %max3A_562, %max3A_568 : vector<16xf32>
        %max3A_574 = arith.maximumf %max3A_570, %min3A_569 : vector<16xf32>
        %min3A_575 = arith.minimumf %max3A_570, %min3A_569 : vector<16xf32>
        %max3A_576 = arith.maximumf %min3A_571, %min3A_565 : vector<16xf32>
        %min3A_577 = arith.minimumf %min3A_571, %min3A_565 : vector<16xf32>
        %max3A_578 = arith.maximumf %scan3A_438, %min3A_567 : vector<16xf32>
        %max3A_579 = arith.maximumf %scan3A_439, %min3A_577 : vector<16xf32>
        %max3A_580 = arith.maximumf %scan3A_440, %max3A_576 : vector<16xf32>
        %max3A_581 = arith.maximumf %scan3A_441, %min3A_575 : vector<16xf32>
        %max3A_582 = arith.maximumf %scan3A_442, %max3A_574 : vector<16xf32>
        %max3A_583 = arith.maximumf %scan3A_443, %min3A_573 : vector<16xf32>
        %max3A_584 = arith.maximumf %scan3A_444, %max3A_572 : vector<16xf32>
        %max3A_585 = arith.maximumf %max3A_578, %max3A_582 : vector<16xf32>
        %min3A_586 = arith.minimumf %max3A_578, %max3A_582 : vector<16xf32>
        %max3A_587 = arith.maximumf %max3A_579, %max3A_583 : vector<16xf32>
        %min3A_588 = arith.minimumf %max3A_579, %max3A_583 : vector<16xf32>
        %max3A_589 = arith.maximumf %max3A_580, %max3A_584 : vector<16xf32>
        %min3A_590 = arith.minimumf %max3A_580, %max3A_584 : vector<16xf32>
        %max3A_591 = arith.maximumf %max3A_581, %max3A_560 : vector<16xf32>
        %min3A_592 = arith.minimumf %max3A_581, %max3A_560 : vector<16xf32>
        %max3A_593 = arith.maximumf %max3A_585, %max3A_589 : vector<16xf32>
        %min3A_594 = arith.minimumf %max3A_585, %max3A_589 : vector<16xf32>
        %max3A_595 = arith.maximumf %max3A_587, %max3A_591 : vector<16xf32>
        %min3A_596 = arith.minimumf %max3A_587, %max3A_591 : vector<16xf32>
        %max3A_597 = arith.maximumf %min3A_586, %min3A_590 : vector<16xf32>
        %min3A_598 = arith.minimumf %min3A_586, %min3A_590 : vector<16xf32>
        %max3A_599 = arith.maximumf %min3A_588, %min3A_592 : vector<16xf32>
        %min3A_600 = arith.minimumf %min3A_588, %min3A_592 : vector<16xf32>
        %max3A_601 = arith.maximumf %max3A_593, %max3A_595 : vector<16xf32>
        %min3A_602 = arith.minimumf %max3A_593, %max3A_595 : vector<16xf32>
        %max3A_603 = arith.maximumf %min3A_594, %min3A_596 : vector<16xf32>
        %min3A_604 = arith.minimumf %min3A_594, %min3A_596 : vector<16xf32>
        %max3A_605 = arith.maximumf %max3A_597, %max3A_599 : vector<16xf32>
        %min3A_606 = arith.minimumf %max3A_597, %max3A_599 : vector<16xf32>
        %max3A_607 = arith.maximumf %min3A_598, %min3A_600 : vector<16xf32>
        %min3A_608 = arith.minimumf %min3A_598, %min3A_600 : vector<16xf32>
        scf.yield %add3A_540, %max3A_601, %min3A_602, %max3A_603, %min3A_604, %max3A_605, %min3A_606, %max3A_607 : vector<16xf32>, vector<16xf32>, vector<16xf32>, vector<16xf32>, vector<16xf32>, vector<16xf32>, vector<16xf32>, vector<16xf32>
      }
      %scan3A_187 = arith.constant 125 : i32
      %sub3A_188 = arith.subf %scan3A_186#1, %gather3A_181 : vector<16xf32>
      %max3A_189 = arith.constant 0.000000e+00 : f32
      %max3A_190 = vector.broadcast %max3A_189 : f32 to vector<16xf32>
      %max3A_191 = arith.maximumf %sub3A_188, %max3A_190 : vector<16xf32>
      %sub3A_192 = arith.subf %scan3A_186#0, %max3A_191 : vector<16xf32>
      %sub3A_193 = arith.subf %scan3A_186#2, %gather3A_181 : vector<16xf32>
      %max3A_194 = arith.constant 0.000000e+00 : f32
      %max3A_195 = vector.broadcast %max3A_194 : f32 to vector<16xf32>
      %max3A_196 = arith.maximumf %sub3A_193, %max3A_195 : vector<16xf32>
      %sub3A_197 = arith.subf %sub3A_192, %max3A_196 : vector<16xf32>
      %sub3A_198 = arith.subf %scan3A_186#3, %gather3A_181 : vector<16xf32>
      %max3A_199 = arith.constant 0.000000e+00 : f32
      %max3A_200 = vector.broadcast %max3A_199 : f32 to vector<16xf32>
      %max3A_201 = arith.maximumf %sub3A_198, %max3A_200 : vector<16xf32>
      %sub3A_202 = arith.subf %sub3A_197, %max3A_201 : vector<16xf32>
      %sub3A_203 = arith.subf %scan3A_186#4, %gather3A_181 : vector<16xf32>
      %max3A_204 = arith.constant 0.000000e+00 : f32
      %max3A_205 = vector.broadcast %max3A_204 : f32 to vector<16xf32>
      %max3A_206 = arith.maximumf %sub3A_203, %max3A_205 : vector<16xf32>
      %sub3A_207 = arith.subf %sub3A_202, %max3A_206 : vector<16xf32>
      %sub3A_208 = arith.subf %scan3A_186#5, %gather3A_181 : vector<16xf32>
      %max3A_209 = arith.constant 0.000000e+00 : f32
      %max3A_210 = vector.broadcast %max3A_209 : f32 to vector<16xf32>
      %max3A_211 = arith.maximumf %sub3A_208, %max3A_210 : vector<16xf32>
      %sub3A_212 = arith.subf %sub3A_207, %max3A_211 : vector<16xf32>
      %sub3A_213 = arith.subf %scan3A_186#6, %gather3A_181 : vector<16xf32>
      %max3A_214 = arith.constant 0.000000e+00 : f32
      %max3A_215 = vector.broadcast %max3A_214 : f32 to vector<16xf32>
      %max3A_216 = arith.maximumf %sub3A_213, %max3A_215 : vector<16xf32>
      %sub3A_217 = arith.subf %sub3A_212, %max3A_216 : vector<16xf32>
      %sub3A_218 = arith.subf %scan3A_186#7, %gather3A_181 : vector<16xf32>
      %max3A_219 = arith.constant 0.000000e+00 : f32
      %max3A_220 = vector.broadcast %max3A_219 : f32 to vector<16xf32>
      %max3A_221 = arith.maximumf %sub3A_218, %max3A_220 : vector<16xf32>
      %sub3A_222 = arith.subf %sub3A_217, %max3A_221 : vector<16xf32>
      %add3A_223 = arith.addf %add3A_170, %sub3A_222 : vector<16xf32>
      %mul3A_224 = arith.constant 128 : i32
      %mul3A_225 = arith.muli %scan3A_12, %mul3A_224 : i32
      %add3A_226 = arith.constant 64 : i32
      %add3A_227 = arith.addi %mul3A_225, %add3A_226 : i32
      %multiple_of3A_228 = tpu.assume_multiple %add3A_227, 16 : i32
      %get3A_229 = arith.index_cast %multiple_of3A_228 : i32 to index
      %get3A_230 = tpu.vector_load %arg6[%get3A_229] {strides = array<i32>} : memref<256xi32, #tpu.memory_space<vmem>>, vector<16xi32>,
      %add3A_231 = arith.constant 64 : i32
      %add3A_232 = vector.broadcast %add3A_231 : i32 to vector<16xi32>
      %add3A_233 = arith.addi %iota3A, %add3A_232 : vector<16xi32>
      %gather3A_234 = tpu.vector_load_idx %arg5[%get3A_230, %add3A_233] : memref<1000x128xf32, #tpu.memory_space<vmem>>[vector<16xi32>, vector<16xi32>], vector<16xf32>,
      %scan3A_235 = arith.constant 0 : i32
      %scan3A_236 = arith.constant 125 : i32
      %scan3A_237 = arith.addi %scan3A_235, %scan3A_236 : i32
      %scan3A_238 = arith.constant 1 : i32
      %scan3A_239:8 = scf.for %scan3A_436 = %scan3A_235 to %scan3A_237 step %scan3A_238 iter_args(%scan3A_437 = %broadcast_in_dim3A_3, %scan3A_438 = %broadcast_in_dim3A_5, %scan3A_439 = %broadcast_in_dim3A_5, %scan3A_440 = %broadcast_in_dim3A_5, %scan3A_441 = %broadcast_in_dim3A_5, %scan3A_442 = %broadcast_in_dim3A_5, %scan3A_443 = %broadcast_in_dim3A_5, %scan3A_444 = %broadcast_in_dim3A_5) -> (vector<16xf32>, vector<16xf32>, vector<16xf32>, vector<16xf32>, vector<16xf32>, vector<16xf32>, vector<16xf32>, vector<16xf32>)  : i32 {
        %mul3A_445 = arith.constant 8 : i32
        %mul3A_446 = arith.muli %scan3A_436, %mul3A_445 : i32
        %add3A_447 = arith.constant 0 : i32
        %add3A_448 = arith.addi %mul3A_446, %add3A_447 : i32
        %get3A_449 = arith.index_cast %add3A_448 : i32 to index
        %get3A_450 = arith.constant 64 : index
        %get3A_451 = tpu.vector_load %arg5[%get3A_449, %get3A_450] {strides = array<i32>} : memref<1000x128xf32, #tpu.memory_space<vmem>>, vector<16xf32>,
        %sub3A_452 = arith.subf %get3A_451, %gather3A_234 : vector<16xf32>
        %max3A_453 = arith.constant 0.000000e+00 : f32
        %max3A_454 = vector.broadcast %max3A_453 : f32 to vector<16xf32>
        %max3A_455 = arith.maximumf %sub3A_452, %max3A_454 : vector<16xf32>
        %add3A_456 = arith.addf %scan3A_437, %max3A_455 : vector<16xf32>
        %mul3A_457 = arith.constant 8 : i32
        %mul3A_458 = arith.muli %scan3A_436, %mul3A_457 : i32
        %add3A_459 = arith.constant 1 : i32
        %add3A_460 = arith.addi %mul3A_458, %add3A_459 : i32
        %get3A_461 = arith.index_cast %add3A_460 : i32 to index
        %get3A_462 = arith.constant 64 : index
        %get3A_463 = tpu.vector_load %arg5[%get3A_461, %get3A_462] {strides = array<i32>} : memref<1000x128xf32, #tpu.memory_space<vmem>>, vector<16xf32>,
        %sub3A_464 = arith.subf %get3A_463, %gather3A_234 : vector<16xf32>
        %max3A_465 = arith.constant 0.000000e+00 : f32
        %max3A_466 = vector.broadcast %max3A_465 : f32 to vector<16xf32>
        %max3A_467 = arith.maximumf %sub3A_464, %max3A_466 : vector<16xf32>
        %add3A_468 = arith.addf %add3A_456, %max3A_467 : vector<16xf32>
        %mul3A_469 = arith.constant 8 : i32
        %mul3A_470 = arith.muli %scan3A_436, %mul3A_469 : i32
        %add3A_471 = arith.constant 2 : i32
        %add3A_472 = arith.addi %mul3A_470, %add3A_471 : i32
        %get3A_473 = arith.index_cast %add3A_472 : i32 to index
        %get3A_474 = arith.constant 64 : index
        %get3A_475 = tpu.vector_load %arg5[%get3A_473, %get3A_474] {strides = array<i32>} : memref<1000x128xf32, #tpu.memory_space<vmem>>, vector<16xf32>,
        %sub3A_476 = arith.subf %get3A_475, %gather3A_234 : vector<16xf32>
        %max3A_477 = arith.constant 0.000000e+00 : f32
        %max3A_478 = vector.broadcast %max3A_477 : f32 to vector<16xf32>
        %max3A_479 = arith.maximumf %sub3A_476, %max3A_478 : vector<16xf32>
        %add3A_480 = arith.addf %add3A_468, %max3A_479 : vector<16xf32>
        %mul3A_481 = arith.constant 8 : i32
        %mul3A_482 = arith.muli %scan3A_436, %mul3A_481 : i32
        %add3A_483 = arith.constant 3 : i32
        %add3A_484 = arith.addi %mul3A_482, %add3A_483 : i32
        %get3A_485 = arith.index_cast %add3A_484 : i32 to index
        %get3A_486 = arith.constant 64 : index
        %get3A_487 = tpu.vector_load %arg5[%get3A_485, %get3A_486] {strides = array<i32>} : memref<1000x128xf32, #tpu.memory_space<vmem>>, vector<16xf32>,
        %sub3A_488 = arith.subf %get3A_487, %gather3A_234 : vector<16xf32>
        %max3A_489 = arith.constant 0.000000e+00 : f32
        %max3A_490 = vector.broadcast %max3A_489 : f32 to vector<16xf32>
        %max3A_491 = arith.maximumf %sub3A_488, %max3A_490 : vector<16xf32>
        %add3A_492 = arith.addf %add3A_480, %max3A_491 : vector<16xf32>
        %mul3A_493 = arith.constant 8 : i32
        %mul3A_494 = arith.muli %scan3A_436, %mul3A_493 : i32
        %add3A_495 = arith.constant 4 : i32
        %add3A_496 = arith.addi %mul3A_494, %add3A_495 : i32
        %get3A_497 = arith.index_cast %add3A_496 : i32 to index
        %get3A_498 = arith.constant 64 : index
        %get3A_499 = tpu.vector_load %arg5[%get3A_497, %get3A_498] {strides = array<i32>} : memref<1000x128xf32, #tpu.memory_space<vmem>>, vector<16xf32>,
        %sub3A_500 = arith.subf %get3A_499, %gather3A_234 : vector<16xf32>
        %max3A_501 = arith.constant 0.000000e+00 : f32
        %max3A_502 = vector.broadcast %max3A_501 : f32 to vector<16xf32>
        %max3A_503 = arith.maximumf %sub3A_500, %max3A_502 : vector<16xf32>
        %add3A_504 = arith.addf %add3A_492, %max3A_503 : vector<16xf32>
        %mul3A_505 = arith.constant 8 : i32
        %mul3A_506 = arith.muli %scan3A_436, %mul3A_505 : i32
        %add3A_507 = arith.constant 5 : i32
        %add3A_508 = arith.addi %mul3A_506, %add3A_507 : i32
        %get3A_509 = arith.index_cast %add3A_508 : i32 to index
        %get3A_510 = arith.constant 64 : index
        %get3A_511 = tpu.vector_load %arg5[%get3A_509, %get3A_510] {strides = array<i32>} : memref<1000x128xf32, #tpu.memory_space<vmem>>, vector<16xf32>,
        %sub3A_512 = arith.subf %get3A_511, %gather3A_234 : vector<16xf32>
        %max3A_513 = arith.constant 0.000000e+00 : f32
        %max3A_514 = vector.broadcast %max3A_513 : f32 to vector<16xf32>
        %max3A_515 = arith.maximumf %sub3A_512, %max3A_514 : vector<16xf32>
        %add3A_516 = arith.addf %add3A_504, %max3A_515 : vector<16xf32>
        %mul3A_517 = arith.constant 8 : i32
        %mul3A_518 = arith.muli %scan3A_436, %mul3A_517 : i32
        %add3A_519 = arith.constant 6 : i32
        %add3A_520 = arith.addi %mul3A_518, %add3A_519 : i32
        %get3A_521 = arith.index_cast %add3A_520 : i32 to index
        %get3A_522 = arith.constant 64 : index
        %get3A_523 = tpu.vector_load %arg5[%get3A_521, %get3A_522] {strides = array<i32>} : memref<1000x128xf32, #tpu.memory_space<vmem>>, vector<16xf32>,
        %sub3A_524 = arith.subf %get3A_523, %gather3A_234 : vector<16xf32>
        %max3A_525 = arith.constant 0.000000e+00 : f32
        %max3A_526 = vector.broadcast %max3A_525 : f32 to vector<16xf32>
        %max3A_527 = arith.maximumf %sub3A_524, %max3A_526 : vector<16xf32>
        %add3A_528 = arith.addf %add3A_516, %max3A_527 : vector<16xf32>
        %mul3A_529 = arith.constant 8 : i32
        %mul3A_530 = arith.muli %scan3A_436, %mul3A_529 : i32
        %add3A_531 = arith.constant 7 : i32
        %add3A_532 = arith.addi %mul3A_530, %add3A_531 : i32
        %get3A_533 = arith.index_cast %add3A_532 : i32 to index
        %get3A_534 = arith.constant 64 : index
        %get3A_535 = tpu.vector_load %arg5[%get3A_533, %get3A_534] {strides = array<i32>} : memref<1000x128xf32, #tpu.memory_space<vmem>>, vector<16xf32>,
        %sub3A_536 = arith.subf %get3A_535, %gather3A_234 : vector<16xf32>
        %max3A_537 = arith.constant 0.000000e+00 : f32
        %max3A_538 = vector.broadcast %max3A_537 : f32 to vector<16xf32>
        %max3A_539 = arith.maximumf %sub3A_536, %max3A_538 : vector<16xf32>
        %add3A_540 = arith.addf %add3A_528, %max3A_539 : vector<16xf32>
        %max3A_541 = arith.maximumf %get3A_451, %get3A_463 : vector<16xf32>
        %min3A = arith.minimumf %get3A_451, %get3A_463 : vector<16xf32>
        %max3A_542 = arith.maximumf %get3A_475, %get3A_487 : vector<16xf32>
        %min3A_543 = arith.minimumf %get3A_475, %get3A_487 : vector<16xf32>
        %max3A_544 = arith.maximumf %get3A_499, %get3A_511 : vector<16xf32>
        %min3A_545 = arith.minimumf %get3A_499, %get3A_511 : vector<16xf32>
        %max3A_546 = arith.maximumf %get3A_523, %get3A_535 : vector<16xf32>
        %min3A_547 = arith.minimumf %get3A_523, %get3A_535 : vector<16xf32>
        %max3A_548 = arith.maximumf %max3A_541, %max3A_542 : vector<16xf32>
        %min3A_549 = arith.minimumf %max3A_541, %max3A_542 : vector<16xf32>
        %max3A_550 = arith.maximumf %min3A, %min3A_543 : vector<16xf32>
        %min3A_551 = arith.minimumf %min3A, %min3A_543 : vector<16xf32>
        %max3A_552 = arith.maximumf %max3A_544, %max3A_546 : vector<16xf32>
        %min3A_553 = arith.minimumf %max3A_544, %max3A_546 : vector<16xf32>
        %max3A_554 = arith.maximumf %min3A_545, %min3A_547 : vector<16xf32>
        %min3A_555 = arith.minimumf %min3A_545, %min3A_547 : vector<16xf32>
        %max3A_556 = arith.maximumf %max3A_550, %min3A_549 : vector<16xf32>
        %min3A_557 = arith.minimumf %max3A_550, %min3A_549 : vector<16xf32>
        %max3A_558 = arith.maximumf %max3A_554, %min3A_553 : vector<16xf32>
        %min3A_559 = arith.minimumf %max3A_554, %min3A_553 : vector<16xf32>
        %max3A_560 = arith.maximumf %max3A_548, %max3A_552 : vector<16xf32>
        %min3A_561 = arith.minimumf %max3A_548, %max3A_552 : vector<16xf32>
        %max3A_562 = arith.maximumf %max3A_556, %max3A_558 : vector<16xf32>
        %min3A_563 = arith.minimumf %max3A_556, %max3A_558 : vector<16xf32>
        %max3A_564 = arith.maximumf %min3A_557, %min3A_559 : vector<16xf32>
        %min3A_565 = arith.minimumf %min3A_557, %min3A_559 : vector<16xf32>
        %max3A_566 = arith.maximumf %min3A_551, %min3A_555 : vector<16xf32>
        %min3A_567 = arith.minimumf %min3A_551, %min3A_555 : vector<16xf32>
        %max3A_568 = arith.maximumf %max3A_564, %min3A_561 : vector<16xf32>
        %min3A_569 = arith.minimumf %max3A_564, %min3A_561 : vector<16xf32>
        %max3A_570 = arith.maximumf %max3A_566, %min3A_563 : vector<16xf32>
        %min3A_571 = arith.minimumf %max3A_566, %min3A_563 : vector<16xf32>
        %max3A_572 = arith.maximumf %max3A_562, %max3A_568 : vector<16xf32>
        %min3A_573 = arith.minimumf %max3A_562, %max3A_568 : vector<16xf32>
        %max3A_574 = arith.maximumf %max3A_570, %min3A_569 : vector<16xf32>
        %min3A_575 = arith.minimumf %max3A_570, %min3A_569 : vector<16xf32>
        %max3A_576 = arith.maximumf %min3A_571, %min3A_565 : vector<16xf32>
        %min3A_577 = arith.minimumf %min3A_571, %min3A_565 : vector<16xf32>
        %max3A_578 = arith.maximumf %scan3A_438, %min3A_567 : vector<16xf32>
        %max3A_579 = arith.maximumf %scan3A_439, %min3A_577 : vector<16xf32>
        %max3A_580 = arith.maximumf %scan3A_440, %max3A_576 : vector<16xf32>
        %max3A_581 = arith.maximumf %scan3A_441, %min3A_575 : vector<16xf32>
        %max3A_582 = arith.maximumf %scan3A_442, %max3A_574 : vector<16xf32>
        %max3A_583 = arith.maximumf %scan3A_443, %min3A_573 : vector<16xf32>
        %max3A_584 = arith.maximumf %scan3A_444, %max3A_572 : vector<16xf32>
        %max3A_585 = arith.maximumf %max3A_578, %max3A_582 : vector<16xf32>
        %min3A_586 = arith.minimumf %max3A_578, %max3A_582 : vector<16xf32>
        %max3A_587 = arith.maximumf %max3A_579, %max3A_583 : vector<16xf32>
        %min3A_588 = arith.minimumf %max3A_579, %max3A_583 : vector<16xf32>
        %max3A_589 = arith.maximumf %max3A_580, %max3A_584 : vector<16xf32>
        %min3A_590 = arith.minimumf %max3A_580, %max3A_584 : vector<16xf32>
        %max3A_591 = arith.maximumf %max3A_581, %max3A_560 : vector<16xf32>
        %min3A_592 = arith.minimumf %max3A_581, %max3A_560 : vector<16xf32>
        %max3A_593 = arith.maximumf %max3A_585, %max3A_589 : vector<16xf32>
        %min3A_594 = arith.minimumf %max3A_585, %max3A_589 : vector<16xf32>
        %max3A_595 = arith.maximumf %max3A_587, %max3A_591 : vector<16xf32>
        %min3A_596 = arith.minimumf %max3A_587, %max3A_591 : vector<16xf32>
        %max3A_597 = arith.maximumf %min3A_586, %min3A_590 : vector<16xf32>
        %min3A_598 = arith.minimumf %min3A_586, %min3A_590 : vector<16xf32>
        %max3A_599 = arith.maximumf %min3A_588, %min3A_592 : vector<16xf32>
        %min3A_600 = arith.minimumf %min3A_588, %min3A_592 : vector<16xf32>
        %max3A_601 = arith.maximumf %max3A_593, %max3A_595 : vector<16xf32>
        %min3A_602 = arith.minimumf %max3A_593, %max3A_595 : vector<16xf32>
        %max3A_603 = arith.maximumf %min3A_594, %min3A_596 : vector<16xf32>
        %min3A_604 = arith.minimumf %min3A_594, %min3A_596 : vector<16xf32>
        %max3A_605 = arith.maximumf %max3A_597, %max3A_599 : vector<16xf32>
        %min3A_606 = arith.minimumf %max3A_597, %max3A_599 : vector<16xf32>
        %max3A_607 = arith.maximumf %min3A_598, %min3A_600 : vector<16xf32>
        %min3A_608 = arith.minimumf %min3A_598, %min3A_600 : vector<16xf32>
        scf.yield %add3A_540, %max3A_601, %min3A_602, %max3A_603, %min3A_604, %max3A_605, %min3A_606, %max3A_607 : vector<16xf32>, vector<16xf32>, vector<16xf32>, vector<16xf32>, vector<16xf32>, vector<16xf32>, vector<16xf32>, vector<16xf32>
      }
      %scan3A_240 = arith.constant 125 : i32
      %sub3A_241 = arith.subf %scan3A_239#1, %gather3A_234 : vector<16xf32>
      %max3A_242 = arith.constant 0.000000e+00 : f32
      %max3A_243 = vector.broadcast %max3A_242 : f32 to vector<16xf32>
      %max3A_244 = arith.maximumf %sub3A_241, %max3A_243 : vector<16xf32>
      %sub3A_245 = arith.subf %scan3A_239#0, %max3A_244 : vector<16xf32>
      %sub3A_246 = arith.subf %scan3A_239#2, %gather3A_234 : vector<16xf32>
      %max3A_247 = arith.constant 0.000000e+00 : f32
      %max3A_248 = vector.broadcast %max3A_247 : f32 to vector<16xf32>
      %max3A_249 = arith.maximumf %sub3A_246, %max3A_248 : vector<16xf32>
      %sub3A_250 = arith.subf %sub3A_245, %max3A_249 : vector<16xf32>
      %sub3A_251 = arith.subf %scan3A_239#3, %gather3A_234 : vector<16xf32>
      %max3A_252 = arith.constant 0.000000e+00 : f32
      %max3A_253 = vector.broadcast %max3A_252 : f32 to vector<16xf32>
      %max3A_254 = arith.maximumf %sub3A_251, %max3A_253 : vector<16xf32>
      %sub3A_255 = arith.subf %sub3A_250, %max3A_254 : vector<16xf32>
      %sub3A_256 = arith.subf %scan3A_239#4, %gather3A_234 : vector<16xf32>
      %max3A_257 = arith.constant 0.000000e+00 : f32
      %max3A_258 = vector.broadcast %max3A_257 : f32 to vector<16xf32>
      %max3A_259 = arith.maximumf %sub3A_256, %max3A_258 : vector<16xf32>
      %sub3A_260 = arith.subf %sub3A_255, %max3A_259 : vector<16xf32>
      %sub3A_261 = arith.subf %scan3A_239#5, %gather3A_234 : vector<16xf32>
      %max3A_262 = arith.constant 0.000000e+00 : f32
      %max3A_263 = vector.broadcast %max3A_262 : f32 to vector<16xf32>
      %max3A_264 = arith.maximumf %sub3A_261, %max3A_263 : vector<16xf32>
      %sub3A_265 = arith.subf %sub3A_260, %max3A_264 : vector<16xf32>
      %sub3A_266 = arith.subf %scan3A_239#6, %gather3A_234 : vector<16xf32>
      %max3A_267 = arith.constant 0.000000e+00 : f32
      %max3A_268 = vector.broadcast %max3A_267 : f32 to vector<16xf32>
      %max3A_269 = arith.maximumf %sub3A_266, %max3A_268 : vector<16xf32>
      %sub3A_270 = arith.subf %sub3A_265, %max3A_269 : vector<16xf32>
      %sub3A_271 = arith.subf %scan3A_239#7, %gather3A_234 : vector<16xf32>
      %max3A_272 = arith.constant 0.000000e+00 : f32
      %max3A_273 = vector.broadcast %max3A_272 : f32 to vector<16xf32>
      %max3A_274 = arith.maximumf %sub3A_271, %max3A_273 : vector<16xf32>
      %sub3A_275 = arith.subf %sub3A_270, %max3A_274 : vector<16xf32>
      %add3A_276 = arith.addf %add3A_223, %sub3A_275 : vector<16xf32>
      %mul3A_277 = arith.constant 128 : i32
      %mul3A_278 = arith.muli %scan3A_12, %mul3A_277 : i32
      %add3A_279 = arith.constant 80 : i32
      %add3A_280 = arith.addi %mul3A_278, %add3A_279 : i32
      %multiple_of3A_281 = tpu.assume_multiple %add3A_280, 16 : i32
      %get3A_282 = arith.index_cast %multiple_of3A_281 : i32 to index
      %get3A_283 = tpu.vector_load %arg6[%get3A_282] {strides = array<i32>} : memref<256xi32, #tpu.memory_space<vmem>>, vector<16xi32>,
      %add3A_284 = arith.constant 80 : i32
      %add3A_285 = vector.broadcast %add3A_284 : i32 to vector<16xi32>
      %add3A_286 = arith.addi %iota3A, %add3A_285 : vector<16xi32>
      %gather3A_287 = tpu.vector_load_idx %arg5[%get3A_283, %add3A_286] : memref<1000x128xf32, #tpu.memory_space<vmem>>[vector<16xi32>, vector<16xi32>], vector<16xf32>,
      %scan3A_288 = arith.constant 0 : i32
      %scan3A_289 = arith.constant 125 : i32
      %scan3A_290 = arith.addi %scan3A_288, %scan3A_289 : i32
      %scan3A_291 = arith.constant 1 : i32
      %scan3A_292:8 = scf.for %scan3A_436 = %scan3A_288 to %scan3A_290 step %scan3A_291 iter_args(%scan3A_437 = %broadcast_in_dim3A_3, %scan3A_438 = %broadcast_in_dim3A_5, %scan3A_439 = %broadcast_in_dim3A_5, %scan3A_440 = %broadcast_in_dim3A_5, %scan3A_441 = %broadcast_in_dim3A_5, %scan3A_442 = %broadcast_in_dim3A_5, %scan3A_443 = %broadcast_in_dim3A_5, %scan3A_444 = %broadcast_in_dim3A_5) -> (vector<16xf32>, vector<16xf32>, vector<16xf32>, vector<16xf32>, vector<16xf32>, vector<16xf32>, vector<16xf32>, vector<16xf32>)  : i32 {
        %mul3A_445 = arith.constant 8 : i32
        %mul3A_446 = arith.muli %scan3A_436, %mul3A_445 : i32
        %add3A_447 = arith.constant 0 : i32
        %add3A_448 = arith.addi %mul3A_446, %add3A_447 : i32
        %get3A_449 = arith.index_cast %add3A_448 : i32 to index
        %get3A_450 = arith.constant 80 : index
        %get3A_451 = tpu.vector_load %arg5[%get3A_449, %get3A_450] {strides = array<i32>} : memref<1000x128xf32, #tpu.memory_space<vmem>>, vector<16xf32>,
        %sub3A_452 = arith.subf %get3A_451, %gather3A_287 : vector<16xf32>
        %max3A_453 = arith.constant 0.000000e+00 : f32
        %max3A_454 = vector.broadcast %max3A_453 : f32 to vector<16xf32>
        %max3A_455 = arith.maximumf %sub3A_452, %max3A_454 : vector<16xf32>
        %add3A_456 = arith.addf %scan3A_437, %max3A_455 : vector<16xf32>
        %mul3A_457 = arith.constant 8 : i32
        %mul3A_458 = arith.muli %scan3A_436, %mul3A_457 : i32
        %add3A_459 = arith.constant 1 : i32
        %add3A_460 = arith.addi %mul3A_458, %add3A_459 : i32
        %get3A_461 = arith.index_cast %add3A_460 : i32 to index
        %get3A_462 = arith.constant 80 : index
        %get3A_463 = tpu.vector_load %arg5[%get3A_461, %get3A_462] {strides = array<i32>} : memref<1000x128xf32, #tpu.memory_space<vmem>>, vector<16xf32>,
        %sub3A_464 = arith.subf %get3A_463, %gather3A_287 : vector<16xf32>
        %max3A_465 = arith.constant 0.000000e+00 : f32
        %max3A_466 = vector.broadcast %max3A_465 : f32 to vector<16xf32>
        %max3A_467 = arith.maximumf %sub3A_464, %max3A_466 : vector<16xf32>
        %add3A_468 = arith.addf %add3A_456, %max3A_467 : vector<16xf32>
        %mul3A_469 = arith.constant 8 : i32
        %mul3A_470 = arith.muli %scan3A_436, %mul3A_469 : i32
        %add3A_471 = arith.constant 2 : i32
        %add3A_472 = arith.addi %mul3A_470, %add3A_471 : i32
        %get3A_473 = arith.index_cast %add3A_472 : i32 to index
        %get3A_474 = arith.constant 80 : index
        %get3A_475 = tpu.vector_load %arg5[%get3A_473, %get3A_474] {strides = array<i32>} : memref<1000x128xf32, #tpu.memory_space<vmem>>, vector<16xf32>,
        %sub3A_476 = arith.subf %get3A_475, %gather3A_287 : vector<16xf32>
        %max3A_477 = arith.constant 0.000000e+00 : f32
        %max3A_478 = vector.broadcast %max3A_477 : f32 to vector<16xf32>
        %max3A_479 = arith.maximumf %sub3A_476, %max3A_478 : vector<16xf32>
        %add3A_480 = arith.addf %add3A_468, %max3A_479 : vector<16xf32>
        %mul3A_481 = arith.constant 8 : i32
        %mul3A_482 = arith.muli %scan3A_436, %mul3A_481 : i32
        %add3A_483 = arith.constant 3 : i32
        %add3A_484 = arith.addi %mul3A_482, %add3A_483 : i32
        %get3A_485 = arith.index_cast %add3A_484 : i32 to index
        %get3A_486 = arith.constant 80 : index
        %get3A_487 = tpu.vector_load %arg5[%get3A_485, %get3A_486] {strides = array<i32>} : memref<1000x128xf32, #tpu.memory_space<vmem>>, vector<16xf32>,
        %sub3A_488 = arith.subf %get3A_487, %gather3A_287 : vector<16xf32>
        %max3A_489 = arith.constant 0.000000e+00 : f32
        %max3A_490 = vector.broadcast %max3A_489 : f32 to vector<16xf32>
        %max3A_491 = arith.maximumf %sub3A_488, %max3A_490 : vector<16xf32>
        %add3A_492 = arith.addf %add3A_480, %max3A_491 : vector<16xf32>
        %mul3A_493 = arith.constant 8 : i32
        %mul3A_494 = arith.muli %scan3A_436, %mul3A_493 : i32
        %add3A_495 = arith.constant 4 : i32
        %add3A_496 = arith.addi %mul3A_494, %add3A_495 : i32
        %get3A_497 = arith.index_cast %add3A_496 : i32 to index
        %get3A_498 = arith.constant 80 : index
        %get3A_499 = tpu.vector_load %arg5[%get3A_497, %get3A_498] {strides = array<i32>} : memref<1000x128xf32, #tpu.memory_space<vmem>>, vector<16xf32>,
        %sub3A_500 = arith.subf %get3A_499, %gather3A_287 : vector<16xf32>
        %max3A_501 = arith.constant 0.000000e+00 : f32
        %max3A_502 = vector.broadcast %max3A_501 : f32 to vector<16xf32>
        %max3A_503 = arith.maximumf %sub3A_500, %max3A_502 : vector<16xf32>
        %add3A_504 = arith.addf %add3A_492, %max3A_503 : vector<16xf32>
        %mul3A_505 = arith.constant 8 : i32
        %mul3A_506 = arith.muli %scan3A_436, %mul3A_505 : i32
        %add3A_507 = arith.constant 5 : i32
        %add3A_508 = arith.addi %mul3A_506, %add3A_507 : i32
        %get3A_509 = arith.index_cast %add3A_508 : i32 to index
        %get3A_510 = arith.constant 80 : index
        %get3A_511 = tpu.vector_load %arg5[%get3A_509, %get3A_510] {strides = array<i32>} : memref<1000x128xf32, #tpu.memory_space<vmem>>, vector<16xf32>,
        %sub3A_512 = arith.subf %get3A_511, %gather3A_287 : vector<16xf32>
        %max3A_513 = arith.constant 0.000000e+00 : f32
        %max3A_514 = vector.broadcast %max3A_513 : f32 to vector<16xf32>
        %max3A_515 = arith.maximumf %sub3A_512, %max3A_514 : vector<16xf32>
        %add3A_516 = arith.addf %add3A_504, %max3A_515 : vector<16xf32>
        %mul3A_517 = arith.constant 8 : i32
        %mul3A_518 = arith.muli %scan3A_436, %mul3A_517 : i32
        %add3A_519 = arith.constant 6 : i32
        %add3A_520 = arith.addi %mul3A_518, %add3A_519 : i32
        %get3A_521 = arith.index_cast %add3A_520 : i32 to index
        %get3A_522 = arith.constant 80 : index
        %get3A_523 = tpu.vector_load %arg5[%get3A_521, %get3A_522] {strides = array<i32>} : memref<1000x128xf32, #tpu.memory_space<vmem>>, vector<16xf32>,
        %sub3A_524 = arith.subf %get3A_523, %gather3A_287 : vector<16xf32>
        %max3A_525 = arith.constant 0.000000e+00 : f32
        %max3A_526 = vector.broadcast %max3A_525 : f32 to vector<16xf32>
        %max3A_527 = arith.maximumf %sub3A_524, %max3A_526 : vector<16xf32>
        %add3A_528 = arith.addf %add3A_516, %max3A_527 : vector<16xf32>
        %mul3A_529 = arith.constant 8 : i32
        %mul3A_530 = arith.muli %scan3A_436, %mul3A_529 : i32
        %add3A_531 = arith.constant 7 : i32
        %add3A_532 = arith.addi %mul3A_530, %add3A_531 : i32
        %get3A_533 = arith.index_cast %add3A_532 : i32 to index
        %get3A_534 = arith.constant 80 : index
        %get3A_535 = tpu.vector_load %arg5[%get3A_533, %get3A_534] {strides = array<i32>} : memref<1000x128xf32, #tpu.memory_space<vmem>>, vector<16xf32>,
        %sub3A_536 = arith.subf %get3A_535, %gather3A_287 : vector<16xf32>
        %max3A_537 = arith.constant 0.000000e+00 : f32
        %max3A_538 = vector.broadcast %max3A_537 : f32 to vector<16xf32>
        %max3A_539 = arith.maximumf %sub3A_536, %max3A_538 : vector<16xf32>
        %add3A_540 = arith.addf %add3A_528, %max3A_539 : vector<16xf32>
        %max3A_541 = arith.maximumf %get3A_451, %get3A_463 : vector<16xf32>
        %min3A = arith.minimumf %get3A_451, %get3A_463 : vector<16xf32>
        %max3A_542 = arith.maximumf %get3A_475, %get3A_487 : vector<16xf32>
        %min3A_543 = arith.minimumf %get3A_475, %get3A_487 : vector<16xf32>
        %max3A_544 = arith.maximumf %get3A_499, %get3A_511 : vector<16xf32>
        %min3A_545 = arith.minimumf %get3A_499, %get3A_511 : vector<16xf32>
        %max3A_546 = arith.maximumf %get3A_523, %get3A_535 : vector<16xf32>
        %min3A_547 = arith.minimumf %get3A_523, %get3A_535 : vector<16xf32>
        %max3A_548 = arith.maximumf %max3A_541, %max3A_542 : vector<16xf32>
        %min3A_549 = arith.minimumf %max3A_541, %max3A_542 : vector<16xf32>
        %max3A_550 = arith.maximumf %min3A, %min3A_543 : vector<16xf32>
        %min3A_551 = arith.minimumf %min3A, %min3A_543 : vector<16xf32>
        %max3A_552 = arith.maximumf %max3A_544, %max3A_546 : vector<16xf32>
        %min3A_553 = arith.minimumf %max3A_544, %max3A_546 : vector<16xf32>
        %max3A_554 = arith.maximumf %min3A_545, %min3A_547 : vector<16xf32>
        %min3A_555 = arith.minimumf %min3A_545, %min3A_547 : vector<16xf32>
        %max3A_556 = arith.maximumf %max3A_550, %min3A_549 : vector<16xf32>
        %min3A_557 = arith.minimumf %max3A_550, %min3A_549 : vector<16xf32>
        %max3A_558 = arith.maximumf %max3A_554, %min3A_553 : vector<16xf32>
        %min3A_559 = arith.minimumf %max3A_554, %min3A_553 : vector<16xf32>
        %max3A_560 = arith.maximumf %max3A_548, %max3A_552 : vector<16xf32>
        %min3A_561 = arith.minimumf %max3A_548, %max3A_552 : vector<16xf32>
        %max3A_562 = arith.maximumf %max3A_556, %max3A_558 : vector<16xf32>
        %min3A_563 = arith.minimumf %max3A_556, %max3A_558 : vector<16xf32>
        %max3A_564 = arith.maximumf %min3A_557, %min3A_559 : vector<16xf32>
        %min3A_565 = arith.minimumf %min3A_557, %min3A_559 : vector<16xf32>
        %max3A_566 = arith.maximumf %min3A_551, %min3A_555 : vector<16xf32>
        %min3A_567 = arith.minimumf %min3A_551, %min3A_555 : vector<16xf32>
        %max3A_568 = arith.maximumf %max3A_564, %min3A_561 : vector<16xf32>
        %min3A_569 = arith.minimumf %max3A_564, %min3A_561 : vector<16xf32>
        %max3A_570 = arith.maximumf %max3A_566, %min3A_563 : vector<16xf32>
        %min3A_571 = arith.minimumf %max3A_566, %min3A_563 : vector<16xf32>
        %max3A_572 = arith.maximumf %max3A_562, %max3A_568 : vector<16xf32>
        %min3A_573 = arith.minimumf %max3A_562, %max3A_568 : vector<16xf32>
        %max3A_574 = arith.maximumf %max3A_570, %min3A_569 : vector<16xf32>
        %min3A_575 = arith.minimumf %max3A_570, %min3A_569 : vector<16xf32>
        %max3A_576 = arith.maximumf %min3A_571, %min3A_565 : vector<16xf32>
        %min3A_577 = arith.minimumf %min3A_571, %min3A_565 : vector<16xf32>
        %max3A_578 = arith.maximumf %scan3A_438, %min3A_567 : vector<16xf32>
        %max3A_579 = arith.maximumf %scan3A_439, %min3A_577 : vector<16xf32>
        %max3A_580 = arith.maximumf %scan3A_440, %max3A_576 : vector<16xf32>
        %max3A_581 = arith.maximumf %scan3A_441, %min3A_575 : vector<16xf32>
        %max3A_582 = arith.maximumf %scan3A_442, %max3A_574 : vector<16xf32>
        %max3A_583 = arith.maximumf %scan3A_443, %min3A_573 : vector<16xf32>
        %max3A_584 = arith.maximumf %scan3A_444, %max3A_572 : vector<16xf32>
        %max3A_585 = arith.maximumf %max3A_578, %max3A_582 : vector<16xf32>
        %min3A_586 = arith.minimumf %max3A_578, %max3A_582 : vector<16xf32>
        %max3A_587 = arith.maximumf %max3A_579, %max3A_583 : vector<16xf32>
        %min3A_588 = arith.minimumf %max3A_579, %max3A_583 : vector<16xf32>
        %max3A_589 = arith.maximumf %max3A_580, %max3A_584 : vector<16xf32>
        %min3A_590 = arith.minimumf %max3A_580, %max3A_584 : vector<16xf32>
        %max3A_591 = arith.maximumf %max3A_581, %max3A_560 : vector<16xf32>
        %min3A_592 = arith.minimumf %max3A_581, %max3A_560 : vector<16xf32>
        %max3A_593 = arith.maximumf %max3A_585, %max3A_589 : vector<16xf32>
        %min3A_594 = arith.minimumf %max3A_585, %max3A_589 : vector<16xf32>
        %max3A_595 = arith.maximumf %max3A_587, %max3A_591 : vector<16xf32>
        %min3A_596 = arith.minimumf %max3A_587, %max3A_591 : vector<16xf32>
        %max3A_597 = arith.maximumf %min3A_586, %min3A_590 : vector<16xf32>
        %min3A_598 = arith.minimumf %min3A_586, %min3A_590 : vector<16xf32>
        %max3A_599 = arith.maximumf %min3A_588, %min3A_592 : vector<16xf32>
        %min3A_600 = arith.minimumf %min3A_588, %min3A_592 : vector<16xf32>
        %max3A_601 = arith.maximumf %max3A_593, %max3A_595 : vector<16xf32>
        %min3A_602 = arith.minimumf %max3A_593, %max3A_595 : vector<16xf32>
        %max3A_603 = arith.maximumf %min3A_594, %min3A_596 : vector<16xf32>
        %min3A_604 = arith.minimumf %min3A_594, %min3A_596 : vector<16xf32>
        %max3A_605 = arith.maximumf %max3A_597, %max3A_599 : vector<16xf32>
        %min3A_606 = arith.minimumf %max3A_597, %max3A_599 : vector<16xf32>
        %max3A_607 = arith.maximumf %min3A_598, %min3A_600 : vector<16xf32>
        %min3A_608 = arith.minimumf %min3A_598, %min3A_600 : vector<16xf32>
        scf.yield %add3A_540, %max3A_601, %min3A_602, %max3A_603, %min3A_604, %max3A_605, %min3A_606, %max3A_607 : vector<16xf32>, vector<16xf32>, vector<16xf32>, vector<16xf32>, vector<16xf32>, vector<16xf32>, vector<16xf32>, vector<16xf32>
      }
      %scan3A_293 = arith.constant 125 : i32
      %sub3A_294 = arith.subf %scan3A_292#1, %gather3A_287 : vector<16xf32>
      %max3A_295 = arith.constant 0.000000e+00 : f32
      %max3A_296 = vector.broadcast %max3A_295 : f32 to vector<16xf32>
      %max3A_297 = arith.maximumf %sub3A_294, %max3A_296 : vector<16xf32>
      %sub3A_298 = arith.subf %scan3A_292#0, %max3A_297 : vector<16xf32>
      %sub3A_299 = arith.subf %scan3A_292#2, %gather3A_287 : vector<16xf32>
      %max3A_300 = arith.constant 0.000000e+00 : f32
      %max3A_301 = vector.broadcast %max3A_300 : f32 to vector<16xf32>
      %max3A_302 = arith.maximumf %sub3A_299, %max3A_301 : vector<16xf32>
      %sub3A_303 = arith.subf %sub3A_298, %max3A_302 : vector<16xf32>
      %sub3A_304 = arith.subf %scan3A_292#3, %gather3A_287 : vector<16xf32>
      %max3A_305 = arith.constant 0.000000e+00 : f32
      %max3A_306 = vector.broadcast %max3A_305 : f32 to vector<16xf32>
      %max3A_307 = arith.maximumf %sub3A_304, %max3A_306 : vector<16xf32>
      %sub3A_308 = arith.subf %sub3A_303, %max3A_307 : vector<16xf32>
      %sub3A_309 = arith.subf %scan3A_292#4, %gather3A_287 : vector<16xf32>
      %max3A_310 = arith.constant 0.000000e+00 : f32
      %max3A_311 = vector.broadcast %max3A_310 : f32 to vector<16xf32>
      %max3A_312 = arith.maximumf %sub3A_309, %max3A_311 : vector<16xf32>
      %sub3A_313 = arith.subf %sub3A_308, %max3A_312 : vector<16xf32>
      %sub3A_314 = arith.subf %scan3A_292#5, %gather3A_287 : vector<16xf32>
      %max3A_315 = arith.constant 0.000000e+00 : f32
      %max3A_316 = vector.broadcast %max3A_315 : f32 to vector<16xf32>
      %max3A_317 = arith.maximumf %sub3A_314, %max3A_316 : vector<16xf32>
      %sub3A_318 = arith.subf %sub3A_313, %max3A_317 : vector<16xf32>
      %sub3A_319 = arith.subf %scan3A_292#6, %gather3A_287 : vector<16xf32>
      %max3A_320 = arith.constant 0.000000e+00 : f32
      %max3A_321 = vector.broadcast %max3A_320 : f32 to vector<16xf32>
      %max3A_322 = arith.maximumf %sub3A_319, %max3A_321 : vector<16xf32>
      %sub3A_323 = arith.subf %sub3A_318, %max3A_322 : vector<16xf32>
      %sub3A_324 = arith.subf %scan3A_292#7, %gather3A_287 : vector<16xf32>
      %max3A_325 = arith.constant 0.000000e+00 : f32
      %max3A_326 = vector.broadcast %max3A_325 : f32 to vector<16xf32>
      %max3A_327 = arith.maximumf %sub3A_324, %max3A_326 : vector<16xf32>
      %sub3A_328 = arith.subf %sub3A_323, %max3A_327 : vector<16xf32>
      %add3A_329 = arith.addf %add3A_276, %sub3A_328 : vector<16xf32>
      %mul3A_330 = arith.constant 128 : i32
      %mul3A_331 = arith.muli %scan3A_12, %mul3A_330 : i32
      %add3A_332 = arith.constant 96 : i32
      %add3A_333 = arith.addi %mul3A_331, %add3A_332 : i32
      %multiple_of3A_334 = tpu.assume_multiple %add3A_333, 16 : i32
      %get3A_335 = arith.index_cast %multiple_of3A_334 : i32 to index
      %get3A_336 = tpu.vector_load %arg6[%get3A_335] {strides = array<i32>} : memref<256xi32, #tpu.memory_space<vmem>>, vector<16xi32>,
      %add3A_337 = arith.constant 96 : i32
      %add3A_338 = vector.broadcast %add3A_337 : i32 to vector<16xi32>
      %add3A_339 = arith.addi %iota3A, %add3A_338 : vector<16xi32>
      %gather3A_340 = tpu.vector_load_idx %arg5[%get3A_336, %add3A_339] : memref<1000x128xf32, #tpu.memory_space<vmem>>[vector<16xi32>, vector<16xi32>], vector<16xf32>,
      %scan3A_341 = arith.constant 0 : i32
      %scan3A_342 = arith.constant 125 : i32
      %scan3A_343 = arith.addi %scan3A_341, %scan3A_342 : i32
      %scan3A_344 = arith.constant 1 : i32
      %scan3A_345:8 = scf.for %scan3A_436 = %scan3A_341 to %scan3A_343 step %scan3A_344 iter_args(%scan3A_437 = %broadcast_in_dim3A_3, %scan3A_438 = %broadcast_in_dim3A_5, %scan3A_439 = %broadcast_in_dim3A_5, %scan3A_440 = %broadcast_in_dim3A_5, %scan3A_441 = %broadcast_in_dim3A_5, %scan3A_442 = %broadcast_in_dim3A_5, %scan3A_443 = %broadcast_in_dim3A_5, %scan3A_444 = %broadcast_in_dim3A_5) -> (vector<16xf32>, vector<16xf32>, vector<16xf32>, vector<16xf32>, vector<16xf32>, vector<16xf32>, vector<16xf32>, vector<16xf32>)  : i32 {
        %mul3A_445 = arith.constant 8 : i32
        %mul3A_446 = arith.muli %scan3A_436, %mul3A_445 : i32
        %add3A_447 = arith.constant 0 : i32
        %add3A_448 = arith.addi %mul3A_446, %add3A_447 : i32
        %get3A_449 = arith.index_cast %add3A_448 : i32 to index
        %get3A_450 = arith.constant 96 : index
        %get3A_451 = tpu.vector_load %arg5[%get3A_449, %get3A_450] {strides = array<i32>} : memref<1000x128xf32, #tpu.memory_space<vmem>>, vector<16xf32>,
        %sub3A_452 = arith.subf %get3A_451, %gather3A_340 : vector<16xf32>
        %max3A_453 = arith.constant 0.000000e+00 : f32
        %max3A_454 = vector.broadcast %max3A_453 : f32 to vector<16xf32>
        %max3A_455 = arith.maximumf %sub3A_452, %max3A_454 : vector<16xf32>
        %add3A_456 = arith.addf %scan3A_437, %max3A_455 : vector<16xf32>
        %mul3A_457 = arith.constant 8 : i32
        %mul3A_458 = arith.muli %scan3A_436, %mul3A_457 : i32
        %add3A_459 = arith.constant 1 : i32
        %add3A_460 = arith.addi %mul3A_458, %add3A_459 : i32
        %get3A_461 = arith.index_cast %add3A_460 : i32 to index
        %get3A_462 = arith.constant 96 : index
        %get3A_463 = tpu.vector_load %arg5[%get3A_461, %get3A_462] {strides = array<i32>} : memref<1000x128xf32, #tpu.memory_space<vmem>>, vector<16xf32>,
        %sub3A_464 = arith.subf %get3A_463, %gather3A_340 : vector<16xf32>
        %max3A_465 = arith.constant 0.000000e+00 : f32
        %max3A_466 = vector.broadcast %max3A_465 : f32 to vector<16xf32>
        %max3A_467 = arith.maximumf %sub3A_464, %max3A_466 : vector<16xf32>
        %add3A_468 = arith.addf %add3A_456, %max3A_467 : vector<16xf32>
        %mul3A_469 = arith.constant 8 : i32
        %mul3A_470 = arith.muli %scan3A_436, %mul3A_469 : i32
        %add3A_471 = arith.constant 2 : i32
        %add3A_472 = arith.addi %mul3A_470, %add3A_471 : i32
        %get3A_473 = arith.index_cast %add3A_472 : i32 to index
        %get3A_474 = arith.constant 96 : index
        %get3A_475 = tpu.vector_load %arg5[%get3A_473, %get3A_474] {strides = array<i32>} : memref<1000x128xf32, #tpu.memory_space<vmem>>, vector<16xf32>,
        %sub3A_476 = arith.subf %get3A_475, %gather3A_340 : vector<16xf32>
        %max3A_477 = arith.constant 0.000000e+00 : f32
        %max3A_478 = vector.broadcast %max3A_477 : f32 to vector<16xf32>
        %max3A_479 = arith.maximumf %sub3A_476, %max3A_478 : vector<16xf32>
        %add3A_480 = arith.addf %add3A_468, %max3A_479 : vector<16xf32>
        %mul3A_481 = arith.constant 8 : i32
        %mul3A_482 = arith.muli %scan3A_436, %mul3A_481 : i32
        %add3A_483 = arith.constant 3 : i32
        %add3A_484 = arith.addi %mul3A_482, %add3A_483 : i32
        %get3A_485 = arith.index_cast %add3A_484 : i32 to index
        %get3A_486 = arith.constant 96 : index
        %get3A_487 = tpu.vector_load %arg5[%get3A_485, %get3A_486] {strides = array<i32>} : memref<1000x128xf32, #tpu.memory_space<vmem>>, vector<16xf32>,
        %sub3A_488 = arith.subf %get3A_487, %gather3A_340 : vector<16xf32>
        %max3A_489 = arith.constant 0.000000e+00 : f32
        %max3A_490 = vector.broadcast %max3A_489 : f32 to vector<16xf32>
        %max3A_491 = arith.maximumf %sub3A_488, %max3A_490 : vector<16xf32>
        %add3A_492 = arith.addf %add3A_480, %max3A_491 : vector<16xf32>
        %mul3A_493 = arith.constant 8 : i32
        %mul3A_494 = arith.muli %scan3A_436, %mul3A_493 : i32
        %add3A_495 = arith.constant 4 : i32
        %add3A_496 = arith.addi %mul3A_494, %add3A_495 : i32
        %get3A_497 = arith.index_cast %add3A_496 : i32 to index
        %get3A_498 = arith.constant 96 : index
        %get3A_499 = tpu.vector_load %arg5[%get3A_497, %get3A_498] {strides = array<i32>} : memref<1000x128xf32, #tpu.memory_space<vmem>>, vector<16xf32>,
        %sub3A_500 = arith.subf %get3A_499, %gather3A_340 : vector<16xf32>
        %max3A_501 = arith.constant 0.000000e+00 : f32
        %max3A_502 = vector.broadcast %max3A_501 : f32 to vector<16xf32>
        %max3A_503 = arith.maximumf %sub3A_500, %max3A_502 : vector<16xf32>
        %add3A_504 = arith.addf %add3A_492, %max3A_503 : vector<16xf32>
        %mul3A_505 = arith.constant 8 : i32
        %mul3A_506 = arith.muli %scan3A_436, %mul3A_505 : i32
        %add3A_507 = arith.constant 5 : i32
        %add3A_508 = arith.addi %mul3A_506, %add3A_507 : i32
        %get3A_509 = arith.index_cast %add3A_508 : i32 to index
        %get3A_510 = arith.constant 96 : index
        %get3A_511 = tpu.vector_load %arg5[%get3A_509, %get3A_510] {strides = array<i32>} : memref<1000x128xf32, #tpu.memory_space<vmem>>, vector<16xf32>,
        %sub3A_512 = arith.subf %get3A_511, %gather3A_340 : vector<16xf32>
        %max3A_513 = arith.constant 0.000000e+00 : f32
        %max3A_514 = vector.broadcast %max3A_513 : f32 to vector<16xf32>
        %max3A_515 = arith.maximumf %sub3A_512, %max3A_514 : vector<16xf32>
        %add3A_516 = arith.addf %add3A_504, %max3A_515 : vector<16xf32>
        %mul3A_517 = arith.constant 8 : i32
        %mul3A_518 = arith.muli %scan3A_436, %mul3A_517 : i32
        %add3A_519 = arith.constant 6 : i32
        %add3A_520 = arith.addi %mul3A_518, %add3A_519 : i32
        %get3A_521 = arith.index_cast %add3A_520 : i32 to index
        %get3A_522 = arith.constant 96 : index
        %get3A_523 = tpu.vector_load %arg5[%get3A_521, %get3A_522] {strides = array<i32>} : memref<1000x128xf32, #tpu.memory_space<vmem>>, vector<16xf32>,
        %sub3A_524 = arith.subf %get3A_523, %gather3A_340 : vector<16xf32>
        %max3A_525 = arith.constant 0.000000e+00 : f32
        %max3A_526 = vector.broadcast %max3A_525 : f32 to vector<16xf32>
        %max3A_527 = arith.maximumf %sub3A_524, %max3A_526 : vector<16xf32>
        %add3A_528 = arith.addf %add3A_516, %max3A_527 : vector<16xf32>
        %mul3A_529 = arith.constant 8 : i32
        %mul3A_530 = arith.muli %scan3A_436, %mul3A_529 : i32
        %add3A_531 = arith.constant 7 : i32
        %add3A_532 = arith.addi %mul3A_530, %add3A_531 : i32
        %get3A_533 = arith.index_cast %add3A_532 : i32 to index
        %get3A_534 = arith.constant 96 : index
        %get3A_535 = tpu.vector_load %arg5[%get3A_533, %get3A_534] {strides = array<i32>} : memref<1000x128xf32, #tpu.memory_space<vmem>>, vector<16xf32>,
        %sub3A_536 = arith.subf %get3A_535, %gather3A_340 : vector<16xf32>
        %max3A_537 = arith.constant 0.000000e+00 : f32
        %max3A_538 = vector.broadcast %max3A_537 : f32 to vector<16xf32>
        %max3A_539 = arith.maximumf %sub3A_536, %max3A_538 : vector<16xf32>
        %add3A_540 = arith.addf %add3A_528, %max3A_539 : vector<16xf32>
        %max3A_541 = arith.maximumf %get3A_451, %get3A_463 : vector<16xf32>
        %min3A = arith.minimumf %get3A_451, %get3A_463 : vector<16xf32>
        %max3A_542 = arith.maximumf %get3A_475, %get3A_487 : vector<16xf32>
        %min3A_543 = arith.minimumf %get3A_475, %get3A_487 : vector<16xf32>
        %max3A_544 = arith.maximumf %get3A_499, %get3A_511 : vector<16xf32>
        %min3A_545 = arith.minimumf %get3A_499, %get3A_511 : vector<16xf32>
        %max3A_546 = arith.maximumf %get3A_523, %get3A_535 : vector<16xf32>
        %min3A_547 = arith.minimumf %get3A_523, %get3A_535 : vector<16xf32>
        %max3A_548 = arith.maximumf %max3A_541, %max3A_542 : vector<16xf32>
        %min3A_549 = arith.minimumf %max3A_541, %max3A_542 : vector<16xf32>
        %max3A_550 = arith.maximumf %min3A, %min3A_543 : vector<16xf32>
        %min3A_551 = arith.minimumf %min3A, %min3A_543 : vector<16xf32>
        %max3A_552 = arith.maximumf %max3A_544, %max3A_546 : vector<16xf32>
        %min3A_553 = arith.minimumf %max3A_544, %max3A_546 : vector<16xf32>
        %max3A_554 = arith.maximumf %min3A_545, %min3A_547 : vector<16xf32>
        %min3A_555 = arith.minimumf %min3A_545, %min3A_547 : vector<16xf32>
        %max3A_556 = arith.maximumf %max3A_550, %min3A_549 : vector<16xf32>
        %min3A_557 = arith.minimumf %max3A_550, %min3A_549 : vector<16xf32>
        %max3A_558 = arith.maximumf %max3A_554, %min3A_553 : vector<16xf32>
        %min3A_559 = arith.minimumf %max3A_554, %min3A_553 : vector<16xf32>
        %max3A_560 = arith.maximumf %max3A_548, %max3A_552 : vector<16xf32>
        %min3A_561 = arith.minimumf %max3A_548, %max3A_552 : vector<16xf32>
        %max3A_562 = arith.maximumf %max3A_556, %max3A_558 : vector<16xf32>
        %min3A_563 = arith.minimumf %max3A_556, %max3A_558 : vector<16xf32>
        %max3A_564 = arith.maximumf %min3A_557, %min3A_559 : vector<16xf32>
        %min3A_565 = arith.minimumf %min3A_557, %min3A_559 : vector<16xf32>
        %max3A_566 = arith.maximumf %min3A_551, %min3A_555 : vector<16xf32>
        %min3A_567 = arith.minimumf %min3A_551, %min3A_555 : vector<16xf32>
        %max3A_568 = arith.maximumf %max3A_564, %min3A_561 : vector<16xf32>
        %min3A_569 = arith.minimumf %max3A_564, %min3A_561 : vector<16xf32>
        %max3A_570 = arith.maximumf %max3A_566, %min3A_563 : vector<16xf32>
        %min3A_571 = arith.minimumf %max3A_566, %min3A_563 : vector<16xf32>
        %max3A_572 = arith.maximumf %max3A_562, %max3A_568 : vector<16xf32>
        %min3A_573 = arith.minimumf %max3A_562, %max3A_568 : vector<16xf32>
        %max3A_574 = arith.maximumf %max3A_570, %min3A_569 : vector<16xf32>
        %min3A_575 = arith.minimumf %max3A_570, %min3A_569 : vector<16xf32>
        %max3A_576 = arith.maximumf %min3A_571, %min3A_565 : vector<16xf32>
        %min3A_577 = arith.minimumf %min3A_571, %min3A_565 : vector<16xf32>
        %max3A_578 = arith.maximumf %scan3A_438, %min3A_567 : vector<16xf32>
        %max3A_579 = arith.maximumf %scan3A_439, %min3A_577 : vector<16xf32>
        %max3A_580 = arith.maximumf %scan3A_440, %max3A_576 : vector<16xf32>
        %max3A_581 = arith.maximumf %scan3A_441, %min3A_575 : vector<16xf32>
        %max3A_582 = arith.maximumf %scan3A_442, %max3A_574 : vector<16xf32>
        %max3A_583 = arith.maximumf %scan3A_443, %min3A_573 : vector<16xf32>
        %max3A_584 = arith.maximumf %scan3A_444, %max3A_572 : vector<16xf32>
        %max3A_585 = arith.maximumf %max3A_578, %max3A_582 : vector<16xf32>
        %min3A_586 = arith.minimumf %max3A_578, %max3A_582 : vector<16xf32>
        %max3A_587 = arith.maximumf %max3A_579, %max3A_583 : vector<16xf32>
        %min3A_588 = arith.minimumf %max3A_579, %max3A_583 : vector<16xf32>
        %max3A_589 = arith.maximumf %max3A_580, %max3A_584 : vector<16xf32>
        %min3A_590 = arith.minimumf %max3A_580, %max3A_584 : vector<16xf32>
        %max3A_591 = arith.maximumf %max3A_581, %max3A_560 : vector<16xf32>
        %min3A_592 = arith.minimumf %max3A_581, %max3A_560 : vector<16xf32>
        %max3A_593 = arith.maximumf %max3A_585, %max3A_589 : vector<16xf32>
        %min3A_594 = arith.minimumf %max3A_585, %max3A_589 : vector<16xf32>
        %max3A_595 = arith.maximumf %max3A_587, %max3A_591 : vector<16xf32>
        %min3A_596 = arith.minimumf %max3A_587, %max3A_591 : vector<16xf32>
        %max3A_597 = arith.maximumf %min3A_586, %min3A_590 : vector<16xf32>
        %min3A_598 = arith.minimumf %min3A_586, %min3A_590 : vector<16xf32>
        %max3A_599 = arith.maximumf %min3A_588, %min3A_592 : vector<16xf32>
        %min3A_600 = arith.minimumf %min3A_588, %min3A_592 : vector<16xf32>
        %max3A_601 = arith.maximumf %max3A_593, %max3A_595 : vector<16xf32>
        %min3A_602 = arith.minimumf %max3A_593, %max3A_595 : vector<16xf32>
        %max3A_603 = arith.maximumf %min3A_594, %min3A_596 : vector<16xf32>
        %min3A_604 = arith.minimumf %min3A_594, %min3A_596 : vector<16xf32>
        %max3A_605 = arith.maximumf %max3A_597, %max3A_599 : vector<16xf32>
        %min3A_606 = arith.minimumf %max3A_597, %max3A_599 : vector<16xf32>
        %max3A_607 = arith.maximumf %min3A_598, %min3A_600 : vector<16xf32>
        %min3A_608 = arith.minimumf %min3A_598, %min3A_600 : vector<16xf32>
        scf.yield %add3A_540, %max3A_601, %min3A_602, %max3A_603, %min3A_604, %max3A_605, %min3A_606, %max3A_607 : vector<16xf32>, vector<16xf32>, vector<16xf32>, vector<16xf32>, vector<16xf32>, vector<16xf32>, vector<16xf32>, vector<16xf32>
      }
      %scan3A_346 = arith.constant 125 : i32
      %sub3A_347 = arith.subf %scan3A_345#1, %gather3A_340 : vector<16xf32>
      %max3A_348 = arith.constant 0.000000e+00 : f32
      %max3A_349 = vector.broadcast %max3A_348 : f32 to vector<16xf32>
      %max3A_350 = arith.maximumf %sub3A_347, %max3A_349 : vector<16xf32>
      %sub3A_351 = arith.subf %scan3A_345#0, %max3A_350 : vector<16xf32>
      %sub3A_352 = arith.subf %scan3A_345#2, %gather3A_340 : vector<16xf32>
      %max3A_353 = arith.constant 0.000000e+00 : f32
      %max3A_354 = vector.broadcast %max3A_353 : f32 to vector<16xf32>
      %max3A_355 = arith.maximumf %sub3A_352, %max3A_354 : vector<16xf32>
      %sub3A_356 = arith.subf %sub3A_351, %max3A_355 : vector<16xf32>
      %sub3A_357 = arith.subf %scan3A_345#3, %gather3A_340 : vector<16xf32>
      %max3A_358 = arith.constant 0.000000e+00 : f32
      %max3A_359 = vector.broadcast %max3A_358 : f32 to vector<16xf32>
      %max3A_360 = arith.maximumf %sub3A_357, %max3A_359 : vector<16xf32>
      %sub3A_361 = arith.subf %sub3A_356, %max3A_360 : vector<16xf32>
      %sub3A_362 = arith.subf %scan3A_345#4, %gather3A_340 : vector<16xf32>
      %max3A_363 = arith.constant 0.000000e+00 : f32
      %max3A_364 = vector.broadcast %max3A_363 : f32 to vector<16xf32>
      %max3A_365 = arith.maximumf %sub3A_362, %max3A_364 : vector<16xf32>
      %sub3A_366 = arith.subf %sub3A_361, %max3A_365 : vector<16xf32>
      %sub3A_367 = arith.subf %scan3A_345#5, %gather3A_340 : vector<16xf32>
      %max3A_368 = arith.constant 0.000000e+00 : f32
      %max3A_369 = vector.broadcast %max3A_368 : f32 to vector<16xf32>
      %max3A_370 = arith.maximumf %sub3A_367, %max3A_369 : vector<16xf32>
      %sub3A_371 = arith.subf %sub3A_366, %max3A_370 : vector<16xf32>
      %sub3A_372 = arith.subf %scan3A_345#6, %gather3A_340 : vector<16xf32>
      %max3A_373 = arith.constant 0.000000e+00 : f32
      %max3A_374 = vector.broadcast %max3A_373 : f32 to vector<16xf32>
      %max3A_375 = arith.maximumf %sub3A_372, %max3A_374 : vector<16xf32>
      %sub3A_376 = arith.subf %sub3A_371, %max3A_375 : vector<16xf32>
      %sub3A_377 = arith.subf %scan3A_345#7, %gather3A_340 : vector<16xf32>
      %max3A_378 = arith.constant 0.000000e+00 : f32
      %max3A_379 = vector.broadcast %max3A_378 : f32 to vector<16xf32>
      %max3A_380 = arith.maximumf %sub3A_377, %max3A_379 : vector<16xf32>
      %sub3A_381 = arith.subf %sub3A_376, %max3A_380 : vector<16xf32>
      %add3A_382 = arith.addf %add3A_329, %sub3A_381 : vector<16xf32>
      %mul3A_383 = arith.constant 128 : i32
      %mul3A_384 = arith.muli %scan3A_12, %mul3A_383 : i32
      %add3A_385 = arith.constant 112 : i32
      %add3A_386 = arith.addi %mul3A_384, %add3A_385 : i32
      %multiple_of3A_387 = tpu.assume_multiple %add3A_386, 16 : i32
      %get3A_388 = arith.index_cast %multiple_of3A_387 : i32 to index
      %get3A_389 = tpu.vector_load %arg6[%get3A_388] {strides = array<i32>} : memref<256xi32, #tpu.memory_space<vmem>>, vector<16xi32>,
      %add3A_390 = arith.constant 112 : i32
      %add3A_391 = vector.broadcast %add3A_390 : i32 to vector<16xi32>
      %add3A_392 = arith.addi %iota3A, %add3A_391 : vector<16xi32>
      %gather3A_393 = tpu.vector_load_idx %arg5[%get3A_389, %add3A_392] : memref<1000x128xf32, #tpu.memory_space<vmem>>[vector<16xi32>, vector<16xi32>], vector<16xf32>,
      %scan3A_394 = arith.constant 0 : i32
      %scan3A_395 = arith.constant 125 : i32
      %scan3A_396 = arith.addi %scan3A_394, %scan3A_395 : i32
      %scan3A_397 = arith.constant 1 : i32
      %scan3A_398:8 = scf.for %scan3A_436 = %scan3A_394 to %scan3A_396 step %scan3A_397 iter_args(%scan3A_437 = %broadcast_in_dim3A_3, %scan3A_438 = %broadcast_in_dim3A_5, %scan3A_439 = %broadcast_in_dim3A_5, %scan3A_440 = %broadcast_in_dim3A_5, %scan3A_441 = %broadcast_in_dim3A_5, %scan3A_442 = %broadcast_in_dim3A_5, %scan3A_443 = %broadcast_in_dim3A_5, %scan3A_444 = %broadcast_in_dim3A_5) -> (vector<16xf32>, vector<16xf32>, vector<16xf32>, vector<16xf32>, vector<16xf32>, vector<16xf32>, vector<16xf32>, vector<16xf32>)  : i32 {
        %mul3A_445 = arith.constant 8 : i32
        %mul3A_446 = arith.muli %scan3A_436, %mul3A_445 : i32
        %add3A_447 = arith.constant 0 : i32
        %add3A_448 = arith.addi %mul3A_446, %add3A_447 : i32
        %get3A_449 = arith.index_cast %add3A_448 : i32 to index
        %get3A_450 = arith.constant 112 : index
        %get3A_451 = tpu.vector_load %arg5[%get3A_449, %get3A_450] {strides = array<i32>} : memref<1000x128xf32, #tpu.memory_space<vmem>>, vector<16xf32>,
        %sub3A_452 = arith.subf %get3A_451, %gather3A_393 : vector<16xf32>
        %max3A_453 = arith.constant 0.000000e+00 : f32
        %max3A_454 = vector.broadcast %max3A_453 : f32 to vector<16xf32>
        %max3A_455 = arith.maximumf %sub3A_452, %max3A_454 : vector<16xf32>
        %add3A_456 = arith.addf %scan3A_437, %max3A_455 : vector<16xf32>
        %mul3A_457 = arith.constant 8 : i32
        %mul3A_458 = arith.muli %scan3A_436, %mul3A_457 : i32
        %add3A_459 = arith.constant 1 : i32
        %add3A_460 = arith.addi %mul3A_458, %add3A_459 : i32
        %get3A_461 = arith.index_cast %add3A_460 : i32 to index
        %get3A_462 = arith.constant 112 : index
        %get3A_463 = tpu.vector_load %arg5[%get3A_461, %get3A_462] {strides = array<i32>} : memref<1000x128xf32, #tpu.memory_space<vmem>>, vector<16xf32>,
        %sub3A_464 = arith.subf %get3A_463, %gather3A_393 : vector<16xf32>
        %max3A_465 = arith.constant 0.000000e+00 : f32
        %max3A_466 = vector.broadcast %max3A_465 : f32 to vector<16xf32>
        %max3A_467 = arith.maximumf %sub3A_464, %max3A_466 : vector<16xf32>
        %add3A_468 = arith.addf %add3A_456, %max3A_467 : vector<16xf32>
        %mul3A_469 = arith.constant 8 : i32
        %mul3A_470 = arith.muli %scan3A_436, %mul3A_469 : i32
        %add3A_471 = arith.constant 2 : i32
        %add3A_472 = arith.addi %mul3A_470, %add3A_471 : i32
        %get3A_473 = arith.index_cast %add3A_472 : i32 to index
        %get3A_474 = arith.constant 112 : index
        %get3A_475 = tpu.vector_load %arg5[%get3A_473, %get3A_474] {strides = array<i32>} : memref<1000x128xf32, #tpu.memory_space<vmem>>, vector<16xf32>,
        %sub3A_476 = arith.subf %get3A_475, %gather3A_393 : vector<16xf32>
        %max3A_477 = arith.constant 0.000000e+00 : f32
        %max3A_478 = vector.broadcast %max3A_477 : f32 to vector<16xf32>
        %max3A_479 = arith.maximumf %sub3A_476, %max3A_478 : vector<16xf32>
        %add3A_480 = arith.addf %add3A_468, %max3A_479 : vector<16xf32>
        %mul3A_481 = arith.constant 8 : i32
        %mul3A_482 = arith.muli %scan3A_436, %mul3A_481 : i32
        %add3A_483 = arith.constant 3 : i32
        %add3A_484 = arith.addi %mul3A_482, %add3A_483 : i32
        %get3A_485 = arith.index_cast %add3A_484 : i32 to index
        %get3A_486 = arith.constant 112 : index
        %get3A_487 = tpu.vector_load %arg5[%get3A_485, %get3A_486] {strides = array<i32>} : memref<1000x128xf32, #tpu.memory_space<vmem>>, vector<16xf32>,
        %sub3A_488 = arith.subf %get3A_487, %gather3A_393 : vector<16xf32>
        %max3A_489 = arith.constant 0.000000e+00 : f32
        %max3A_490 = vector.broadcast %max3A_489 : f32 to vector<16xf32>
        %max3A_491 = arith.maximumf %sub3A_488, %max3A_490 : vector<16xf32>
        %add3A_492 = arith.addf %add3A_480, %max3A_491 : vector<16xf32>
        %mul3A_493 = arith.constant 8 : i32
        %mul3A_494 = arith.muli %scan3A_436, %mul3A_493 : i32
        %add3A_495 = arith.constant 4 : i32
        %add3A_496 = arith.addi %mul3A_494, %add3A_495 : i32
        %get3A_497 = arith.index_cast %add3A_496 : i32 to index
        %get3A_498 = arith.constant 112 : index
        %get3A_499 = tpu.vector_load %arg5[%get3A_497, %get3A_498] {strides = array<i32>} : memref<1000x128xf32, #tpu.memory_space<vmem>>, vector<16xf32>,
        %sub3A_500 = arith.subf %get3A_499, %gather3A_393 : vector<16xf32>
        %max3A_501 = arith.constant 0.000000e+00 : f32
        %max3A_502 = vector.broadcast %max3A_501 : f32 to vector<16xf32>
        %max3A_503 = arith.maximumf %sub3A_500, %max3A_502 : vector<16xf32>
        %add3A_504 = arith.addf %add3A_492, %max3A_503 : vector<16xf32>
        %mul3A_505 = arith.constant 8 : i32
        %mul3A_506 = arith.muli %scan3A_436, %mul3A_505 : i32
        %add3A_507 = arith.constant 5 : i32
        %add3A_508 = arith.addi %mul3A_506, %add3A_507 : i32
        %get3A_509 = arith.index_cast %add3A_508 : i32 to index
        %get3A_510 = arith.constant 112 : index
        %get3A_511 = tpu.vector_load %arg5[%get3A_509, %get3A_510] {strides = array<i32>} : memref<1000x128xf32, #tpu.memory_space<vmem>>, vector<16xf32>,
        %sub3A_512 = arith.subf %get3A_511, %gather3A_393 : vector<16xf32>
        %max3A_513 = arith.constant 0.000000e+00 : f32
        %max3A_514 = vector.broadcast %max3A_513 : f32 to vector<16xf32>
        %max3A_515 = arith.maximumf %sub3A_512, %max3A_514 : vector<16xf32>
        %add3A_516 = arith.addf %add3A_504, %max3A_515 : vector<16xf32>
        %mul3A_517 = arith.constant 8 : i32
        %mul3A_518 = arith.muli %scan3A_436, %mul3A_517 : i32
        %add3A_519 = arith.constant 6 : i32
        %add3A_520 = arith.addi %mul3A_518, %add3A_519 : i32
        %get3A_521 = arith.index_cast %add3A_520 : i32 to index
        %get3A_522 = arith.constant 112 : index
        %get3A_523 = tpu.vector_load %arg5[%get3A_521, %get3A_522] {strides = array<i32>} : memref<1000x128xf32, #tpu.memory_space<vmem>>, vector<16xf32>,
        %sub3A_524 = arith.subf %get3A_523, %gather3A_393 : vector<16xf32>
        %max3A_525 = arith.constant 0.000000e+00 : f32
        %max3A_526 = vector.broadcast %max3A_525 : f32 to vector<16xf32>
        %max3A_527 = arith.maximumf %sub3A_524, %max3A_526 : vector<16xf32>
        %add3A_528 = arith.addf %add3A_516, %max3A_527 : vector<16xf32>
        %mul3A_529 = arith.constant 8 : i32
        %mul3A_530 = arith.muli %scan3A_436, %mul3A_529 : i32
        %add3A_531 = arith.constant 7 : i32
        %add3A_532 = arith.addi %mul3A_530, %add3A_531 : i32
        %get3A_533 = arith.index_cast %add3A_532 : i32 to index
        %get3A_534 = arith.constant 112 : index
        %get3A_535 = tpu.vector_load %arg5[%get3A_533, %get3A_534] {strides = array<i32>} : memref<1000x128xf32, #tpu.memory_space<vmem>>, vector<16xf32>,
        %sub3A_536 = arith.subf %get3A_535, %gather3A_393 : vector<16xf32>
        %max3A_537 = arith.constant 0.000000e+00 : f32
        %max3A_538 = vector.broadcast %max3A_537 : f32 to vector<16xf32>
        %max3A_539 = arith.maximumf %sub3A_536, %max3A_538 : vector<16xf32>
        %add3A_540 = arith.addf %add3A_528, %max3A_539 : vector<16xf32>
        %max3A_541 = arith.maximumf %get3A_451, %get3A_463 : vector<16xf32>
        %min3A = arith.minimumf %get3A_451, %get3A_463 : vector<16xf32>
        %max3A_542 = arith.maximumf %get3A_475, %get3A_487 : vector<16xf32>
        %min3A_543 = arith.minimumf %get3A_475, %get3A_487 : vector<16xf32>
        %max3A_544 = arith.maximumf %get3A_499, %get3A_511 : vector<16xf32>
        %min3A_545 = arith.minimumf %get3A_499, %get3A_511 : vector<16xf32>
        %max3A_546 = arith.maximumf %get3A_523, %get3A_535 : vector<16xf32>
        %min3A_547 = arith.minimumf %get3A_523, %get3A_535 : vector<16xf32>
        %max3A_548 = arith.maximumf %max3A_541, %max3A_542 : vector<16xf32>
        %min3A_549 = arith.minimumf %max3A_541, %max3A_542 : vector<16xf32>
        %max3A_550 = arith.maximumf %min3A, %min3A_543 : vector<16xf32>
        %min3A_551 = arith.minimumf %min3A, %min3A_543 : vector<16xf32>
        %max3A_552 = arith.maximumf %max3A_544, %max3A_546 : vector<16xf32>
        %min3A_553 = arith.minimumf %max3A_544, %max3A_546 : vector<16xf32>
        %max3A_554 = arith.maximumf %min3A_545, %min3A_547 : vector<16xf32>
        %min3A_555 = arith.minimumf %min3A_545, %min3A_547 : vector<16xf32>
        %max3A_556 = arith.maximumf %max3A_550, %min3A_549 : vector<16xf32>
        %min3A_557 = arith.minimumf %max3A_550, %min3A_549 : vector<16xf32>
        %max3A_558 = arith.maximumf %max3A_554, %min3A_553 : vector<16xf32>
        %min3A_559 = arith.minimumf %max3A_554, %min3A_553 : vector<16xf32>
        %max3A_560 = arith.maximumf %max3A_548, %max3A_552 : vector<16xf32>
        %min3A_561 = arith.minimumf %max3A_548, %max3A_552 : vector<16xf32>
        %max3A_562 = arith.maximumf %max3A_556, %max3A_558 : vector<16xf32>
        %min3A_563 = arith.minimumf %max3A_556, %max3A_558 : vector<16xf32>
        %max3A_564 = arith.maximumf %min3A_557, %min3A_559 : vector<16xf32>
        %min3A_565 = arith.minimumf %min3A_557, %min3A_559 : vector<16xf32>
        %max3A_566 = arith.maximumf %min3A_551, %min3A_555 : vector<16xf32>
        %min3A_567 = arith.minimumf %min3A_551, %min3A_555 : vector<16xf32>
        %max3A_568 = arith.maximumf %max3A_564, %min3A_561 : vector<16xf32>
        %min3A_569 = arith.minimumf %max3A_564, %min3A_561 : vector<16xf32>
        %max3A_570 = arith.maximumf %max3A_566, %min3A_563 : vector<16xf32>
        %min3A_571 = arith.minimumf %max3A_566, %min3A_563 : vector<16xf32>
        %max3A_572 = arith.maximumf %max3A_562, %max3A_568 : vector<16xf32>
        %min3A_573 = arith.minimumf %max3A_562, %max3A_568 : vector<16xf32>
        %max3A_574 = arith.maximumf %max3A_570, %min3A_569 : vector<16xf32>
        %min3A_575 = arith.minimumf %max3A_570, %min3A_569 : vector<16xf32>
        %max3A_576 = arith.maximumf %min3A_571, %min3A_565 : vector<16xf32>
        %min3A_577 = arith.minimumf %min3A_571, %min3A_565 : vector<16xf32>
        %max3A_578 = arith.maximumf %scan3A_438, %min3A_567 : vector<16xf32>
        %max3A_579 = arith.maximumf %scan3A_439, %min3A_577 : vector<16xf32>
        %max3A_580 = arith.maximumf %scan3A_440, %max3A_576 : vector<16xf32>
        %max3A_581 = arith.maximumf %scan3A_441, %min3A_575 : vector<16xf32>
        %max3A_582 = arith.maximumf %scan3A_442, %max3A_574 : vector<16xf32>
        %max3A_583 = arith.maximumf %scan3A_443, %min3A_573 : vector<16xf32>
        %max3A_584 = arith.maximumf %scan3A_444, %max3A_572 : vector<16xf32>
        %max3A_585 = arith.maximumf %max3A_578, %max3A_582 : vector<16xf32>
        %min3A_586 = arith.minimumf %max3A_578, %max3A_582 : vector<16xf32>
        %max3A_587 = arith.maximumf %max3A_579, %max3A_583 : vector<16xf32>
        %min3A_588 = arith.minimumf %max3A_579, %max3A_583 : vector<16xf32>
        %max3A_589 = arith.maximumf %max3A_580, %max3A_584 : vector<16xf32>
        %min3A_590 = arith.minimumf %max3A_580, %max3A_584 : vector<16xf32>
        %max3A_591 = arith.maximumf %max3A_581, %max3A_560 : vector<16xf32>
        %min3A_592 = arith.minimumf %max3A_581, %max3A_560 : vector<16xf32>
        %max3A_593 = arith.maximumf %max3A_585, %max3A_589 : vector<16xf32>
        %min3A_594 = arith.minimumf %max3A_585, %max3A_589 : vector<16xf32>
        %max3A_595 = arith.maximumf %max3A_587, %max3A_591 : vector<16xf32>
        %min3A_596 = arith.minimumf %max3A_587, %max3A_591 : vector<16xf32>
        %max3A_597 = arith.maximumf %min3A_586, %min3A_590 : vector<16xf32>
        %min3A_598 = arith.minimumf %min3A_586, %min3A_590 : vector<16xf32>
        %max3A_599 = arith.maximumf %min3A_588, %min3A_592 : vector<16xf32>
        %min3A_600 = arith.minimumf %min3A_588, %min3A_592 : vector<16xf32>
        %max3A_601 = arith.maximumf %max3A_593, %max3A_595 : vector<16xf32>
        %min3A_602 = arith.minimumf %max3A_593, %max3A_595 : vector<16xf32>
        %max3A_603 = arith.maximumf %min3A_594, %min3A_596 : vector<16xf32>
        %min3A_604 = arith.minimumf %min3A_594, %min3A_596 : vector<16xf32>
        %max3A_605 = arith.maximumf %max3A_597, %max3A_599 : vector<16xf32>
        %min3A_606 = arith.minimumf %max3A_597, %max3A_599 : vector<16xf32>
        %max3A_607 = arith.maximumf %min3A_598, %min3A_600 : vector<16xf32>
        %min3A_608 = arith.minimumf %min3A_598, %min3A_600 : vector<16xf32>
        scf.yield %add3A_540, %max3A_601, %min3A_602, %max3A_603, %min3A_604, %max3A_605, %min3A_606, %max3A_607 : vector<16xf32>, vector<16xf32>, vector<16xf32>, vector<16xf32>, vector<16xf32>, vector<16xf32>, vector<16xf32>, vector<16xf32>
      }
      %scan3A_399 = arith.constant 125 : i32
      %sub3A_400 = arith.subf %scan3A_398#1, %gather3A_393 : vector<16xf32>
      %max3A_401 = arith.constant 0.000000e+00 : f32
      %max3A_402 = vector.broadcast %max3A_401 : f32 to vector<16xf32>
      %max3A_403 = arith.maximumf %sub3A_400, %max3A_402 : vector<16xf32>
      %sub3A_404 = arith.subf %scan3A_398#0, %max3A_403 : vector<16xf32>
      %sub3A_405 = arith.subf %scan3A_398#2, %gather3A_393 : vector<16xf32>
      %max3A_406 = arith.constant 0.000000e+00 : f32
      %max3A_407 = vector.broadcast %max3A_406 : f32 to vector<16xf32>
      %max3A_408 = arith.maximumf %sub3A_405, %max3A_407 : vector<16xf32>
      %sub3A_409 = arith.subf %sub3A_404, %max3A_408 : vector<16xf32>
      %sub3A_410 = arith.subf %scan3A_398#3, %gather3A_393 : vector<16xf32>
      %max3A_411 = arith.constant 0.000000e+00 : f32
      %max3A_412 = vector.broadcast %max3A_411 : f32 to vector<16xf32>
      %max3A_413 = arith.maximumf %sub3A_410, %max3A_412 : vector<16xf32>
      %sub3A_414 = arith.subf %sub3A_409, %max3A_413 : vector<16xf32>
      %sub3A_415 = arith.subf %scan3A_398#4, %gather3A_393 : vector<16xf32>
      %max3A_416 = arith.constant 0.000000e+00 : f32
      %max3A_417 = vector.broadcast %max3A_416 : f32 to vector<16xf32>
      %max3A_418 = arith.maximumf %sub3A_415, %max3A_417 : vector<16xf32>
      %sub3A_419 = arith.subf %sub3A_414, %max3A_418 : vector<16xf32>
      %sub3A_420 = arith.subf %scan3A_398#5, %gather3A_393 : vector<16xf32>
      %max3A_421 = arith.constant 0.000000e+00 : f32
      %max3A_422 = vector.broadcast %max3A_421 : f32 to vector<16xf32>
      %max3A_423 = arith.maximumf %sub3A_420, %max3A_422 : vector<16xf32>
      %sub3A_424 = arith.subf %sub3A_419, %max3A_423 : vector<16xf32>
      %sub3A_425 = arith.subf %scan3A_398#6, %gather3A_393 : vector<16xf32>
      %max3A_426 = arith.constant 0.000000e+00 : f32
      %max3A_427 = vector.broadcast %max3A_426 : f32 to vector<16xf32>
      %max3A_428 = arith.maximumf %sub3A_425, %max3A_427 : vector<16xf32>
      %sub3A_429 = arith.subf %sub3A_424, %max3A_428 : vector<16xf32>
      %sub3A_430 = arith.subf %scan3A_398#7, %gather3A_393 : vector<16xf32>
      %max3A_431 = arith.constant 0.000000e+00 : f32
      %max3A_432 = vector.broadcast %max3A_431 : f32 to vector<16xf32>
      %max3A_433 = arith.maximumf %sub3A_430, %max3A_432 : vector<16xf32>
      %sub3A_434 = arith.subf %sub3A_429, %max3A_433 : vector<16xf32>
      %add3A_435 = arith.addf %add3A_382, %sub3A_434 : vector<16xf32>
      scf.yield %add3A_435 : vector<16xf32>
    }
    %scan3A_10 = arith.constant 2 : i32
    %swap3A = arith.constant 0 : index
    %swap3A_11 = tpu.vector_load %arg7[%swap3A] {strides = array<i32>} : memref<16xf32, #tpu.memory_space<vmem>>, vector<16xf32>,
    tpu.vector_store %arg7[%swap3A], %scan3A_9 {strides = array<i32>} : memref<16xf32, #tpu.memory_space<vmem>>, vector<16xf32>,
    "tpu.region"() ({
      %run_scoped3A = tpu.sem_alloc : memref<!tpu.dma_semaphore, #tpu.memory_space<semaphore_mem>>
      %dma_start3A = arith.constant 0 : i32
      %dma_start3A_12 = tpu.memref_slice %arg4[%add3A, %dma_start3A] : memref<32x16xf32, #tpu.memory_space<hbm>> -> memref<1x16xf32, #tpu.memory_space<hbm>>
      %dma_start3A_13 = tpu.memref_squeeze %dma_start3A_12 : memref<1x16xf32, #tpu.memory_space<hbm>> -> memref<16xf32, #tpu.memory_space<hbm>>
      %dma_start3A_14 = arith.constant 0 : i32
      %dma_start3A_15 = tpu.memref_slice %arg4[%add3A, %dma_start3A_14] : memref<32x16xf32, #tpu.memory_space<hbm>> -> memref<1x16xf32, #tpu.memory_space<hbm>>
      %dma_start3A_16 = tpu.memref_squeeze %dma_start3A_15 : memref<1x16xf32, #tpu.memory_space<hbm>> -> memref<16xf32, #tpu.memory_space<hbm>>
      tpu.enqueue_dma source(%arg7 : memref<16xf32, #tpu.memory_space<vmem>>) target(%dma_start3A_16 : memref<16xf32, #tpu.memory_space<hbm>>) target_semaphore(%run_scoped3A : memref<!tpu.dma_semaphore, #tpu.memory_space<semaphore_mem>>)
      %dma_wait3A = arith.constant 0 : i32
      %dma_wait3A_17 = tpu.memref_slice %arg4[%add3A, %dma_wait3A] : memref<32x16xf32, #tpu.memory_space<hbm>> -> memref<1x16xf32, #tpu.memory_space<hbm>>
      %dma_wait3A_18 = tpu.memref_squeeze %dma_wait3A_17 : memref<1x16xf32, #tpu.memory_space<hbm>> -> memref<16xf32, #tpu.memory_space<hbm>>
      %dma_wait3A_19 = arith.constant 0 : i32
      %dma_wait3A_20 = tpu.memref_slice %arg4[%add3A, %dma_wait3A_19] : memref<32x16xf32, #tpu.memory_space<hbm>> -> memref<1x16xf32, #tpu.memory_space<hbm>>
      %dma_wait3A_21 = tpu.memref_squeeze %dma_wait3A_20 : memref<1x16xf32, #tpu.memory_space<hbm>> -> memref<16xf32, #tpu.memory_space<hbm>>
      tpu.wait_dma2 semaphore(%run_scoped3A : memref<!tpu.dma_semaphore, #tpu.memory_space<semaphore_mem>>) src(%arg7 : memref<16xf32, #tpu.memory_space<vmem>>) dst(%dma_wait3A_21 : memref<16xf32, #tpu.memory_space<hbm>>)
      tpu.yield
    }) : () -> ()
    return
  }
}

module attributes {stable_mosaic.version = 14 : i64} {
  func.func @_tc_block_body(%arg0: i32, %arg1: memref<1000x1024xf32, #tpu.memory_space<vmem>>, %arg2: memref<1x1024xi32, #tpu.memory_space<vmem>>, %arg3: memref<1x1xf32, #tpu.memory_space<vmem>>) attributes {dimension_semantics = [#tpu.dimension_semantics<arbitrary>], iteration_bounds = array<i64: 8>, scalar_prefetch = 0 : i64, scratch_operands = 0 : i64, tpu.core_type = #tpu.core_type<tc>, window_params = [{transform_indices = @transform_0, window_bounds = array<i64: 1000, 1024>}, {transform_indices = @transform_1, window_bounds = array<i64: 1, 1024>}, {pipeline_mode = #tpu.pipeline_mode<synchronous>, transform_indices = @transform_2, window_bounds = array<i64: 1, 1>}]} {
    %get3A = arith.constant 0 : index
    %get3A_0 = arith.constant 0 : index
    %get3A_1 = vector.load %arg1[%get3A, %get3A_0] : memref<1000x1024xf32, #tpu.memory_space<vmem>>, vector<1000x1024xf32>
    %get3A_2 = arith.constant 0 : index
    %get3A_3 = arith.constant 0 : index
    %get3A_4 = vector.load %arg2[%get3A_2, %get3A_3] : memref<1x1024xi32, #tpu.memory_space<vmem>>, vector<1x1024xi32>
    %iota3A = tpu.iota {dimensions = array<i32: 0>} : vector<1000x1024xi32>
    %eq3A = vector.broadcast %get3A_4 : vector<1x1024xi32> to vector<1000x1024xi32>
    %eq3A_5 = arith.cmpi eq, %iota3A, %eq3A : vector<1000x1024xi32>
    %sub3A = arith.constant 1.000000e+05 : f32
    %sub3A_6 = vector.broadcast %sub3A : f32 to vector<1000x1024xf32>
    %sub3A_7 = arith.subf %get3A_1, %sub3A_6 : vector<1000x1024xf32>
    %select_n3A = arith.select %eq3A_5, %get3A_1, %sub3A_7 : vector<1000x1024xi1>, vector<1000x1024xf32>
    %reduce_max3A = arith.constant dense<0xFF800000> : vector<1024xf32>
    %reduce_max3A_8 = vector.multi_reduction <maximumf>, %select_n3A, %reduce_max3A [0] : vector<1000x1024xf32> to vector<1024xf32>
    %broadcast_in_dim3A = vector.shape_cast %reduce_max3A_8 : vector<1024xf32> to vector<1x1024xf32>
    %max3A = vector.broadcast %broadcast_in_dim3A : vector<1x1024xf32> to vector<1000x1024xf32>
    %max3A_9 = arith.maximumf %get3A_1, %max3A : vector<1000x1024xf32>
    %reduce_sum3A = arith.constant dense<0.000000e+00> : vector<1024xf32>
    %reduce_sum3A_10 = vector.multi_reduction <add>, %max3A_9, %reduce_sum3A [0] : vector<1000x1024xf32> to vector<1024xf32>
    %squeeze3A = vector.shape_cast %broadcast_in_dim3A : vector<1x1024xf32> to vector<1024xf32>
    %mul3A = arith.constant 1.000000e+03 : f32
    %mul3A_11 = vector.broadcast %mul3A : f32 to vector<1024xf32>
    %mul3A_12 = arith.mulf %mul3A_11, %squeeze3A : vector<1024xf32>
    %sub3A_13 = arith.subf %reduce_sum3A_10, %mul3A_12 : vector<1024xf32>
    %broadcast_in_dim3A_14 = arith.constant 7.000000e+00 : f32
    %broadcast_in_dim3A_15 = vector.broadcast %broadcast_in_dim3A_14 : f32 to vector<1024xf32>
    %broadcast_in_dim3A_16 = arith.constant 0.000000e+00 : f32
    %broadcast_in_dim3A_17 = vector.broadcast %broadcast_in_dim3A_16 : f32 to vector<1024xf32>
    %reduce_max3A_18 = arith.constant dense<0xFF800000> : vector<1024xf32>
    %reduce_max3A_19 = vector.multi_reduction <maximumf>, %get3A_1, %reduce_max3A_18 [0] : vector<1000x1024xf32> to vector<1024xf32>
    %broadcast_in_dim3A_20 = vector.shape_cast %reduce_max3A_19 : vector<1024xf32> to vector<1x1024xf32>
    %eq3A_21 = vector.broadcast %broadcast_in_dim3A_20 : vector<1x1024xf32> to vector<1000x1024xf32>
    %eq3A_22 = arith.cmpf oeq, %get3A_1, %eq3A_21 : vector<1000x1024xf32>
    %jit3A = arith.constant 1.000000e+00 : f32
    %jit3A_23 = arith.constant 0.000000e+00 : f32
    %broadcast_in_dim3A_24 = vector.broadcast %jit3A : f32 to vector<1000x1024xf32>
    %broadcast_in_dim3A_25 = vector.broadcast %jit3A_23 : f32 to vector<1000x1024xf32>
    %select_n3A_26 = arith.select %eq3A_22, %broadcast_in_dim3A_24, %broadcast_in_dim3A_25 : vector<1000x1024xi1>, vector<1000x1024xf32>
    %reduce_sum3A_27 = arith.constant dense<0.000000e+00> : vector<1024xf32>
    %reduce_sum3A_28 = vector.multi_reduction <add>, %select_n3A_26, %reduce_sum3A_27 [0] : vector<1000x1024xf32> to vector<1024xf32>
    %min3A = arith.minimumf %reduce_sum3A_28, %broadcast_in_dim3A_15 : vector<1024xf32>
    %squeeze3A_29 = vector.shape_cast %broadcast_in_dim3A_20 : vector<1x1024xf32> to vector<1024xf32>
    %squeeze3A_30 = vector.shape_cast %broadcast_in_dim3A : vector<1x1024xf32> to vector<1024xf32>
    %sub3A_31 = arith.subf %squeeze3A_29, %squeeze3A_30 : vector<1024xf32>
    %max3A_32 = arith.constant 0.000000e+00 : f32
    %max3A_33 = vector.broadcast %max3A_32 : f32 to vector<1024xf32>
    %max3A_34 = arith.maximumf %sub3A_31, %max3A_33 : vector<1024xf32>
    %mul3A_35 = arith.mulf %min3A, %max3A_34 : vector<1024xf32>
    %add3A = arith.addf %broadcast_in_dim3A_17, %mul3A_35 : vector<1024xf32>
    %sub3A_36 = arith.subf %broadcast_in_dim3A_15, %min3A : vector<1024xf32>
    %lt3A = vector.broadcast %broadcast_in_dim3A_20 : vector<1x1024xf32> to vector<1000x1024xf32>
    %lt3A_37 = arith.cmpf olt, %get3A_1, %lt3A : vector<1000x1024xf32>
    %jit3A_38 = arith.constant 0xFF800000 : f32
    %broadcast_in_dim3A_39 = vector.broadcast %jit3A_38 : f32 to vector<1000x1024xf32>
    %select_n3A_40 = arith.select %lt3A_37, %get3A_1, %broadcast_in_dim3A_39 : vector<1000x1024xi1>, vector<1000x1024xf32>
    %reduce_max3A_41 = arith.constant dense<0xFF800000> : vector<1024xf32>
    %reduce_max3A_42 = vector.multi_reduction <maximumf>, %select_n3A_40, %reduce_max3A_41 [0] : vector<1000x1024xf32> to vector<1024xf32>
    %broadcast_in_dim3A_43 = vector.shape_cast %reduce_max3A_42 : vector<1024xf32> to vector<1x1024xf32>
    %eq3A_44 = vector.broadcast %broadcast_in_dim3A_43 : vector<1x1024xf32> to vector<1000x1024xf32>
    %eq3A_45 = arith.cmpf oeq, %get3A_1, %eq3A_44 : vector<1000x1024xf32>
    %jit3A_46 = arith.constant 1.000000e+00 : f32
    %jit3A_47 = arith.constant 0.000000e+00 : f32
    %broadcast_in_dim3A_48 = vector.broadcast %jit3A_46 : f32 to vector<1000x1024xf32>
    %broadcast_in_dim3A_49 = vector.broadcast %jit3A_47 : f32 to vector<1000x1024xf32>
    %select_n3A_50 = arith.select %eq3A_45, %broadcast_in_dim3A_48, %broadcast_in_dim3A_49 : vector<1000x1024xi1>, vector<1000x1024xf32>
    %reduce_sum3A_51 = arith.constant dense<0.000000e+00> : vector<1024xf32>
    %reduce_sum3A_52 = vector.multi_reduction <add>, %select_n3A_50, %reduce_sum3A_51 [0] : vector<1000x1024xf32> to vector<1024xf32>
    %min3A_53 = arith.minimumf %reduce_sum3A_52, %sub3A_36 : vector<1024xf32>
    %squeeze3A_54 = vector.shape_cast %broadcast_in_dim3A_43 : vector<1x1024xf32> to vector<1024xf32>
    %squeeze3A_55 = vector.shape_cast %broadcast_in_dim3A : vector<1x1024xf32> to vector<1024xf32>
    %sub3A_56 = arith.subf %squeeze3A_54, %squeeze3A_55 : vector<1024xf32>
    %max3A_57 = arith.constant 0.000000e+00 : f32
    %max3A_58 = vector.broadcast %max3A_57 : f32 to vector<1024xf32>
    %max3A_59 = arith.maximumf %sub3A_56, %max3A_58 : vector<1024xf32>
    %mul3A_60 = arith.mulf %min3A_53, %max3A_59 : vector<1024xf32>
    %add3A_61 = arith.addf %add3A, %mul3A_60 : vector<1024xf32>
    %sub3A_62 = arith.subf %sub3A_36, %min3A_53 : vector<1024xf32>
    %lt3A_63 = vector.broadcast %broadcast_in_dim3A_43 : vector<1x1024xf32> to vector<1000x1024xf32>
    %lt3A_64 = arith.cmpf olt, %get3A_1, %lt3A_63 : vector<1000x1024xf32>
    %jit3A_65 = arith.constant 0xFF800000 : f32
    %broadcast_in_dim3A_66 = vector.broadcast %jit3A_65 : f32 to vector<1000x1024xf32>
    %select_n3A_67 = arith.select %lt3A_64, %get3A_1, %broadcast_in_dim3A_66 : vector<1000x1024xi1>, vector<1000x1024xf32>
    %reduce_max3A_68 = arith.constant dense<0xFF800000> : vector<1024xf32>
    %reduce_max3A_69 = vector.multi_reduction <maximumf>, %select_n3A_67, %reduce_max3A_68 [0] : vector<1000x1024xf32> to vector<1024xf32>
    %broadcast_in_dim3A_70 = vector.shape_cast %reduce_max3A_69 : vector<1024xf32> to vector<1x1024xf32>
    %eq3A_71 = vector.broadcast %broadcast_in_dim3A_70 : vector<1x1024xf32> to vector<1000x1024xf32>
    %eq3A_72 = arith.cmpf oeq, %get3A_1, %eq3A_71 : vector<1000x1024xf32>
    %jit3A_73 = arith.constant 1.000000e+00 : f32
    %jit3A_74 = arith.constant 0.000000e+00 : f32
    %broadcast_in_dim3A_75 = vector.broadcast %jit3A_73 : f32 to vector<1000x1024xf32>
    %broadcast_in_dim3A_76 = vector.broadcast %jit3A_74 : f32 to vector<1000x1024xf32>
    %select_n3A_77 = arith.select %eq3A_72, %broadcast_in_dim3A_75, %broadcast_in_dim3A_76 : vector<1000x1024xi1>, vector<1000x1024xf32>
    %reduce_sum3A_78 = arith.constant dense<0.000000e+00> : vector<1024xf32>
    %reduce_sum3A_79 = vector.multi_reduction <add>, %select_n3A_77, %reduce_sum3A_78 [0] : vector<1000x1024xf32> to vector<1024xf32>
    %min3A_80 = arith.minimumf %reduce_sum3A_79, %sub3A_62 : vector<1024xf32>
    %squeeze3A_81 = vector.shape_cast %broadcast_in_dim3A_70 : vector<1x1024xf32> to vector<1024xf32>
    %squeeze3A_82 = vector.shape_cast %broadcast_in_dim3A : vector<1x1024xf32> to vector<1024xf32>
    %sub3A_83 = arith.subf %squeeze3A_81, %squeeze3A_82 : vector<1024xf32>
    %max3A_84 = arith.constant 0.000000e+00 : f32
    %max3A_85 = vector.broadcast %max3A_84 : f32 to vector<1024xf32>
    %max3A_86 = arith.maximumf %sub3A_83, %max3A_85 : vector<1024xf32>
    %mul3A_87 = arith.mulf %min3A_80, %max3A_86 : vector<1024xf32>
    %add3A_88 = arith.addf %add3A_61, %mul3A_87 : vector<1024xf32>
    %sub3A_89 = arith.subf %sub3A_62, %min3A_80 : vector<1024xf32>
    %lt3A_90 = vector.broadcast %broadcast_in_dim3A_70 : vector<1x1024xf32> to vector<1000x1024xf32>
    %lt3A_91 = arith.cmpf olt, %get3A_1, %lt3A_90 : vector<1000x1024xf32>
    %jit3A_92 = arith.constant 0xFF800000 : f32
    %broadcast_in_dim3A_93 = vector.broadcast %jit3A_92 : f32 to vector<1000x1024xf32>
    %select_n3A_94 = arith.select %lt3A_91, %get3A_1, %broadcast_in_dim3A_93 : vector<1000x1024xi1>, vector<1000x1024xf32>
    %reduce_max3A_95 = arith.constant dense<0xFF800000> : vector<1024xf32>
    %reduce_max3A_96 = vector.multi_reduction <maximumf>, %select_n3A_94, %reduce_max3A_95 [0] : vector<1000x1024xf32> to vector<1024xf32>
    %broadcast_in_dim3A_97 = vector.shape_cast %reduce_max3A_96 : vector<1024xf32> to vector<1x1024xf32>
    %eq3A_98 = vector.broadcast %broadcast_in_dim3A_97 : vector<1x1024xf32> to vector<1000x1024xf32>
    %eq3A_99 = arith.cmpf oeq, %get3A_1, %eq3A_98 : vector<1000x1024xf32>
    %jit3A_100 = arith.constant 1.000000e+00 : f32
    %jit3A_101 = arith.constant 0.000000e+00 : f32
    %broadcast_in_dim3A_102 = vector.broadcast %jit3A_100 : f32 to vector<1000x1024xf32>
    %broadcast_in_dim3A_103 = vector.broadcast %jit3A_101 : f32 to vector<1000x1024xf32>
    %select_n3A_104 = arith.select %eq3A_99, %broadcast_in_dim3A_102, %broadcast_in_dim3A_103 : vector<1000x1024xi1>, vector<1000x1024xf32>
    %reduce_sum3A_105 = arith.constant dense<0.000000e+00> : vector<1024xf32>
    %reduce_sum3A_106 = vector.multi_reduction <add>, %select_n3A_104, %reduce_sum3A_105 [0] : vector<1000x1024xf32> to vector<1024xf32>
    %min3A_107 = arith.minimumf %reduce_sum3A_106, %sub3A_89 : vector<1024xf32>
    %squeeze3A_108 = vector.shape_cast %broadcast_in_dim3A_97 : vector<1x1024xf32> to vector<1024xf32>
    %squeeze3A_109 = vector.shape_cast %broadcast_in_dim3A : vector<1x1024xf32> to vector<1024xf32>
    %sub3A_110 = arith.subf %squeeze3A_108, %squeeze3A_109 : vector<1024xf32>
    %max3A_111 = arith.constant 0.000000e+00 : f32
    %max3A_112 = vector.broadcast %max3A_111 : f32 to vector<1024xf32>
    %max3A_113 = arith.maximumf %sub3A_110, %max3A_112 : vector<1024xf32>
    %mul3A_114 = arith.mulf %min3A_107, %max3A_113 : vector<1024xf32>
    %add3A_115 = arith.addf %add3A_88, %mul3A_114 : vector<1024xf32>
    %sub3A_116 = arith.subf %sub3A_89, %min3A_107 : vector<1024xf32>
    %lt3A_117 = vector.broadcast %broadcast_in_dim3A_97 : vector<1x1024xf32> to vector<1000x1024xf32>
    %lt3A_118 = arith.cmpf olt, %get3A_1, %lt3A_117 : vector<1000x1024xf32>
    %jit3A_119 = arith.constant 0xFF800000 : f32
    %broadcast_in_dim3A_120 = vector.broadcast %jit3A_119 : f32 to vector<1000x1024xf32>
    %select_n3A_121 = arith.select %lt3A_118, %get3A_1, %broadcast_in_dim3A_120 : vector<1000x1024xi1>, vector<1000x1024xf32>
    %reduce_max3A_122 = arith.constant dense<0xFF800000> : vector<1024xf32>
    %reduce_max3A_123 = vector.multi_reduction <maximumf>, %select_n3A_121, %reduce_max3A_122 [0] : vector<1000x1024xf32> to vector<1024xf32>
    %broadcast_in_dim3A_124 = vector.shape_cast %reduce_max3A_123 : vector<1024xf32> to vector<1x1024xf32>
    %eq3A_125 = vector.broadcast %broadcast_in_dim3A_124 : vector<1x1024xf32> to vector<1000x1024xf32>
    %eq3A_126 = arith.cmpf oeq, %get3A_1, %eq3A_125 : vector<1000x1024xf32>
    %jit3A_127 = arith.constant 1.000000e+00 : f32
    %jit3A_128 = arith.constant 0.000000e+00 : f32
    %broadcast_in_dim3A_129 = vector.broadcast %jit3A_127 : f32 to vector<1000x1024xf32>
    %broadcast_in_dim3A_130 = vector.broadcast %jit3A_128 : f32 to vector<1000x1024xf32>
    %select_n3A_131 = arith.select %eq3A_126, %broadcast_in_dim3A_129, %broadcast_in_dim3A_130 : vector<1000x1024xi1>, vector<1000x1024xf32>
    %reduce_sum3A_132 = arith.constant dense<0.000000e+00> : vector<1024xf32>
    %reduce_sum3A_133 = vector.multi_reduction <add>, %select_n3A_131, %reduce_sum3A_132 [0] : vector<1000x1024xf32> to vector<1024xf32>
    %min3A_134 = arith.minimumf %reduce_sum3A_133, %sub3A_116 : vector<1024xf32>
    %squeeze3A_135 = vector.shape_cast %broadcast_in_dim3A_124 : vector<1x1024xf32> to vector<1024xf32>
    %squeeze3A_136 = vector.shape_cast %broadcast_in_dim3A : vector<1x1024xf32> to vector<1024xf32>
    %sub3A_137 = arith.subf %squeeze3A_135, %squeeze3A_136 : vector<1024xf32>
    %max3A_138 = arith.constant 0.000000e+00 : f32
    %max3A_139 = vector.broadcast %max3A_138 : f32 to vector<1024xf32>
    %max3A_140 = arith.maximumf %sub3A_137, %max3A_139 : vector<1024xf32>
    %mul3A_141 = arith.mulf %min3A_134, %max3A_140 : vector<1024xf32>
    %add3A_142 = arith.addf %add3A_115, %mul3A_141 : vector<1024xf32>
    %sub3A_143 = arith.subf %sub3A_116, %min3A_134 : vector<1024xf32>
    %lt3A_144 = vector.broadcast %broadcast_in_dim3A_124 : vector<1x1024xf32> to vector<1000x1024xf32>
    %lt3A_145 = arith.cmpf olt, %get3A_1, %lt3A_144 : vector<1000x1024xf32>
    %jit3A_146 = arith.constant 0xFF800000 : f32
    %broadcast_in_dim3A_147 = vector.broadcast %jit3A_146 : f32 to vector<1000x1024xf32>
    %select_n3A_148 = arith.select %lt3A_145, %get3A_1, %broadcast_in_dim3A_147 : vector<1000x1024xi1>, vector<1000x1024xf32>
    %reduce_max3A_149 = arith.constant dense<0xFF800000> : vector<1024xf32>
    %reduce_max3A_150 = vector.multi_reduction <maximumf>, %select_n3A_148, %reduce_max3A_149 [0] : vector<1000x1024xf32> to vector<1024xf32>
    %broadcast_in_dim3A_151 = vector.shape_cast %reduce_max3A_150 : vector<1024xf32> to vector<1x1024xf32>
    %eq3A_152 = vector.broadcast %broadcast_in_dim3A_151 : vector<1x1024xf32> to vector<1000x1024xf32>
    %eq3A_153 = arith.cmpf oeq, %get3A_1, %eq3A_152 : vector<1000x1024xf32>
    %jit3A_154 = arith.constant 1.000000e+00 : f32
    %jit3A_155 = arith.constant 0.000000e+00 : f32
    %broadcast_in_dim3A_156 = vector.broadcast %jit3A_154 : f32 to vector<1000x1024xf32>
    %broadcast_in_dim3A_157 = vector.broadcast %jit3A_155 : f32 to vector<1000x1024xf32>
    %select_n3A_158 = arith.select %eq3A_153, %broadcast_in_dim3A_156, %broadcast_in_dim3A_157 : vector<1000x1024xi1>, vector<1000x1024xf32>
    %reduce_sum3A_159 = arith.constant dense<0.000000e+00> : vector<1024xf32>
    %reduce_sum3A_160 = vector.multi_reduction <add>, %select_n3A_158, %reduce_sum3A_159 [0] : vector<1000x1024xf32> to vector<1024xf32>
    %min3A_161 = arith.minimumf %reduce_sum3A_160, %sub3A_143 : vector<1024xf32>
    %squeeze3A_162 = vector.shape_cast %broadcast_in_dim3A_151 : vector<1x1024xf32> to vector<1024xf32>
    %squeeze3A_163 = vector.shape_cast %broadcast_in_dim3A : vector<1x1024xf32> to vector<1024xf32>
    %sub3A_164 = arith.subf %squeeze3A_162, %squeeze3A_163 : vector<1024xf32>
    %max3A_165 = arith.constant 0.000000e+00 : f32
    %max3A_166 = vector.broadcast %max3A_165 : f32 to vector<1024xf32>
    %max3A_167 = arith.maximumf %sub3A_164, %max3A_166 : vector<1024xf32>
    %mul3A_168 = arith.mulf %min3A_161, %max3A_167 : vector<1024xf32>
    %add3A_169 = arith.addf %add3A_142, %mul3A_168 : vector<1024xf32>
    %sub3A_170 = arith.subf %sub3A_143, %min3A_161 : vector<1024xf32>
    %lt3A_171 = vector.broadcast %broadcast_in_dim3A_151 : vector<1x1024xf32> to vector<1000x1024xf32>
    %lt3A_172 = arith.cmpf olt, %get3A_1, %lt3A_171 : vector<1000x1024xf32>
    %jit3A_173 = arith.constant 0xFF800000 : f32
    %broadcast_in_dim3A_174 = vector.broadcast %jit3A_173 : f32 to vector<1000x1024xf32>
    %select_n3A_175 = arith.select %lt3A_172, %get3A_1, %broadcast_in_dim3A_174 : vector<1000x1024xi1>, vector<1000x1024xf32>
    %reduce_max3A_176 = arith.constant dense<0xFF800000> : vector<1024xf32>
    %reduce_max3A_177 = vector.multi_reduction <maximumf>, %select_n3A_175, %reduce_max3A_176 [0] : vector<1000x1024xf32> to vector<1024xf32>
    %broadcast_in_dim3A_178 = vector.shape_cast %reduce_max3A_177 : vector<1024xf32> to vector<1x1024xf32>
    %eq3A_179 = vector.broadcast %broadcast_in_dim3A_178 : vector<1x1024xf32> to vector<1000x1024xf32>
    %eq3A_180 = arith.cmpf oeq, %get3A_1, %eq3A_179 : vector<1000x1024xf32>
    %jit3A_181 = arith.constant 1.000000e+00 : f32
    %jit3A_182 = arith.constant 0.000000e+00 : f32
    %broadcast_in_dim3A_183 = vector.broadcast %jit3A_181 : f32 to vector<1000x1024xf32>
    %broadcast_in_dim3A_184 = vector.broadcast %jit3A_182 : f32 to vector<1000x1024xf32>
    %select_n3A_185 = arith.select %eq3A_180, %broadcast_in_dim3A_183, %broadcast_in_dim3A_184 : vector<1000x1024xi1>, vector<1000x1024xf32>
    %reduce_sum3A_186 = arith.constant dense<0.000000e+00> : vector<1024xf32>
    %reduce_sum3A_187 = vector.multi_reduction <add>, %select_n3A_185, %reduce_sum3A_186 [0] : vector<1000x1024xf32> to vector<1024xf32>
    %min3A_188 = arith.minimumf %reduce_sum3A_187, %sub3A_170 : vector<1024xf32>
    %squeeze3A_189 = vector.shape_cast %broadcast_in_dim3A_178 : vector<1x1024xf32> to vector<1024xf32>
    %squeeze3A_190 = vector.shape_cast %broadcast_in_dim3A : vector<1x1024xf32> to vector<1024xf32>
    %sub3A_191 = arith.subf %squeeze3A_189, %squeeze3A_190 : vector<1024xf32>
    %max3A_192 = arith.constant 0.000000e+00 : f32
    %max3A_193 = vector.broadcast %max3A_192 : f32 to vector<1024xf32>
    %max3A_194 = arith.maximumf %sub3A_191, %max3A_193 : vector<1024xf32>
    %mul3A_195 = arith.mulf %min3A_188, %max3A_194 : vector<1024xf32>
    %add3A_196 = arith.addf %add3A_169, %mul3A_195 : vector<1024xf32>
    %sub3A_197 = arith.subf %sub3A_13, %add3A_196 : vector<1024xf32>
    %reduce_sum3A_198 = vector.shape_cast %sub3A_197 : vector<1024xf32> to vector<1x1024xf32>
    %reduce_sum3A_199 = arith.constant dense<0.000000e+00> : vector<1xf32>
    %reduce_sum3A_200 = vector.multi_reduction <add>, %reduce_sum3A_198, %reduce_sum3A_199 [1] : vector<1x1024xf32> to vector<1xf32>
    %reduce_sum3A_201 = vector.shape_cast %reduce_sum3A_200 : vector<1xf32> to vector<1x1xf32>
    %reduce_sum3A_202 = vector.extract %reduce_sum3A_201[0, 0] : f32 from vector<1x1xf32>
    %reshape3A = vector.broadcast %reduce_sum3A_202 : f32 to vector<1x1xf32>
    %eq3A_203 = arith.constant 0 : i32
    %eq3A_204 = arith.cmpi eq, %arg0, %eq3A_203 : i32
    %convert_element_type3A = arith.extui %eq3A_204 : i1 to i32
    %cond3A = arith.constant 0 : i32
    %cond3A_205 = arith.cmpi ne, %convert_element_type3A, %cond3A : i32
    scf.if %cond3A_205 {
      %broadcast_in_dim3A_212 = arith.constant 0.000000e+00 : f32
      %broadcast_in_dim3A_213 = vector.broadcast %broadcast_in_dim3A_212 : f32 to vector<1x1xf32>
      %swap3A_214 = arith.constant 0 : index
      %swap3A_215 = arith.constant 0 : index
      %swap3A_216 = vector.load %arg3[%swap3A_214, %swap3A_215] : memref<1x1xf32, #tpu.memory_space<vmem>>, vector<1x1xf32>
      tpu.vector_store %arg3[%swap3A_214, %swap3A_215], %broadcast_in_dim3A_213 {strides = array<i32>} : memref<1x1xf32, #tpu.memory_space<vmem>>, vector<1x1xf32>,
    } else {
    }
    %get3A_206 = arith.constant 0 : index
    %get3A_207 = arith.constant 0 : index
    %get3A_208 = vector.load %arg3[%get3A_206, %get3A_207] : memref<1x1xf32, #tpu.memory_space<vmem>>, vector<1x1xf32>
    %add3A_209 = arith.addf %get3A_208, %reshape3A : vector<1x1xf32>
    %swap3A = arith.constant 0 : index
    %swap3A_210 = arith.constant 0 : index
    %swap3A_211 = vector.load %arg3[%swap3A, %swap3A_210] : memref<1x1xf32, #tpu.memory_space<vmem>>, vector<1x1xf32>
    tpu.vector_store %arg3[%swap3A, %swap3A_210], %add3A_209 {strides = array<i32>} : memref<1x1xf32, #tpu.memory_space<vmem>>, vector<1x1xf32>,
    return
  }
  func.func @transform_0(%arg0: i32) -> (i32, i32) {
    %add3A = arith.constant 8 : i32
    %add3A_0 = arith.addi %arg0, %add3A : i32
    %c0_i32 = arith.constant 0 : i32
    %c0_i32_1 = arith.constant 0 : i32
    return %c0_i32, %add3A_0 : i32, i32
  }
  func.func @transform_1(%arg0: i32) -> (i32, i32) {
    %add3A = arith.constant 8 : i32
    %add3A_0 = arith.addi %arg0, %add3A : i32
    %c0_i32 = arith.constant 0 : i32
    %c0_i32_1 = arith.constant 0 : i32
    return %c0_i32, %add3A_0 : i32, i32
  }
  func.func @transform_2(%arg0: i32) -> (i32, i32) {
    %c0_i32 = arith.constant 0 : i32
    %c0_i32_0 = arith.constant 0 : i32
    %c0_i32_1 = arith.constant 0 : i32
    return %c0_i32, %c0_i32_0 : i32, i32
  }
}

</mosaic_0001>

<sc_bundles>
// kernel: _cluster_margin_loss.4.cloned.1.call-start
scs
__scs_entry_jumppad:
0x0: {  	(pc) =	sbr.rel $0x88, $3  }
0x1: {  	(tag) =	ssettag $0x0;
	lr =	simm.s32 $0x1  }
0x2: {  	[smem:$0x3F9F] =	sst lr;
	_ =	strace $0xD0000000  }
0x3: {  	_ = 	snop  }
0x4: {  	_ = 	snop  }
0x5: {  	_ = 	snop  }
0x6: {  	_ = 	snop  }
0x7: {  	_ = 	snop  }
__scs_overlays_trampoline_lowered:
0x8: {  	[smem:$0x3FAE] =	sst s0  }
0x9: {  	[smem:$0x3FAF] =	sst s1  }
0xa: {  	[smem:$0x3FB0] =	sst s2  }
0xb: {  	[smem:$0x3FB1] =	sst s3  }
0xc: {  	[smem:$0x3FB2] =	sst s4  }
0xd: {  	[smem:$0x3FB3] =	sst s5  }
0xe: {  	[smem:$0x3FB4] =	sst s6  }
0xf: {  	[smem:$0x3FB5] =	sst s7  }
0x10: {  	[smem:$0x3FB6] =	sst s8  }
0x11: {  	[smem:$0x3FB7] =	sst s9;
	s0 =	simm.s32 @!p0 $0x0  }
0x12: {  	s1 =	sld [smem:$0x3F9D];
	s0 =	simm.s32 @p0 $0x1  }
0x13: {  	[smem:$0x3FB8] =	sst s0;
	s0 =	simm.s32 @!p1 $0x0  }
0x14: {  	s2 =	sld [smem:$0x3F9C];
	s0 =	simm.s32 @p1 $0x1  }
0x15: {  	[smem:$0x3FB9] =	sst s0;
	s0 =	simm.s32 @!p2 $0x0  }
0x16: {  	s3 =	sld [smem:$0x3FDB];
	s0 =	simm.s32 @p2 $0x1  }
0x17: {  	s4 =	simm.s32 $0x1BF5;
	[smem:$0x3FBB] =	sst s0  }
0x18: {  	s0 =	sld [smem:$0x3F9E];
	_ =	swait.ge [sflag:s4], $0x0  }
0x19: {  	s7 =	sld [smem:$0x3F9F]  }
0x1a: {  	s8 =	sadd.s32 $0xFFFFE003, lr  }
0x1b: {  	s9 =	sadd.s32 $0xFFFFFEF7, lr;
	s5 =	simm.s32 $0xFFFFFFFF;
	p2 =	slt.u32 s8, $0xFFFFF086  }
0x1c: {  	p1 =	slt.u32 s9, $0xF7A;
	s5 =	simm.s32 @!p2 $0x0  }
0x1d: {  	s5 =	simm.s32 @p1 $0x1;
	p0 =	seq.s32 s7, s2  }
0x1e: {  	s7 =	smul.u32 @!p0 $0xF7A, s2;
	p2 =	seq.s32 @!p0 s5, $0x0  }
0x1f: {  	s9 =	smul.u32 $0xF7A, s1;
	s8 =	simm.s32 @!p0 $0x1BF5;
	p2 =	por !p2, p0  }
0x20: {  	[sflag:s8] =	ssyncset.s32 @!p0 $0xFFFFF086;
	s6 =	sadd.s32 @!p0 s3, s7;
	s7 =	simm.s32 @!p0 $0x108  }
0x21: {  	s3 =	sadd.s32 s3, s9;
	s6 =	sadd.s32 @!p0 $0x88, s6;
	s7 =	simm.s32 @p2 $0x1082  }
0x22: {  	[simem:s7], [sflag:s8] =	dma.local @!p0 [hbm:s6], $0xF7A  }
0x23: {  	s9 =	sor.u32 $0xD0000000, s2;
	s6 =	simm.s32 $0x108;
	_ =	swait.ge @!p0 [sflag:s8], $0x0  }
0x24: {  	s3 =	sadd.s32 $0x88, s3;
	s6 =	simm.s32 @!p1 $0x1082;
	[sflag:s4] =	ssyncset.s32 $0xFFFFF086  }
0x25: {  	[simem:s6], [sflag:s4] =	dma.local [hbm:s3], $0xF7A  }
0x26: {  	[smem:$0x3F9F] =	sst s1;
	(tag) =	ssettag s2;
	_ =	strace s9  }
0x27: {  	s1 =	sld [smem:$0x3FAF]  }
0x28: {  	s2 =	sld [smem:$0x3FB0]  }
0x29: {  	s4 =	sld [smem:$0x3FB2]  }
0x2a: {  	p0 =	seq.s32 s5, $0x0;
	s5 =	sld [smem:$0x3FB3]  }
0x2b: {  	s6 =	sld [smem:$0x3FB4]  }
0x2c: {  	s7 =	sld [smem:$0x3FB5]  }
0x2d: {  	s3 =	simm.s32 $0x108;
	s8 =	sld [smem:$0x3FB6]  }
0x2e: {  	s3 =	simm.s32 @!p0 $0x1082;
	s9 =	sld [smem:$0x3FB7]  }
0x2f: {  	lr =	sadd.s32 s0, s3;
	s0 =	sld [smem:$0x3FAE]  }
0x30: {  	s3 =	sld [smem:$0x3FB1]  }
0x31: {  	[smem:$0x3FBA] =	sst s10  }
0x32: {  	s10 =	sld [smem:$0x3FB8];
	_ =	sdelay $0x3  }
0x33: {  	p0 =	seq.s32 s10, $0x1;
	s10 =	sld [smem:$0x3FBA];
	_ =	sdelay $0x3  }
0x34: {  	[smem:$0x3FBA] =	sst s10  }
0x35: {  	s10 =	sld [smem:$0x3FB9];
	_ =	sdelay $0x3  }
0x36: {  	p1 =	seq.s32 s10, $0x1;
	s10 =	sld [smem:$0x3FBA];
	_ =	sdelay $0x3  }
0x37: {  	[smem:$0x3FBA] =	sst s10  }
0x38: {  	s10 =	sld [smem:$0x3FBB]  }
0x39: {  	_ = 	snop;
	(pc) =	sbr.ind lr, $3  }
0x3a: {  	_ = 	snop  }
0x3b: {  	_ = 	snop  }
0x3c: {  	p2 =	seq.s32 s10, $0x1;
	s10 =	sld [smem:$0x3FBA]  }
0x3d: {  	_ =	shalt  }
0x3e: {  	_ =	shalt  }
0x3f: {  	_ =	shalt  }
0x40: {  	_ =	shalt  }
0x41: {  	_ =	shalt  }
0x42: {  	_ =	shalt  }
0x43: {  	_ =	shalt  }
0x44: {  	_ =	shalt  }
0x45: {  	_ =	shalt  }
0x46: {  	_ =	shalt  }
0x47: {  	_ =	shalt  }
0x48: {  	_ =	shalt  }
0x49: {  	_ =	shalt  }
0x4a: {  	_ =	shalt  }
0x4b: {  	_ =	shalt  }
0x4c: {  	_ =	shalt  }
0x4d: {  	_ =	shalt  }
0x4e: {  	_ =	shalt  }
0x4f: {  	_ =	shalt  }
0x50: {  	_ =	shalt  }
0x51: {  	_ =	shalt  }
0x52: {  	_ =	shalt  }
0x53: {  	_ =	shalt  }
0x54: {  	_ =	shalt  }
0x55: {  	_ =	shalt  }
0x56: {  	_ =	shalt  }
0x57: {  	_ =	shalt  }
0x58: {  	_ =	shalt  }
0x59: {  	_ =	shalt  }
0x5a: {  	_ =	shalt  }
0x5b: {  	_ =	shalt  }
0x5c: {  	_ =	shalt  }
0x5d: {  	_ =	shalt  }
0x5e: {  	_ =	shalt  }
0x5f: {  	_ =	shalt  }
0x60: {  	_ =	shalt  }
0x61: {  	_ =	shalt  }
0x62: {  	_ =	shalt  }
0x63: {  	_ =	shalt  }
0x64: {  	_ =	shalt  }
0x65: {  	_ =	shalt  }
0x66: {  	_ =	shalt  }
0x67: {  	_ =	shalt  }
0x68: {  	_ =	shalt  }
0x69: {  	_ =	shalt  }
0x6a: {  	_ =	shalt  }
0x6b: {  	_ =	shalt  }
0x6c: {  	_ =	shalt  }
0x6d: {  	_ =	shalt  }
0x6e: {  	_ =	shalt  }
0x6f: {  	_ =	shalt  }
0x70: {  	_ =	shalt  }
0x71: {  	_ =	shalt  }
0x72: {  	_ =	shalt  }
0x73: {  	_ =	shalt  }
0x74: {  	_ =	shalt  }
0x75: {  	_ =	shalt  }
0x76: {  	_ =	shalt  }
0x77: {  	_ =	shalt  }
0x78: {  	_ =	shalt  }
0x79: {  	_ =	shalt  }
0x7a: {  	_ =	shalt  }
0x7b: {  	_ =	shalt  }
0x7c: {  	_ =	shalt  }
0x7d: {  	_ =	shalt  }
0x7e: {  	_ =	shalt  }
0x7f: {  	_ =	shalt  }
0x80: {  	_ =	shalt  }
0x81: {  	_ =	shalt  }
0x82: {  	_ =	shalt  }
0x83: {  	_ =	shalt  }
0x84: {  	_ =	shalt  }
0x85: {  	_ =	shalt  }
0x86: {  	_ =	shalt  }
0x87: {  	_ =	shalt  }
.Lfunc_end0:
.L_simem_size_0:
called_computation_lowered:
.L_overlay_start_0:
0x88: {  	s2 =	sld [smem:$0x3FD9]  }
0x89: {  	s3 =	sld [smem:$0x3FFE];
	_ =	sdelay $0x1  }
0x8a: {  	s1 =	srdreg.scid  }
0x8b: {  	s0 =	sand.u32 $0x1, s1  }
0x8c: {  	s17 =	sshll.u32 s0, $0xA;
	s2 =	sadd.s32 s3, s2  }
0x8d: {  	s2 =	sadd.s32 s2, s17  }
0x8e: {  	[smem:$0x3FC6] =	sst s2  }
0x8f: {  	_ = 	snop  }
0x90: {  	s2 =	sld [smem:$0x3FC9]  }
0x91: {  	s18 =	sld [smem:$0x3FC8];
	(tm) =	ssettm $0x1  }
0x92: {  	s4 =	sld [smem:$0x3FFB];
	_ =	sdelay $0x3  }
0x93: {  	_ =	strace s4  }
0x94: {  	s4 =	sld [smem:$0x3FFC];
	_ =	sdelay $0x3  }
0x95: {  	_ =	strace s4  }
0x96: {  	s4 =	sld [smem:$0x3FFD];
	_ =	sdelay $0x3  }
0x97: {  	_ =	strace s4  }
0x98: {  	_ =	strace $0x8FFFFFFF  }
0x99: {  	s19 =	sld [smem:$0x3FDB];
	_ =	sdelay $0x1  }
0x9a: {  	s5 =	simm.s32 $_scs_section_size  }
0x9b: {  	s6 =	simm.s32 $_size__tile_overlayer_lowered;
	s7 =	simm.s32 $_tile_overlayer_lowered  }
0x9c: {  	s22 =	simm.s32 $0x1BFF;
	s21 =	sshll.u32 s7, $0x1;
	s4 =	sadd.s32 s5, s19  }
0x9d: {  	s8 =	simm.s32 $0x0;
	s20 =	sshll.u32 s6, $0x1;
	s6 =	sadd.s32 s21, s4  }
0x9e: {  	[timem:s8], [sflag:s22] =	dma.local [hbm:s6], s20  }
0x9f: {  	_ =	swait.ge [sflag:s22], s20  }
0xa0: {  	s5 =	ssub.s32 $0x0, s20;
	[sflag:s22] =	ssyncset.done $0x0  }
0xa1: {  	[sflag:s22] =	ssyncadd.s32 s5;
	_ =	sdelay $0x1  }
0xa2: {  	s23 =	simm.s32 $0x1B8B  }
0xa3: {  	_ =	swait.ge [sflag:s23], $0x1  }
0xa4: {  	[sflag:s23] =	ssyncset.done $0x0  }
0xa5: {  	s25 =	simm.s32 $0x1B8E;
	s24 =	sld [smem:$0x3FFE];
	[sflag:s23] =	ssyncadd.s32 $0xFFFFFFFF  }
0xa6: {  	s26 =	simm.s32 $execute0_lowered;
	[smem:$0x3FD2] =	sst s25  }
0xa7: {  	s6 =	sshll.u32 s26, $0x1;
	_ =	strace $0x80000046;
	[dreg:$0x1] =	wrdreg $0xFFFFFFFF  }
0xa8: {  	s28 =	simm.s32 $_size_execute0_lowered;
	s4 =	sadd.s32 s4, s6;
	[dreg:$0x0] =	wrdreg $0x0  }
0xa9: {  	s6 =	sshll.u32 s28, $0x1;
	[dreg:$0x2] =	wrdreg s4  }
0xaa: {  	[dreg:$0x3] =	wrdreg s6  }
0xab: {  	[dreg:$0x4] =	wrdreg $0xC0  }
0xac: {  	_ =	task [dreg:s8], $0x5FFFF  }
0xad: {  	[dreg:$0x1] =	wrdreg $0xFFFFFFFF  }
0xae: {  	[dreg:$0x0] =	wrdreg $0x60  }
0xaf: {  	[dreg:$0x2] =	wrdreg s2  }
0xb0: {  	[dreg:$0x3] =	wrdreg s18  }
0xb1: {  	[dreg:$0x4] =	wrdreg s24  }
0xb2: {  	[dreg:$0x5] =	wrdreg $0x9  }
0xb3: {  	_ =	task.clear_ibuf [dreg:s8], $0x6FFFF;
	_ =	strace $0x90000046  }
0xb4: {  	s29 =	simm.s32 $0x9;
	_ =	strace $0x80000048  }
0xb5: {  	_ =	swait.ge [sflag:s29], $0x1  }
0xb6: {  	[sflag:s29] =	ssyncadd.s32 $0xFFFFFFFF  }
0xb7: {  	_ =	strace $0x90000048  }
0xb8: {  	_ =	sfence  }
0xb9: {  	s30 =	sld [smem:$0x0];
	_ =	sdelay $0x2  }
0xba: {  	s31 =	sshll.u32 s1, $0xD;
	s1 =	sshrl.u32 s1, $0x2  }
0xbb: {  	s3 =	sand.u32 $0x4000, s31;
	s1 =	sadd.s32 s1, s30  }
0xbc: {  	s0 =	sor.u32 s3, s0;
	s1 =	sshll.u32 s1, $0x11  }
0xbd: {  	s0 =	sor.u32 s1, s0  }
0xbe: {  	s0 =	sadd.s32 $0x8F2B, s0  }
0xbf: {  	[sflag:s0] =	ssyncadd.remote.s32 $0x1  }
0xc0: {  	_ =	sfence.sel $0xFFFF  }
0xc1: {  	[dreg:$0x0] =	wrdreg $0xFFFFFFFF;
	(pc) =	sbr.abs _section_cstart, $3  }
0xc2: {  	[dreg:$0x1] =	wrdreg $0xFFFFFFFF  }
0xc3: {  	_ =	task.clear_ibuf [dreg:s8], $0x2FFFF;
	_ =	strace $0x9FFFFFFF  }
0xc4: {  	(tm) =	ssettm $0x7FFFFFFF  }
0xc5: {  	_ =	shalt  }
tec
execute0_lowered:
.L_overlay_start_1:
0x0: {  	(tag) =	ssettag $0x1  }
0x1: {  	s4 =	rddreg [dreg:$0x0]  }
0x2: {  	s3 =	rddreg [dreg:$0x1]  }
0x3: {  	s5 =	rddreg [dreg:$0x2]  }
0x4: {  	s0 =	rddreg [dreg:$0x3];
	s6 =	srdreg.scid  }
0x5: {  	s1 =	stileid.u32;
	s2 =	simm.s32 $0x0;
	s10 =	simm.s32 $0x20000  }
0x6: {  	s11 =	simm.s32 $0x1F500;
	s6 =	sand.u32 $0x1, s6;
	s7 =	sshll.u32 s1, $0x1  }
0x7: {  	s12 =	simm.s32 $0x0;
	[smem:$0x7FF] =	sst s2;
	s7 =	sor.u32 s6, s7  }
0x8: {  	_ =	strace $0x80000047;
	s6 =	ssub.s32 $0x2, s6;
	s8 =	sshll.u32 s7, $0x4  }
0x9: {  	s31 =	sshrl.u32 s6, $0x1;
	s9 =	sshll.u32 s7, $0x5;
	s7 =	sshll.u32 s7, $0x8  }
0xa: {  	s5 =	sadd.s32 s8, s5;
	s6 =	ssub.s32 s6, s31;
	s3 =	sadd.s32 s3, s9  }
0xb: {  	s4 =	sadd.s32 s4, s7;
	s7 =	simm.s32 $0x1F400;
	s8 =	simm.s32 $0x1  }
0xc: {  	v32 =	vlaneseq.u32;
	s9 =	simm.s32 $0x400;
	s5 =	sadd.s32 $0x200, s5;
	s6 =	smax.u32 s6, $0x1  }
.LBB2_1:
0xd: {  	[tilespmem:s7], [sflag:$0x1] =	stream.linear.gather [hbm4b:s3+s2], $0x100, $0x38;
	[tilespmem:$0x1F580] =	vst v63  }
0xe: {  	_ =	swait.ge [sflag:s8], $0x100  }
0xf: {  	[sflag:s8] =	ssyncset.done $0x0  }
0x10: {  	p1 =	por $0x1, $0x1;
	v1 =	vimm.f32 $0.0e+00;
	s13 =	simm.s32 $0x0;
	[sflag:s8] =	ssyncadd.s32 $0xFFFFFF00  }
.LBB2_2:
0x11: {  	s13 =	sshll.u32 s13, $0x7  }
0x12: {  	s15 =	simm.s32 $0x0;
	s14 =	sadd.s32 s13, s4  }
0x13: {  	[tilespmem:s15], [sflag:$0x1] =	stream.strided.gather [hbm4b:s14+s9], $0x1F400, s10, s9, $0x38;
	[tilespmem:$0x1F580] =	vst v63  }
0x14: {  	_ =	swait.ge [sflag:s8], $0x1F400  }
0x15: {  	[sflag:s8] =	ssyncset.done $0x0  }
0x16: {  	s13 =	sand.u32 $0x3FFFFF80, s13;
	[sflag:s8] =	ssyncadd.s32 $0xFFFE0C00  }
0x17: {  	v0 =	vld [tilespmem:s13+$0x1F400];
	_ =	sdelay $0x2  }
0x18: {  	s31 =	simm.s32 $0x0  }
0x19: {  	v4 =	vld [tilespmem:s31+$0x280]  }
0x1a: {  	v12 =	vld [tilespmem:s31+$0x300];
	v0 =	vshll.u32 v0, $0x7  }
0x1b: {  	v14 =	vld [tilespmem:s31+$0x380];
	v0 =	vor.u32 v32, v0  }
0x1c: {  	v17 =	vld [tilespmem:s31+$0x180]  }
0x1d: {  	v19 =	vld [tilespmem:s31+$0x80]  }
0x1e: {  	v24 =	vld [tilespmem:s31+$0x0]  }
0x1f: {  	v18 =	vld [tilespmem:s31+$0x100]  }
0x20: {  	v2 =	vld.idx.msk [tilespmem:v0+s15+$0x0], $0xffff  }
0x21: {  	v0 =	vld [tilespmem:s31+$0x200]  }
0x22: {  	v8 =	vimm.f32 $-Inf;
	v11 =	vimm.f32 $0.0e+00;
	v9 =	vimm.f32 $-Inf  }
0x23: {  	v5 =	vimm.f32 $-Inf;
	v6 =	vimm.f32 $-Inf;
	v10 =	vimm.f32 $-Inf  }
0x24: {  	v7 =	vimm.f32 $-Inf;
	v20 =	vmax.f32 v24, v19;
	v21 =	vmin.f32 v24, v19  }
0x25: {  	v25 =	vmax.f32 v18, v17;
	v15 =	vsub.f32 v12, v2;
	v16 =	vsub.f32 v14, v2  }
0x26: {  	v26 =	vmin.f32 v18, v17;
	v3 =	vsub.f32 v0, v2;
	v13 =	vsub.f32 v4, v2  }
0x27: {  	p0 =	por p1, p1;
	s14 =	simm.s32 $0x1000;
	v22 =	vmax.f32 v0, v4;
	v23 =	vmin.f32 v0, v4;
	v4 =	vimm.f32 $-Inf  }
.LBB2_3:
0x28: {  	p1 =	sne.s32 s14, $0x7C000;
	v0 =	vsub.f32 v24, v2;
	v17 =	vsub.f32 v17, v2;
	v24 =	vmax.f32 v12, v14  }
0x29: {  	v19 =	vsub.f32 v19, v2;
	v18 =	vsub.f32 v18, v2;
	v12 =	vmin.f32 v12, v14  }
0x2a: {  	v14 =	vmax.f32 v20, v25;
	v27 =	vmin.f32 v21, v26;
	v0 =	vmax.f32 v0, $0.0e+00  }
0x2b: {  	v28 =	vmin.f32 v23, v12;
	v0 =	vadd.f32 v0, v11;
	v11 =	vmax.f32 v22, v24  }
0x2c: {  	v20 =	vmin.f32 v20, v25;
	v21 =	vmax.f32 v21, v26;
	v19 =	vmax.f32 v19, $0.0e+00  }
0x2d: {  	v12 =	vmax.f32 v23, v12;
	v0 =	vadd.f32 v19, v0;
	v19 =	vmin.f32 v22, v24  }
0x2e: {  	v15 =	vmax.f32 v15, $0.0e+00;
	v16 =	vmax.f32 v16, $0.0e+00;
	v18 =	vmax.f32 v18, $0.0e+00  }
0x2f: {  	v22 =	vmax.f32 v14, v11;
	v0 =	vadd.f32 v18, v0;
	v18 =	vmin.f32 v27, v28  }
0x30: {  	v13 =	vmax.f32 v13, $0.0e+00;
	v17 =	vmax.f32 v17, $0.0e+00;
	v11 =	vmin.f32 v14, v11  }
0x31: {  	v3 =	vmax.f32 v3, $0.0e+00;
	v14 =	vmax.f32 v27, v28;
	v0 =	vadd.f32 v17, v0  }
0x32: {  	v17 =	vmax.f32 v21, v20;
	v20 =	vmin.f32 v21, v20;
	v21 =	vmax.f32 v12, v19  }
0x33: {  	v0 =	vadd.f32 v3, v0;
	v3 =	vmin.f32 v12, v19;
	v12 =	vmax.f32 v17, v21  }
0x34: {  	v17 =	vmin.f32 v17, v21;
	v19 =	vmax.f32 v20, v3;
	v3 =	vmin.f32 v20, v3  }
0x35: {  	v0 =	vadd.f32 v13, v0;
	v13 =	vmax.f32 v19, v11;
	v11 =	vmin.f32 v19, v11  }
0x36: {  	v19 =	vmax.f32 v14, v17;
	v14 =	vmin.f32 v14, v17;
	v17 =	vmax.f32 v12, v13  }
0x37: {  	v13 =	vmin.f32 v12, v13;
	v12 =	vmax.f32 v19, v11;
	v0 =	vadd.f32 v15, v0  }
0x38: {  	s15 =	sshra.s32 s14, $0x2;
	v15 =	vmin.f32 v19, v11;
	v19 =	vmax.f32 v14, v3;
	v3 =	vmin.f32 v14, v3  }
0x39: {  	v3 =	vmax.f32 v9, v3;
	v23 =	vld [tilespmem:s15+$0x200];
	v11 =	vadd.f32 v16, v0;
	v0 =	vmax.f32 v8, v18  }
0x3a: {  	v5 =	vmax.f32 v5, v19;
	v6 =	vmax.f32 v6, v15;
	v8 =	vmax.f32 v10, v12;
	v27 =	vld [tilespmem:s15+$0x280]  }
0x3b: {  	v7 =	vmax.f32 v7, v13;
	v4 =	vmax.f32 v4, v17;
	v9 =	vmin.f32 v0, v8;
	v12 =	vld [tilespmem:s15+$0x300]  }
0x3c: {  	v10 =	vmin.f32 v3, v7;
	v13 =	vmin.f32 v5, v4;
	v15 =	vmin.f32 v6, v22;
	v14 =	vld [tilespmem:s15+$0x380]  }
0x3d: {  	v0 =	vmax.f32 v0, v8;
	v16 =	vmin.f32 v10, v15;
	v8 =	vmin.f32 v9, v13;
	v17 =	vld [tilespmem:s15+$0x180]  }
0x3e: {  	v3 =	vmax.f32 v3, v7;
	v5 =	vmax.f32 v5, v4;
	v4 =	vmax.f32 v8, v16;
	v18 =	vld [tilespmem:s15+$0x100]  }
0x3f: {  	v6 =	vmax.f32 v6, v22;
	v8 =	vmax.f32 v0, v5;
	v0 =	vmin.f32 v0, v5;
	v19 =	vld [tilespmem:s15+$0x80]  }
0x40: {  	v20 =	vmax.f32 v3, v6;
	v3 =	vmin.f32 v3, v6;
	v7 =	vmax.f32 v9, v13;
	v24 =	vld [tilespmem:s15+$0x0]  }
0x41: {  	v13 =	vmax.f32 v10, v15;
	v9 =	vmin.f32 v8, v20;
	v5 =	vmax.f32 v0, v3  }
.Ltmp0:
0x42: {  	v10 =	vmax.f32 v7, v13;
	v7 =	vmin.f32 v7, v13;
	v6 =	vmin.f32 v0, v3;
	(pc) =	sbr.rel @p1 .LBB2_3-.Ltmp0, $4  }
0x43: {  	v8 =	vmax.f32 v8, v20;
	v15 =	vsub.f32 v12, v2;
	v16 =	vsub.f32 v14, v2  }
0x44: {  	v3 =	vsub.f32 v23, v2;
	v13 =	vsub.f32 v27, v2  }
0x45: {  	v25 =	vmax.f32 v18, v17;
	v20 =	vmax.f32 v24, v19;
	v21 =	vmin.f32 v24, v19  }
0x46: {  	s14 =	sadd.s32 $0x1000, s14;
	v22 =	vmax.f32 v23, v27;
	v23 =	vmin.f32 v23, v27;
	v26 =	vmin.f32 v18, v17  }
0x47: {  	v0 =	vsub.f32 v24, v2  }
0x48: {  	v17 =	vsub.f32 v17, v2;
	v24 =	vmax.f32 v12, v14;
	v19 =	vsub.f32 v19, v2  }
0x49: {  	v18 =	vsub.f32 v18, v2;
	v12 =	vmin.f32 v12, v14;
	v0 =	vmax.f32 v0, $0.0e+00  }
0x4a: {  	v14 =	vmax.f32 v20, v25;
	v27 =	vmin.f32 v21, v26;
	v0 =	vadd.f32 v0, v11  }
0x4b: {  	v20 =	vmin.f32 v20, v25;
	v21 =	vmax.f32 v21, v26;
	v19 =	vmax.f32 v19, $0.0e+00  }
0x4c: {  	v15 =	vmax.f32 v15, $0.0e+00;
	v16 =	vmax.f32 v16, $0.0e+00;
	v0 =	vadd.f32 v19, v0  }
0x4d: {  	v13 =	vmax.f32 v13, $0.0e+00;
	v3 =	vmax.f32 v3, $0.0e+00;
	v18 =	vmax.f32 v18, $0.0e+00  }
0x4e: {  	v28 =	vmin.f32 v23, v12;
	v12 =	vmax.f32 v23, v12;
	v0 =	vadd.f32 v18, v0;
	v18 =	vld [tilespmem:s13+$0x1F410]  }
0x4f: {  	v23 =	vmin.f32 v27, v28;
	v17 =	vmax.f32 v17, $0.0e+00;
	v11 =	vmax.f32 v22, v24  }
0x50: {  	v19 =	vmin.f32 v22, v24;
	v22 =	vmax.f32 v14, v11;
	v0 =	vadd.f32 v17, v0  }
0x51: {  	v11 =	vmin.f32 v14, v11;
	v14 =	vmax.f32 v27, v28;
	v17 =	vmax.f32 v21, v20  }
0x52: {  	v20 =	vmin.f32 v21, v20;
	v21 =	vmax.f32 v12, v19;
	v0 =	vadd.f32 v3, v0  }
0x53: {  	v3 =	vmin.f32 v12, v19;
	v12 =	vshll.u32 v18, $0x7;
	v18 =	vor.u32 $0x10, v32  }
0x54: {  	v19 =	vmax.f32 v17, v21;
	v17 =	vmin.f32 v17, v21;
	v12 =	vor.u32 v18, v12  }
0x55: {  	v18 =	vmax.f32 v20, v3;
	v3 =	vmin.f32 v20, v3;
	v0 =	vadd.f32 v13, v0  }
0x56: {  	s31 =	simm.s32 $0x0;
	v13 =	vmax.f32 v18, v11;
	v11 =	vmin.f32 v18, v11;
	v18 =	vmax.f32 v14, v17  }
0x57: {  	v25 =	vld [tilespmem:s31+$0x210];
	v14 =	vmin.f32 v14, v17;
	v17 =	vmax.f32 v19, v13;
	v0 =	vadd.f32 v15, v0  }
0x58: {  	v21 =	vld [tilespmem:s31+$0x10];
	v15 =	vmax.f32 v18, v11;
	v11 =	vmin.f32 v18, v11;
	v18 =	vmax.f32 v14, v3  }
0x59: {  	v20 =	vld [tilespmem:s31+$0x90];
	v13 =	vmin.f32 v19, v13;
	v5 =	vmax.f32 v5, v18;
	v6 =	vmax.f32 v6, v11  }
0x5a: {  	s14 =	simm.s32 $0x0;
	v7 =	vmax.f32 v7, v13;
	v13 =	vld [tilespmem:s31+$0x290];
	v4 =	vmax.f32 v4, v17;
	v0 =	vadd.f32 v16, v0  }
0x5b: {  	v14 =	vmin.f32 v14, v3;
	v16 =	vmin.f32 v5, v4;
	v18 =	vmin.f32 v6, v22;
	v3 =	vld.idx.msk [tilespmem:v12+s14+$0x0], $0xffff  }
0x5c: {  	v12 =	vld [tilespmem:s31+$0x390];
	[tilespmem:$0x1FF80] =	vst v0;
	v0 =	vmax.f32 v8, v23;
	v8 =	vmax.f32 v9, v14;
	v9 =	vmax.f32 v10, v15  }
0x5d: {  	v4 =	vmax.f32 v5, v4;
	v11 =	vmin.f32 v0, v9;
	v14 =	vmin.f32 v8, v7  }
0x5e: {  	v0 =	vmax.f32 v0, v9;
	v9 =	vmin.f32 v11, v16;
	v17 =	vmin.f32 v14, v18  }
0x5f: {  	v23 =	vmin.f32 v21, v20;
	v7 =	vmax.f32 v8, v7;
	v5 =	vmax.f32 v9, v17  }
0x60: {  	v10 =	vld [tilespmem:s31+$0x310];
	v8 =	vmax.f32 v14, v18;
	v24 =	vmax.f32 v25, v13;
	[tilespmem:$0x1FF90] =	vst v5;
	v5 =	vmax.f32 v6, v22  }
0x61: {  	v15 =	vld [tilespmem:s31+$0x190];
	v6 =	vmax.f32 v0, v4;
	v0 =	vmin.f32 v0, v4;
	v19 =	vsub.f32 v12, v3  }
0x62: {  	v17 =	vld [tilespmem:s31+$0x110];
	v14 =	vsub.f32 v25, v3;
	v22 =	vmax.f32 v21, v20;
	v4 =	vmax.f32 v7, v5  }
0x63: {  	v25 =	vmin.f32 v25, v13;
	v5 =	vmin.f32 v7, v5;
	v9 =	vmin.f32 v6, v4  }
0x64: {  	v7 =	vmax.f32 v11, v16;
	v11 =	vimm.f32 $0.0e+00;
	[tilespmem:$0x1FFA0] =	vst v9;
	v9 =	vmax.f32 v0, v5  }
0x65: {  	v18 =	vsub.f32 v10, v3;
	v16 =	vsub.f32 v13, v3;
	v0 =	vmin.f32 v0, v5;
	[tilespmem:$0x1FFB0] =	vst v9  }
0x66: {  	v13 =	vimm.f32 $-Inf;
	v5 =	vimm.f32 $-Inf;
	[tilespmem:$0x1FFC0] =	vst v0;
	v0 =	vmax.f32 v7, v8  }
0x67: {  	v9 =	vimm.f32 $-Inf;
	v26 =	vmax.f32 v17, v15;
	[tilespmem:$0x1FFD0] =	vst v0;
	v0 =	vmin.f32 v7, v8  }
0x68: {  	v27 =	vmin.f32 v17, v15;
	v7 =	vimm.f32 $-Inf;
	[tilespmem:$0x1FFE0] =	vst v0;
	v0 =	vmax.f32 v6, v4  }
0x69: {  	s14 =	simm.s32 $0x1000;
	v8 =	vimm.f32 $-Inf;
	v6 =	vimm.f32 $-Inf;
	v4 =	vimm.f32 $-Inf;
	[tilespmem:$0x1FFF0] =	vst v0  }
.LBB2_5:
0x6a: {  	p1 =	sne.s32 s14, $0x7C000;
	v0 =	vsub.f32 v21, v3;
	v15 =	vsub.f32 v15, v3;
	v21 =	vmax.f32 v10, v12  }
0x6b: {  	v20 =	vsub.f32 v20, v3;
	v17 =	vsub.f32 v17, v3;
	v10 =	vmin.f32 v10, v12  }
0x6c: {  	v12 =	vmax.f32 v22, v26;
	v28 =	vmin.f32 v23, v27;
	v0 =	vmax.f32 v0, $0.0e+00  }
0x6d: {  	v29 =	vmin.f32 v25, v10;
	v0 =	vadd.f32 v0, v11;
	v11 =	vmax.f32 v24, v21  }
0x6e: {  	v22 =	vmin.f32 v22, v26;
	v23 =	vmax.f32 v23, v27;
	v20 =	vmax.f32 v20, $0.0e+00  }
0x6f: {  	v10 =	vmax.f32 v25, v10;
	v0 =	vadd.f32 v20, v0;
	v20 =	vmin.f32 v24, v21  }
0x70: {  	v18 =	vmax.f32 v18, $0.0e+00;
	v19 =	vmax.f32 v19, $0.0e+00;
	v17 =	vmax.f32 v17, $0.0e+00  }
0x71: {  	v21 =	vmax.f32 v12, v11;
	v0 =	vadd.f32 v17, v0;
	v17 =	vmin.f32 v28, v29  }
0x72: {  	v16 =	vmax.f32 v16, $0.0e+00;
	v15 =	vmax.f32 v15, $0.0e+00;
	v11 =	vmin.f32 v12, v11  }
0x73: {  	v12 =	vmax.f32 v14, $0.0e+00;
	v14 =	vmax.f32 v28, v29;
	v0 =	vadd.f32 v15, v0  }
0x74: {  	v15 =	vmax.f32 v23, v22;
	v22 =	vmin.f32 v23, v22;
	v23 =	vmax.f32 v10, v20  }
0x75: {  	v10 =	vmin.f32 v10, v20;
	v0 =	vadd.f32 v12, v0;
	v12 =	vmax.f32 v15, v23  }
0x76: {  	v20 =	vmax.f32 v22, v10;
	v10 =	vmin.f32 v22, v10;
	v15 =	vmin.f32 v15, v23  }
0x77: {  	v0 =	vadd.f32 v16, v0;
	v16 =	vmax.f32 v20, v11;
	v11 =	vmin.f32 v20, v11  }
0x78: {  	v20 =	vmax.f32 v14, v15;
	v14 =	vmin.f32 v14, v15;
	v15 =	vmax.f32 v12, v16  }
0x79: {  	v12 =	vmin.f32 v12, v16;
	v16 =	vmax.f32 v20, v11;
	v0 =	vadd.f32 v18, v0  }
0x7a: {  	s15 =	sshra.s32 s14, $0x2;
	v18 =	vmin.f32 v20, v11;
	v20 =	vmax.f32 v14, v10;
	v10 =	vmin.f32 v14, v10  }
0x7b: {  	v25 =	vld [tilespmem:s15+$0x210];
	v11 =	vadd.f32 v19, v0;
	v0 =	vmax.f32 v9, v17;
	v9 =	vmax.f32 v13, v10  }
0x7c: {  	v8 =	vmax.f32 v8, v16;
	v6 =	vmax.f32 v6, v20;
	v7 =	vmax.f32 v7, v18;
	v28 =	vld [tilespmem:s15+$0x290]  }
0x7d: {  	v5 =	vmax.f32 v5, v12;
	v4 =	vmax.f32 v4, v15;
	v13 =	vmin.f32 v0, v8;
	v10 =	vld [tilespmem:s15+$0x310]  }
0x7e: {  	v16 =	vmin.f32 v6, v4;
	v18 =	vmin.f32 v7, v21;
	v14 =	vmin.f32 v9, v5;
	v12 =	vld [tilespmem:s15+$0x390]  }
0x7f: {  	v0 =	vmax.f32 v0, v8;
	v8 =	vmin.f32 v13, v16;
	v19 =	vmin.f32 v14, v18;
	v15 =	vld [tilespmem:s15+$0x190]  }
0x80: {  	v6 =	vmax.f32 v6, v4;
	v5 =	vmax.f32 v9, v5;
	v4 =	vmax.f32 v8, v19;
	v17 =	vld [tilespmem:s15+$0x110]  }
0x81: {  	v7 =	vmax.f32 v7, v21;
	v9 =	vmax.f32 v0, v6;
	v0 =	vmin.f32 v0, v6;
	v20 =	vld [tilespmem:s15+$0x90]  }
0x82: {  	v22 =	vmax.f32 v5, v7;
	v5 =	vmin.f32 v5, v7;
	v16 =	vmax.f32 v13, v16;
	v21 =	vld [tilespmem:s15+$0x10]  }
0x83: {  	v14 =	vmax.f32 v14, v18;
	v13 =	vmin.f32 v9, v22;
	v6 =	vmax.f32 v0, v5  }
.Ltmp1:
0x84: {  	v7 =	vmin.f32 v0, v5;
	v8 =	vmax.f32 v16, v14;
	v5 =	vmin.f32 v16, v14;
	(pc) =	sbr.rel @p1 .LBB2_5-.Ltmp1, $4  }
0x85: {  	v9 =	vmax.f32 v9, v22;
	v18 =	vsub.f32 v10, v3;
	v19 =	vsub.f32 v12, v3  }
0x86: {  	v14 =	vsub.f32 v25, v3;
	v16 =	vsub.f32 v28, v3  }
0x87: {  	v26 =	vmax.f32 v17, v15;
	v22 =	vmax.f32 v21, v20;
	v23 =	vmin.f32 v21, v20  }
0x88: {  	s14 =	sadd.s32 $0x1000, s14;
	v24 =	vmax.f32 v25, v28;
	v25 =	vmin.f32 v25, v28;
	v27 =	vmin.f32 v17, v15  }
0x89: {  	v0 =	vsub.f32 v21, v3;
	v15 =	vsub.f32 v15, v3  }
0x8a: {  	v21 =	vmax.f32 v10, v12;
	v20 =	vsub.f32 v20, v3;
	v17 =	vsub.f32 v17, v3  }
0x8b: {  	v10 =	vmin.f32 v10, v12;
	v12 =	vmax.f32 v22, v26;
	v0 =	vmax.f32 v0, $0.0e+00  }
0x8c: {  	v28 =	vmin.f32 v23, v27;
	v22 =	vmin.f32 v22, v26;
	v0 =	vadd.f32 v0, v11  }
0x8d: {  	v23 =	vmax.f32 v23, v27;
	v18 =	vmax.f32 v18, $0.0e+00;
	v20 =	vmax.f32 v20, $0.0e+00  }
0x8e: {  	v19 =	vmax.f32 v19, $0.0e+00;
	v16 =	vmax.f32 v16, $0.0e+00;
	v0 =	vadd.f32 v20, v0  }
0x8f: {  	v29 =	vmin.f32 v25, v10;
	v10 =	vmax.f32 v25, v10;
	v17 =	vmax.f32 v17, $0.0e+00  }
0x90: {  	v15 =	vmax.f32 v15, $0.0e+00;
	v11 =	vmax.f32 v24, v21;
	v0 =	vadd.f32 v17, v0;
	v17 =	vld [tilespmem:s13+$0x1F420]  }
0x91: {  	v20 =	vmin.f32 v24, v21;
	v21 =	vmax.f32 v12, v11;
	v24 =	vmin.f32 v28, v29  }
0x92: {  	v11 =	vmin.f32 v12, v11;
	v12 =	vmax.f32 v14, $0.0e+00;
	v0 =	vadd.f32 v15, v0  }
0x93: {  	v15 =	vmax.f32 v23, v22;
	v22 =	vmin.f32 v23, v22;
	v23 =	vmax.f32 v10, v20  }
0x94: {  	v14 =	vmax.f32 v28, v29;
	v10 =	vmin.f32 v10, v20;
	v20 =	vmax.f32 v15, v23  }
0x95: {  	v0 =	vadd.f32 v12, v0;
	v12 =	vshll.u32 v17, $0x7;
	v17 =	vor.u32 $0x20, v32  }
0x96: {  	v15 =	vmin.f32 v15, v23;
	v12 =	vor.u32 v17, v12;
	v17 =	vmax.f32 v22, v10  }
0x97: {  	v10 =	vmin.f32 v22, v10;
	v0 =	vadd.f32 v16, v0;
	v16 =	vmax.f32 v17, v11  }
0x98: {  	v11 =	vmin.f32 v17, v11;
	v17 =	vmax.f32 v14, v15;
	v14 =	vmin.f32 v14, v15  }
0x99: {  	v15 =	vmax.f32 v20, v16;
	v0 =	vadd.f32 v18, v0;
	v16 =	vmin.f32 v20, v16  }
0x9a: {  	s31 =	simm.s32 $0x0;
	v18 =	vmax.f32 v17, v11;
	v11 =	vmin.f32 v17, v11;
	v17 =	vmax.f32 v14, v10  }
0x9b: {  	v26 =	vld [tilespmem:s31+$0x2A0];
	v10 =	vmin.f32 v14, v10;
	v6 =	vmax.f32 v6, v17;
	v7 =	vmax.f32 v7, v11  }
0x9c: {  	v22 =	vld [tilespmem:s31+$0x220];
	v8 =	vmax.f32 v8, v18;
	v4 =	vmax.f32 v4, v15;
	v0 =	vadd.f32 v19, v0  }
0x9d: {  	s14 =	simm.s32 $0x0;
	v5 =	vmax.f32 v5, v16;
	v16 =	vmin.f32 v6, v4;
	v18 =	vmin.f32 v7, v21  }
0x9e: {  	v12 =	vld.idx.msk [tilespmem:v12+s14+$0x0], $0xffff;
	[tilespmem:$0x1FF00] =	vst v0;
	v0 =	vmax.f32 v9, v24;
	v9 =	vmax.f32 v13, v10  }
0x9f: {  	v4 =	vmax.f32 v6, v4;
	v10 =	vld [tilespmem:s31+$0x320];
	v11 =	vmin.f32 v0, v8;
	v14 =	vmin.f32 v9, v5  }
0xa0: {  	v13 =	vld [tilespmem:s31+$0x3A0];
	v0 =	vmax.f32 v0, v8;
	v8 =	vmin.f32 v11, v16;
	v17 =	vmin.f32 v14, v18  }
0xa1: {  	v20 =	vld [tilespmem:s31+$0xA0];
	v25 =	vmax.f32 v22, v26;
	v5 =	vmax.f32 v9, v5;
	v6 =	vmax.f32 v8, v17  }
0xa2: {  	v15 =	vld [tilespmem:s31+$0x1A0];
	v8 =	vmax.f32 v14, v18;
	[tilespmem:$0x1FF10] =	vst v6;
	v6 =	vmax.f32 v7, v21;
	v7 =	vmax.f32 v0, v4  }
0xa3: {  	v17 =	vld [tilespmem:s31+$0x120];
	v0 =	vmin.f32 v0, v4;
	v14 =	vsub.f32 v22, v12;
	v4 =	vmax.f32 v5, v6  }
0xa4: {  	v21 =	vld [tilespmem:s31+$0x20];
	v5 =	vmin.f32 v5, v6;
	v6 =	vmax.f32 v11, v16;
	v11 =	vimm.f32 $0.0e+00  }
0xa5: {  	v18 =	vsub.f32 v10, v12;
	v19 =	vsub.f32 v13, v12;
	v9 =	vmin.f32 v7, v4  }
0xa6: {  	v16 =	vsub.f32 v26, v12;
	v26 =	vmin.f32 v22, v26;
	[tilespmem:$0x1FF20] =	vst v9;
	v9 =	vmax.f32 v0, v5  }
0xa7: {  	v22 =	vimm.f32 $-Inf;
	v0 =	vmin.f32 v0, v5;
	v5 =	vimm.f32 $-Inf;
	[tilespmem:$0x1FF30] =	vst v9  }
0xa8: {  	[tilespmem:$0x1FF40] =	vst v0;
	v0 =	vmax.f32 v6, v8;
	v9 =	vimm.f32 $-Inf;
	v27 =	vmax.f32 v17, v15  }
0xa9: {  	v28 =	vmin.f32 v17, v15;
	[tilespmem:$0x1FF50] =	vst v0;
	v0 =	vmin.f32 v6, v8;
	v23 =	vmax.f32 v21, v20  }
0xaa: {  	v24 =	vmin.f32 v21, v20;
	v6 =	vimm.f32 $-Inf;
	[tilespmem:$0x1FF60] =	vst v0;
	v0 =	vmax.f32 v7, v4  }
0xab: {  	s14 =	simm.s32 $0x1000;
	v8 =	vimm.f32 $-Inf;
	v7 =	vimm.f32 $-Inf;
	v4 =	vimm.f32 $-Inf;
	[tilespmem:$0x1FF70] =	vst v0  }
.LBB2_7:
0xac: {  	p1 =	sne.s32 s14, $0x7C000;
	v0 =	vsub.f32 v21, v12;
	v15 =	vsub.f32 v15, v12;
	v21 =	vmax.f32 v10, v13  }
0xad: {  	v20 =	vsub.f32 v20, v12;
	v17 =	vsub.f32 v17, v12;
	v10 =	vmin.f32 v10, v13  }
0xae: {  	v13 =	vmax.f32 v23, v27;
	v29 =	vmin.f32 v24, v28;
	v0 =	vmax.f32 v0, $0.0e+00  }
0xaf: {  	v30 =	vmin.f32 v26, v10;
	v0 =	vadd.f32 v0, v11;
	v11 =	vmax.f32 v25, v21  }
0xb0: {  	v23 =	vmin.f32 v23, v27;
	v24 =	vmax.f32 v24, v28;
	v20 =	vmax.f32 v20, $0.0e+00  }
0xb1: {  	v10 =	vmax.f32 v26, v10;
	v0 =	vadd.f32 v20, v0;
	v20 =	vmin.f32 v25, v21  }
0xb2: {  	v18 =	vmax.f32 v18, $0.0e+00;
	v19 =	vmax.f32 v19, $0.0e+00;
	v17 =	vmax.f32 v17, $0.0e+00  }
0xb3: {  	v21 =	vmax.f32 v13, v11;
	v0 =	vadd.f32 v17, v0;
	v17 =	vmin.f32 v29, v30  }
0xb4: {  	v16 =	vmax.f32 v16, $0.0e+00;
	v15 =	vmax.f32 v15, $0.0e+00;
	v11 =	vmin.f32 v13, v11  }
0xb5: {  	v13 =	vmax.f32 v14, $0.0e+00;
	v14 =	vmax.f32 v29, v30;
	v0 =	vadd.f32 v15, v0  }
0xb6: {  	v15 =	vmax.f32 v24, v23;
	v23 =	vmin.f32 v24, v23;
	v24 =	vmax.f32 v10, v20  }
0xb7: {  	v10 =	vmin.f32 v10, v20;
	v0 =	vadd.f32 v13, v0;
	v13 =	vmax.f32 v15, v24  }
0xb8: {  	v20 =	vmax.f32 v23, v10;
	v10 =	vmin.f32 v23, v10;
	v15 =	vmin.f32 v15, v24  }
0xb9: {  	v0 =	vadd.f32 v16, v0;
	v16 =	vmax.f32 v20, v11;
	v11 =	vmin.f32 v20, v11  }
0xba: {  	v20 =	vmax.f32 v14, v15;
	v14 =	vmin.f32 v14, v15;
	v15 =	vmax.f32 v13, v16  }
0xbb: {  	v13 =	vmin.f32 v13, v16;
	v16 =	vmax.f32 v20, v11;
	v0 =	vadd.f32 v18, v0  }
0xbc: {  	s15 =	sshra.s32 s14, $0x2;
	v18 =	vmin.f32 v20, v11;
	v20 =	vmax.f32 v14, v10;
	v10 =	vmin.f32 v14, v10  }
0xbd: {  	v26 =	vld [tilespmem:s15+$0x220];
	v11 =	vadd.f32 v19, v0;
	v0 =	vmax.f32 v9, v17;
	v9 =	vmax.f32 v22, v10  }
0xbe: {  	v8 =	vmax.f32 v8, v16;
	v6 =	vmax.f32 v6, v20;
	v7 =	vmax.f32 v7, v18;
	v29 =	vld [tilespmem:s15+$0x2A0]  }
0xbf: {  	v5 =	vmax.f32 v5, v13;
	v4 =	vmax.f32 v4, v15;
	v14 =	vmin.f32 v0, v8;
	v10 =	vld [tilespmem:s15+$0x320]  }
0xc0: {  	v18 =	vmin.f32 v6, v4;
	v19 =	vmin.f32 v7, v21;
	v16 =	vmin.f32 v9, v5;
	v13 =	vld [tilespmem:s15+$0x3A0]  }
0xc1: {  	v0 =	vmax.f32 v0, v8;
	v8 =	vmin.f32 v14, v18;
	v20 =	vmin.f32 v16, v19;
	v15 =	vld [tilespmem:s15+$0x1A0]  }
0xc2: {  	v6 =	vmax.f32 v6, v4;
	v5 =	vmax.f32 v9, v5;
	v4 =	vmax.f32 v8, v20;
	v17 =	vld [tilespmem:s15+$0x120]  }
0xc3: {  	v7 =	vmax.f32 v7, v21;
	v9 =	vmax.f32 v0, v6;
	v0 =	vmin.f32 v0, v6;
	v20 =	vld [tilespmem:s15+$0xA0]  }
0xc4: {  	v23 =	vmax.f32 v5, v7;
	v5 =	vmin.f32 v5, v7;
	v14 =	vmax.f32 v14, v18;
	v21 =	vld [tilespmem:s15+$0x20]  }
0xc5: {  	v16 =	vmax.f32 v16, v19;
	v22 =	vmin.f32 v9, v23;
	v6 =	vmax.f32 v0, v5  }
.Ltmp2:
0xc6: {  	v7 =	vmin.f32 v0, v5;
	v8 =	vmax.f32 v14, v16;
	v5 =	vmin.f32 v14, v16;
	(pc) =	sbr.rel @p1 .LBB2_7-.Ltmp2, $4  }
0xc7: {  	v9 =	vmax.f32 v9, v23;
	v18 =	vsub.f32 v10, v12;
	v19 =	vsub.f32 v13, v12  }
0xc8: {  	v14 =	vsub.f32 v26, v12;
	v16 =	vsub.f32 v29, v12  }
0xc9: {  	v27 =	vmax.f32 v17, v15;
	v23 =	vmax.f32 v21, v20;
	v24 =	vmin.f32 v21, v20  }
0xca: {  	s14 =	sadd.s32 $0x1000, s14;
	v25 =	vmax.f32 v26, v29;
	v26 =	vmin.f32 v26, v29;
	v28 =	vmin.f32 v17, v15  }
0xcb: {  	v0 =	vsub.f32 v21, v12  }
0xcc: {  	v15 =	vsub.f32 v15, v12;
	v21 =	vmax.f32 v10, v13;
	v20 =	vsub.f32 v20, v12  }
0xcd: {  	v17 =	vsub.f32 v17, v12;
	v10 =	vmin.f32 v10, v13;
	v13 =	vmax.f32 v23, v27  }
0xce: {  	v29 =	vmin.f32 v24, v28;
	v23 =	vmin.f32 v23, v27;
	v0 =	vmax.f32 v0, $0.0e+00  }
0xcf: {  	v24 =	vmax.f32 v24, v28;
	v18 =	vmax.f32 v18, $0.0e+00;
	v0 =	vadd.f32 v0, v11  }
0xd0: {  	v19 =	vmax.f32 v19, $0.0e+00;
	v16 =	vmax.f32 v16, $0.0e+00;
	v20 =	vmax.f32 v20, $0.0e+00  }
0xd1: {  	v31 =	vimm.f32 $-Inf;
	v30 =	vmin.f32 v26, v10;
	v0 =	vadd.f32 v20, v0  }
0xd2: {  	v10 =	vmax.f32 v26, v10;
	v17 =	vmax.f32 v17, $0.0e+00;
	v26 =	vmin.f32 v29, v30  }
0xd3: {  	v15 =	vmax.f32 v15, $0.0e+00;
	v11 =	vmax.f32 v25, v21;
	v0 =	vadd.f32 v17, v0;
	v17 =	vld [tilespmem:s13+$0x1F430]  }
0xd4: {  	v20 =	vmin.f32 v25, v21;
	v25 =	vmax.f32 v13, v11;
	v11 =	vmin.f32 v13, v11  }
0xd5: {  	v13 =	vmax.f32 v14, $0.0e+00;
	v14 =	vmax.f32 v29, v30;
	v21 =	vmin.f32 v24, v23  }
0xd6: {  	v0 =	vadd.f32 v15, v0;
	v15 =	vmax.f32 v24, v23;
	v23 =	vmax.f32 v10, v20  }
0xd7: {  	v10 =	vmin.f32 v10, v20;
	v20 =	vmax.f32 v15, v23;
	v15 =	vmin.f32 v15, v23  }
0xd8: {  	v0 =	vadd.f32 v13, v0;
	v13 =	vshll.u32 v17, $0x7;
	v17 =	vor.u32 $0x30, v32  }
0xd9: {  	v13 =	vor.u32 v17, v13;
	v17 =	vmax.f32 v21, v10;
	v10 =	vmin.f32 v21, v10  }
0xda: {  	v0 =	vadd.f32 v16, v0;
	v16 =	vmax.f32 v17, v11;
	v11 =	vmin.f32 v17, v11  }
0xdb: {  	v17 =	vmax.f32 v14, v15;
	v14 =	vmin.f32 v14, v15;
	v15 =	vmax.f32 v20, v16  }
0xdc: {  	s31 =	simm.s32 $0x0;
	v0 =	vadd.f32 v18, v0;
	v16 =	vmin.f32 v20, v16;
	v18 =	vmax.f32 v17, v11  }
0xdd: {  	v29 =	vld [tilespmem:s31+$0x2B0];
	v11 =	vmin.f32 v17, v11;
	v17 =	vmax.f32 v14, v10;
	v10 =	vmin.f32 v14, v10  }
0xde: {  	s14 =	simm.s32 $0x0;
	v20 =	vld [tilespmem:s31+$0xB0];
	v6 =	vmax.f32 v6, v17;
	v7 =	vmax.f32 v7, v11;
	v0 =	vadd.f32 v19, v0  }
0xdf: {  	v8 =	vmax.f32 v8, v18;
	v5 =	vmax.f32 v5, v16;
	v4 =	vmax.f32 v4, v15;
	v21 =	vld.idx.msk [tilespmem:v13+s14+$0x0], $0xffff  }
0xe0: {  	v16 =	vmin.f32 v6, v4;
	v13 =	vld [tilespmem:s31+$0x3B0];
	[tilespmem:$0x1FE80] =	vst v0;
	v0 =	vmax.f32 v9, v26;
	v9 =	vmax.f32 v22, v10  }
0xe1: {  	v18 =	vmin.f32 v7, v25;
	v26 =	vld [tilespmem:s31+$0x230];
	v11 =	vmin.f32 v0, v8;
	v14 =	vmin.f32 v9, v5  }
0xe2: {  	v10 =	vld [tilespmem:s31+$0x330];
	v0 =	vmax.f32 v0, v8;
	v8 =	vmin.f32 v11, v16;
	v17 =	vmin.f32 v14, v18  }
0xe3: {  	v4 =	vmax.f32 v6, v4;
	v22 =	vld [tilespmem:s31+$0x30];
	v5 =	vmax.f32 v9, v5;
	v6 =	vmax.f32 v8, v17  }
0xe4: {  	v8 =	vmax.f32 v14, v18;
	[tilespmem:$0x1FE90] =	vst v6;
	v6 =	vmax.f32 v7, v25;
	v7 =	vmax.f32 v0, v4  }
0xe5: {  	v15 =	vld [tilespmem:s31+$0x1B0];
	v0 =	vmin.f32 v0, v4;
	v19 =	vsub.f32 v13, v21;
	v4 =	vmax.f32 v5, v6  }
0xe6: {  	v17 =	vld [tilespmem:s31+$0x130];
	v5 =	vmin.f32 v5, v6;
	v6 =	vmax.f32 v11, v16;
	v11 =	vimm.f32 $0.0e+00  }
0xe7: {  	v18 =	vsub.f32 v10, v21;
	v14 =	vsub.f32 v26, v21;
	v9 =	vmin.f32 v7, v4  }
0xe8: {  	v16 =	vsub.f32 v29, v21;
	v23 =	vmax.f32 v22, v20;
	[tilespmem:$0x1FEA0] =	vst v9;
	v9 =	vmax.f32 v0, v5  }
0xe9: {  	v24 =	vmin.f32 v22, v20;
	v25 =	vmax.f32 v26, v29;
	v0 =	vmin.f32 v0, v5;
	[tilespmem:$0x1FEB0] =	vst v9  }
0xea: {  	v26 =	vmin.f32 v26, v29;
	v5 =	vimm.f32 $-Inf;
	[tilespmem:$0x1FEC0] =	vst v0;
	v0 =	vmax.f32 v6, v8  }
0xeb: {  	v9 =	vimm.f32 $-Inf;
	v27 =	vmax.f32 v17, v15;
	[tilespmem:$0x1FED0] =	vst v0;
	v0 =	vmin.f32 v6, v8  }
0xec: {  	v28 =	vmin.f32 v17, v15;
	v6 =	vimm.f32 $-Inf;
	[tilespmem:$0x1FEE0] =	vst v0;
	v0 =	vmax.f32 v7, v4  }
0xed: {  	s14 =	simm.s32 $0x1000;
	v8 =	vimm.f32 $-Inf;
	v7 =	vimm.f32 $-Inf;
	v4 =	vimm.f32 $-Inf;
	[tilespmem:$0x1FEF0] =	vst v0  }
.LBB2_9:
0xee: {  	p1 =	sne.s32 s14, $0x7C000;
	v0 =	vsub.f32 v22, v21;
	v15 =	vsub.f32 v15, v21;
	v22 =	vmax.f32 v10, v13  }
0xef: {  	v20 =	vsub.f32 v20, v21;
	v17 =	vsub.f32 v17, v21;
	v10 =	vmin.f32 v10, v13  }
0xf0: {  	v13 =	vmax.f32 v23, v27;
	v29 =	vmin.f32 v24, v28;
	v0 =	vmax.f32 v0, $0.0e+00  }
0xf1: {  	v30 =	vmin.f32 v26, v10;
	v0 =	vadd.f32 v0, v11;
	v11 =	vmax.f32 v25, v22  }
0xf2: {  	v23 =	vmin.f32 v23, v27;
	v24 =	vmax.f32 v24, v28;
	v20 =	vmax.f32 v20, $0.0e+00  }
0xf3: {  	v10 =	vmax.f32 v26, v10;
	v0 =	vadd.f32 v20, v0;
	v20 =	vmin.f32 v25, v22  }
0xf4: {  	v18 =	vmax.f32 v18, $0.0e+00;
	v19 =	vmax.f32 v19, $0.0e+00;
	v17 =	vmax.f32 v17, $0.0e+00  }
0xf5: {  	v22 =	vmax.f32 v13, v11;
	v0 =	vadd.f32 v17, v0;
	v17 =	vmin.f32 v29, v30  }
0xf6: {  	v16 =	vmax.f32 v16, $0.0e+00;
	v15 =	vmax.f32 v15, $0.0e+00;
	v11 =	vmin.f32 v13, v11  }
0xf7: {  	v13 =	vmax.f32 v14, $0.0e+00;
	v14 =	vmax.f32 v29, v30;
	v0 =	vadd.f32 v15, v0  }
0xf8: {  	v15 =	vmax.f32 v24, v23;
	v23 =	vmin.f32 v24, v23;
	v24 =	vmax.f32 v10, v20  }
0xf9: {  	v10 =	vmin.f32 v10, v20;
	v0 =	vadd.f32 v13, v0;
	v13 =	vmax.f32 v15, v24  }
0xfa: {  	v20 =	vmax.f32 v23, v10;
	v10 =	vmin.f32 v23, v10;
	v15 =	vmin.f32 v15, v24  }
0xfb: {  	v0 =	vadd.f32 v16, v0;
	v16 =	vmax.f32 v20, v11;
	v11 =	vmin.f32 v20, v11  }
0xfc: {  	v20 =	vmax.f32 v14, v15;
	v14 =	vmin.f32 v14, v15;
	v15 =	vmax.f32 v13, v16  }
0xfd: {  	v13 =	vmin.f32 v13, v16;
	v16 =	vmax.f32 v20, v11;
	v0 =	vadd.f32 v18, v0  }
0xfe: {  	s15 =	sshra.s32 s14, $0x2;
	v18 =	vmin.f32 v20, v11;
	v20 =	vmax.f32 v14, v10;
	v10 =	vmin.f32 v14, v10  }
0xff: {  	v26 =	vld [tilespmem:s15+$0x230];
	v11 =	vadd.f32 v19, v0;
	v0 =	vmax.f32 v9, v17;
	v9 =	vmax.f32 v31, v10  }
0x100: {  	v8 =	vmax.f32 v8, v16;
	v6 =	vmax.f32 v6, v20;
	v7 =	vmax.f32 v7, v18;
	v29 =	vld [tilespmem:s15+$0x2B0]  }
0x101: {  	v5 =	vmax.f32 v5, v13;
	v4 =	vmax.f32 v4, v15;
	v14 =	vmin.f32 v0, v8;
	v10 =	vld [tilespmem:s15+$0x330]  }
0x102: {  	v18 =	vmin.f32 v6, v4;
	v19 =	vmin.f32 v7, v22;
	v16 =	vmin.f32 v9, v5;
	v13 =	vld [tilespmem:s15+$0x3B0]  }
0x103: {  	v0 =	vmax.f32 v0, v8;
	v8 =	vmin.f32 v14, v18;
	v20 =	vmin.f32 v16, v19;
	v15 =	vld [tilespmem:s15+$0x1B0]  }
0x104: {  	v6 =	vmax.f32 v6, v4;
	v5 =	vmax.f32 v9, v5;
	v4 =	vmax.f32 v8, v20;
	v17 =	vld [tilespmem:s15+$0x130]  }
0x105: {  	v7 =	vmax.f32 v7, v22;
	v9 =	vmax.f32 v0, v6;
	v0 =	vmin.f32 v0, v6;
	v20 =	vld [tilespmem:s15+$0xB0]  }
0x106: {  	v23 =	vmax.f32 v5, v7;
	v5 =	vmin.f32 v5, v7;
	v14 =	vmax.f32 v14, v18;
	v22 =	vld [tilespmem:s15+$0x30]  }
0x107: {  	v16 =	vmax.f32 v16, v19;
	v31 =	vmin.f32 v9, v23;
	v6 =	vmax.f32 v0, v5  }
.Ltmp3:
0x108: {  	v7 =	vmin.f32 v0, v5;
	v8 =	vmax.f32 v14, v16;
	v5 =	vmin.f32 v14, v16;
	(pc) =	sbr.rel @p1 .LBB2_9-.Ltmp3, $4  }
0x109: {  	v9 =	vmax.f32 v9, v23;
	v18 =	vsub.f32 v10, v21;
	v19 =	vsub.f32 v13, v21  }
0x10a: {  	v14 =	vsub.f32 v26, v21;
	v16 =	vsub.f32 v29, v21  }
0x10b: {  	v27 =	vmax.f32 v17, v15;
	v23 =	vmax.f32 v22, v20;
	v24 =	vmin.f32 v22, v20  }
0x10c: {  	s14 =	sadd.s32 $0x1000, s14;
	v25 =	vmax.f32 v26, v29;
	v26 =	vmin.f32 v26, v29;
	v28 =	vmin.f32 v17, v15  }
0x10d: {  	v0 =	vsub.f32 v22, v21  }
0x10e: {  	v15 =	vsub.f32 v15, v21;
	v22 =	vmax.f32 v10, v13;
	v20 =	vsub.f32 v20, v21  }
0x10f: {  	v17 =	vsub.f32 v17, v21;
	v10 =	vmin.f32 v10, v13;
	v13 =	vmax.f32 v23, v27  }
0x110: {  	v29 =	vmin.f32 v24, v28;
	v23 =	vmin.f32 v23, v27;
	v0 =	vmax.f32 v0, $0.0e+00  }
0x111: {  	v24 =	vmax.f32 v24, v28;
	v18 =	vmax.f32 v18, $0.0e+00;
	v0 =	vadd.f32 v0, v11  }
0x112: {  	v19 =	vmax.f32 v19, $0.0e+00;
	v16 =	vmax.f32 v16, $0.0e+00;
	v20 =	vmax.f32 v20, $0.0e+00  }
0x113: {  	v40 =	vimm.f32 $-Inf;
	v30 =	vmin.f32 v26, v10;
	v0 =	vadd.f32 v20, v0  }
0x114: {  	v10 =	vmax.f32 v26, v10;
	v17 =	vmax.f32 v17, $0.0e+00;
	v15 =	vmax.f32 v15, $0.0e+00  }
0x115: {  	v11 =	vmax.f32 v25, v22;
	v20 =	vmin.f32 v25, v22;
	v0 =	vadd.f32 v17, v0;
	v17 =	vld [tilespmem:s13+$0x1F440]  }
0x116: {  	v22 =	vmax.f32 v13, v11;
	v25 =	vmin.f32 v29, v30;
	v11 =	vmin.f32 v13, v11  }
0x117: {  	v13 =	vmax.f32 v14, $0.0e+00;
	v14 =	vmax.f32 v29, v30;
	v0 =	vadd.f32 v15, v0  }
0x118: {  	v15 =	vmax.f32 v24, v23;
	v23 =	vmin.f32 v24, v23;
	v24 =	vmax.f32 v10, v20  }
0x119: {  	v10 =	vmin.f32 v10, v20;
	v20 =	vmax.f32 v15, v24;
	v15 =	vmin.f32 v15, v24  }
0x11a: {  	v0 =	vadd.f32 v13, v0;
	v13 =	vshll.u32 v17, $0x7;
	v17 =	vor.u32 $0x40, v32  }
0x11b: {  	v13 =	vor.u32 v17, v13;
	v17 =	vmax.f32 v23, v10;
	v10 =	vmin.f32 v23, v10  }
0x11c: {  	s31 =	simm.s32 $0x0;
	v0 =	vadd.f32 v16, v0;
	v16 =	vmax.f32 v17, v11;
	v11 =	vmin.f32 v17, v11  }
0x11d: {  	v26 =	vld [tilespmem:s31+$0x240];
	v17 =	vmax.f32 v14, v15;
	v14 =	vmin.f32 v14, v15;
	v15 =	vmax.f32 v20, v16  }
0x11e: {  	v29 =	vld [tilespmem:s31+$0x2C0];
	v0 =	vadd.f32 v18, v0;
	v16 =	vmin.f32 v20, v16;
	v18 =	vmax.f32 v17, v11  }
0x11f: {  	v11 =	vmin.f32 v17, v11;
	v17 =	vmax.f32 v14, v10;
	v10 =	vmin.f32 v14, v10  }
0x120: {  	v6 =	vmax.f32 v6, v17;
	v7 =	vmax.f32 v7, v11;
	v8 =	vmax.f32 v8, v18  }
0x121: {  	s14 =	simm.s32 $0x0;
	v5 =	vmax.f32 v5, v16;
	v4 =	vmax.f32 v4, v15;
	v0 =	vadd.f32 v19, v0  }
0x122: {  	v16 =	vmin.f32 v6, v4;
	v18 =	vmin.f32 v7, v22;
	v4 =	vmax.f32 v6, v4;
	v30 =	vld.idx.msk [tilespmem:v13+s14+$0x0], $0xffff  }
0x123: {  	v13 =	vld [tilespmem:s31+$0x3C0];
	[tilespmem:$0x1FE40] =	vst v0;
	v0 =	vmax.f32 v9, v25;
	v9 =	vmax.f32 v31, v10;
	v25 =	vmax.f32 v26, v29  }
0x124: {  	v11 =	vmin.f32 v0, v8;
	v14 =	vmin.f32 v9, v5;
	v0 =	vmax.f32 v0, v8  }
0x125: {  	v10 =	vld [tilespmem:s31+$0x340];
	v5 =	vmax.f32 v9, v5;
	v8 =	vmin.f32 v11, v16;
	v17 =	vmin.f32 v14, v18  }
0x126: {  	v9 =	vimm.f32 $-Inf;
	v6 =	vmax.f32 v8, v17;
	v8 =	vmax.f32 v14, v18  }
0x127: {  	v20 =	vld [tilespmem:s31+$0xC0];
	[tilespmem:$0x1FE50] =	vst v6;
	v6 =	vmax.f32 v7, v22;
	v7 =	vmax.f32 v0, v4;
	v0 =	vmin.f32 v0, v4  }
0x128: {  	v15 =	vld [tilespmem:s31+$0x1C0];
	v19 =	vsub.f32 v13, v30;
	v14 =	vsub.f32 v26, v30;
	v26 =	vmin.f32 v26, v29  }
0x129: {  	v17 =	vld [tilespmem:s31+$0x140];
	v4 =	vmax.f32 v5, v6;
	v5 =	vmin.f32 v5, v6;
	v6 =	vmax.f32 v11, v16  }
0x12a: {  	v22 =	vld [tilespmem:s31+$0x40];
	v11 =	vimm.f32 $0.0e+00;
	v18 =	vsub.f32 v10, v30;
	v16 =	vsub.f32 v29, v30  }
0x12b: {  	v37 =	vmin.f32 v7, v4;
	v36 =	vmax.f32 v0, v5;
	v35 =	vmin.f32 v0, v5  }
0x12c: {  	v0 =	vmax.f32 v6, v8;
	v38 =	vmax.f32 v7, v4;
	v7 =	vimm.f32 $-Inf  }
0x12d: {  	v5 =	vimm.f32 $-Inf;
	v4 =	vimm.f32 $-Inf;
	[tilespmem:$0x1FE60] =	vst v0;
	v0 =	vmin.f32 v6, v8  }
0x12e: {  	v6 =	vimm.f32 $-Inf;
	v8 =	vimm.f32 $-Inf;
	v27 =	vmax.f32 v17, v15  }
0x12f: {  	s14 =	simm.s32 $0x1000;
	[tilespmem:$0x1FE70] =	vst v0;
	v28 =	vmin.f32 v17, v15;
	v23 =	vmax.f32 v22, v20;
	v24 =	vmin.f32 v22, v20  }
.LBB2_11:
0x130: {  	p1 =	sne.s32 s14, $0x7C000;
	v0 =	vsub.f32 v22, v30;
	v15 =	vsub.f32 v15, v30;
	v22 =	vmax.f32 v10, v13  }
0x131: {  	v20 =	vsub.f32 v20, v30;
	v17 =	vsub.f32 v17, v30;
	v10 =	vmin.f32 v10, v13  }
0x132: {  	v13 =	vmax.f32 v23, v27;
	v29 =	vmin.f32 v24, v28;
	v0 =	vmax.f32 v0, $0.0e+00  }
0x133: {  	v31 =	vmin.f32 v26, v10;
	v0 =	vadd.f32 v0, v11;
	v11 =	vmax.f32 v25, v22  }
0x134: {  	v23 =	vmin.f32 v23, v27;
	v24 =	vmax.f32 v24, v28;
	v20 =	vmax.f32 v20, $0.0e+00  }
0x135: {  	v10 =	vmax.f32 v26, v10;
	v0 =	vadd.f32 v20, v0;
	v20 =	vmin.f32 v25, v22  }
0x136: {  	v18 =	vmax.f32 v18, $0.0e+00;
	v19 =	vmax.f32 v19, $0.0e+00;
	v17 =	vmax.f32 v17, $0.0e+00  }
0x137: {  	v22 =	vmax.f32 v13, v11;
	v0 =	vadd.f32 v17, v0;
	v17 =	vmin.f32 v29, v31  }
0x138: {  	v16 =	vmax.f32 v16, $0.0e+00;
	v15 =	vmax.f32 v15, $0.0e+00;
	v11 =	vmin.f32 v13, v11  }
0x139: {  	v13 =	vmax.f32 v14, $0.0e+00;
	v14 =	vmax.f32 v29, v31;
	v0 =	vadd.f32 v15, v0  }
0x13a: {  	v15 =	vmax.f32 v24, v23;
	v23 =	vmin.f32 v24, v23;
	v24 =	vmax.f32 v10, v20  }
0x13b: {  	v10 =	vmin.f32 v10, v20;
	v0 =	vadd.f32 v13, v0;
	v13 =	vmax.f32 v15, v24  }
0x13c: {  	v20 =	vmax.f32 v23, v10;
	v10 =	vmin.f32 v23, v10;
	v15 =	vmin.f32 v15, v24  }
0x13d: {  	v0 =	vadd.f32 v16, v0;
	v16 =	vmax.f32 v20, v11;
	v11 =	vmin.f32 v20, v11  }
0x13e: {  	v20 =	vmax.f32 v14, v15;
	v14 =	vmin.f32 v14, v15;
	v15 =	vmax.f32 v13, v16  }
0x13f: {  	v13 =	vmin.f32 v13, v16;
	v16 =	vmax.f32 v20, v11;
	v0 =	vadd.f32 v18, v0  }
0x140: {  	s15 =	sshra.s32 s14, $0x2;
	v18 =	vmin.f32 v20, v11;
	v20 =	vmax.f32 v14, v10;
	v10 =	vmin.f32 v14, v10  }
0x141: {  	v26 =	vld [tilespmem:s15+$0x240];
	v11 =	vadd.f32 v19, v0;
	v0 =	vmax.f32 v9, v17;
	v9 =	vmax.f32 v40, v10  }
0x142: {  	v8 =	vmax.f32 v8, v16;
	v6 =	vmax.f32 v6, v20;
	v7 =	vmax.f32 v7, v18;
	v29 =	vld [tilespmem:s15+$0x2C0]  }
0x143: {  	v5 =	vmax.f32 v5, v13;
	v4 =	vmax.f32 v4, v15;
	v14 =	vmin.f32 v0, v8;
	v10 =	vld [tilespmem:s15+$0x340]  }
0x144: {  	v18 =	vmin.f32 v6, v4;
	v19 =	vmin.f32 v7, v22;
	v16 =	vmin.f32 v9, v5;
	v13 =	vld [tilespmem:s15+$0x3C0]  }
0x145: {  	v0 =	vmax.f32 v0, v8;
	v8 =	vmin.f32 v14, v18;
	v20 =	vmin.f32 v16, v19;
	v15 =	vld [tilespmem:s15+$0x1C0]  }
0x146: {  	v6 =	vmax.f32 v6, v4;
	v5 =	vmax.f32 v9, v5;
	v4 =	vmax.f32 v8, v20;
	v17 =	vld [tilespmem:s15+$0x140]  }
0x147: {  	v7 =	vmax.f32 v7, v22;
	v9 =	vmax.f32 v0, v6;
	v0 =	vmin.f32 v0, v6;
	v20 =	vld [tilespmem:s15+$0xC0]  }
0x148: {  	v23 =	vmax.f32 v5, v7;
	v5 =	vmin.f32 v5, v7;
	v14 =	vmax.f32 v14, v18;
	v22 =	vld [tilespmem:s15+$0x40]  }
0x149: {  	v16 =	vmax.f32 v16, v19;
	v40 =	vmin.f32 v9, v23;
	v6 =	vmax.f32 v0, v5  }
.Ltmp4:
0x14a: {  	v7 =	vmin.f32 v0, v5;
	v8 =	vmax.f32 v14, v16;
	v5 =	vmin.f32 v14, v16;
	(pc) =	sbr.rel @p1 .LBB2_11-.Ltmp4, $4  }
0x14b: {  	v9 =	vmax.f32 v9, v23;
	v18 =	vsub.f32 v10, v30;
	v19 =	vsub.f32 v13, v30  }
0x14c: {  	v14 =	vsub.f32 v26, v30;
	v16 =	vsub.f32 v29, v30  }
0x14d: {  	v27 =	vmax.f32 v17, v15;
	v23 =	vmax.f32 v22, v20;
	v24 =	vmin.f32 v22, v20  }
0x14e: {  	s14 =	sadd.s32 $0x1000, s14;
	v25 =	vmax.f32 v26, v29;
	v26 =	vmin.f32 v26, v29;
	v28 =	vmin.f32 v17, v15  }
0x14f: {  	v0 =	vsub.f32 v22, v30  }
0x150: {  	v15 =	vsub.f32 v15, v30;
	v22 =	vmax.f32 v10, v13;
	v20 =	vsub.f32 v20, v30  }
0x151: {  	v17 =	vsub.f32 v17, v30;
	v10 =	vmin.f32 v10, v13;
	v13 =	vmax.f32 v23, v27  }
0x152: {  	v29 =	vmin.f32 v24, v28;
	v23 =	vmin.f32 v23, v27;
	v0 =	vmax.f32 v0, $0.0e+00  }
0x153: {  	v24 =	vmax.f32 v24, v28;
	v18 =	vmax.f32 v18, $0.0e+00;
	v0 =	vadd.f32 v0, v11  }
0x154: {  	v19 =	vmax.f32 v19, $0.0e+00;
	v16 =	vmax.f32 v16, $0.0e+00;
	v20 =	vmax.f32 v20, $0.0e+00  }
0x155: {  	v49 =	vimm.f32 $-Inf;
	v31 =	vmin.f32 v26, v10;
	v0 =	vadd.f32 v20, v0  }
0x156: {  	v10 =	vmax.f32 v26, v10;
	v17 =	vmax.f32 v17, $0.0e+00;
	v15 =	vmax.f32 v15, $0.0e+00  }
0x157: {  	v11 =	vmax.f32 v25, v22;
	v20 =	vmin.f32 v25, v22;
	v0 =	vadd.f32 v17, v0;
	v17 =	vld [tilespmem:s13+$0x1F450]  }
0x158: {  	v22 =	vmax.f32 v13, v11;
	v25 =	vmin.f32 v29, v31;
	v11 =	vmin.f32 v13, v11  }
0x159: {  	v13 =	vmax.f32 v14, $0.0e+00;
	v14 =	vmax.f32 v29, v31;
	v0 =	vadd.f32 v15, v0  }
0x15a: {  	v15 =	vmax.f32 v24, v23;
	v23 =	vmin.f32 v24, v23;
	v24 =	vmax.f32 v10, v20  }
0x15b: {  	v10 =	vmin.f32 v10, v20;
	v20 =	vmax.f32 v15, v24;
	v15 =	vmin.f32 v15, v24  }
0x15c: {  	v0 =	vadd.f32 v13, v0;
	v13 =	vshll.u32 v17, $0x7;
	v17 =	vor.u32 $0x50, v32  }
0x15d: {  	v13 =	vor.u32 v17, v13;
	v17 =	vmax.f32 v23, v10;
	v10 =	vmin.f32 v23, v10  }
0x15e: {  	v0 =	vadd.f32 v16, v0;
	v16 =	vmax.f32 v17, v11;
	v11 =	vmin.f32 v17, v11  }
0x15f: {  	s31 =	simm.s32 $0x0;
	v17 =	vmax.f32 v14, v15;
	v14 =	vmin.f32 v14, v15;
	v15 =	vmax.f32 v20, v16  }
0x160: {  	v26 =	vld [tilespmem:s31+$0x250];
	v0 =	vadd.f32 v18, v0;
	v16 =	vmin.f32 v20, v16;
	v18 =	vmax.f32 v17, v11  }
0x161: {  	v29 =	vld [tilespmem:s31+$0x2D0];
	v11 =	vmin.f32 v17, v11;
	v17 =	vmax.f32 v14, v10;
	v10 =	vmin.f32 v14, v10  }
0x162: {  	v6 =	vmax.f32 v6, v17;
	v7 =	vmax.f32 v7, v11;
	v8 =	vmax.f32 v8, v18  }
0x163: {  	v5 =	vmax.f32 v5, v16;
	v4 =	vmax.f32 v4, v15;
	v41 =	vadd.f32 v19, v0  }
0x164: {  	v0 =	vmax.f32 v9, v25;
	v9 =	vmax.f32 v40, v10;
	v16 =	vmin.f32 v6, v4  }
0x165: {  	v18 =	vmin.f32 v7, v22;
	v4 =	vmax.f32 v6, v4;
	v6 =	vmax.f32 v7, v22  }
0x166: {  	v20 =	vld [tilespmem:s31+$0xD0];
	v25 =	vmax.f32 v26, v29;
	v11 =	vmin.f32 v0, v8;
	v14 =	vmin.f32 v9, v5  }
0x167: {  	v10 =	vld [tilespmem:s31+$0x350];
	v0 =	vmax.f32 v0, v8;
	v5 =	vmax.f32 v9, v5;
	v9 =	vimm.f32 $-Inf  }
0x168: {  	s14 =	simm.s32 $0x0;
	v22 =	vld [tilespmem:s31+$0x50];
	v8 =	vmin.f32 v11, v16;
	v17 =	vmin.f32 v14, v18;
	v7 =	vmax.f32 v0, v4  }
0x169: {  	v39 =	vld.idx.msk [tilespmem:v13+s14+$0x0], $0xffff;
	v0 =	vmin.f32 v0, v4;
	v4 =	vmax.f32 v5, v6;
	v5 =	vmin.f32 v5, v6  }
0x16a: {  	v13 =	vld [tilespmem:s31+$0x3D0];
	v6 =	vmax.f32 v11, v16;
	v11 =	vimm.f32 $0.0e+00;
	v40 =	vmax.f32 v8, v17  }
0x16b: {  	v15 =	vld [tilespmem:s31+$0x1D0];
	v8 =	vmax.f32 v14, v18;
	v46 =	vmin.f32 v7, v4;
	v45 =	vmax.f32 v0, v5  }
0x16c: {  	v17 =	vld [tilespmem:s31+$0x150];
	v44 =	vmin.f32 v0, v5;
	v47 =	vmax.f32 v7, v4;
	v7 =	vimm.f32 $-Inf  }
0x16d: {  	v5 =	vimm.f32 $-Inf;
	v4 =	vimm.f32 $-Inf;
	v43 =	vmax.f32 v6, v8  }
0x16e: {  	v42 =	vmin.f32 v6, v8;
	v6 =	vimm.f32 $-Inf;
	v8 =	vimm.f32 $-Inf  }
0x16f: {  	v23 =	vmax.f32 v22, v20;
	v18 =	vsub.f32 v10, v39;
	v19 =	vsub.f32 v13, v39  }
0x170: {  	v24 =	vmin.f32 v22, v20;
	v14 =	vsub.f32 v26, v39;
	v16 =	vsub.f32 v29, v39  }
0x171: {  	s14 =	simm.s32 $0x1000;
	v26 =	vmin.f32 v26, v29;
	v27 =	vmax.f32 v17, v15;
	v28 =	vmin.f32 v17, v15  }
.LBB2_13:
0x172: {  	p1 =	sne.s32 s14, $0x7C000;
	v0 =	vsub.f32 v22, v39;
	v15 =	vsub.f32 v15, v39;
	v22 =	vmax.f32 v10, v13  }
0x173: {  	v20 =	vsub.f32 v20, v39;
	v17 =	vsub.f32 v17, v39;
	v10 =	vmin.f32 v10, v13  }
0x174: {  	v13 =	vmax.f32 v23, v27;
	v29 =	vmin.f32 v24, v28;
	v0 =	vmax.f32 v0, $0.0e+00  }
0x175: {  	v31 =	vmin.f32 v26, v10;
	v0 =	vadd.f32 v0, v11;
	v11 =	vmax.f32 v25, v22  }
0x176: {  	v23 =	vmin.f32 v23, v27;
	v24 =	vmax.f32 v24, v28;
	v20 =	vmax.f32 v20, $0.0e+00  }
0x177: {  	v10 =	vmax.f32 v26, v10;
	v0 =	vadd.f32 v20, v0;
	v20 =	vmin.f32 v25, v22  }
0x178: {  	v18 =	vmax.f32 v18, $0.0e+00;
	v19 =	vmax.f32 v19, $0.0e+00;
	v17 =	vmax.f32 v17, $0.0e+00  }
0x179: {  	v22 =	vmax.f32 v13, v11;
	v0 =	vadd.f32 v17, v0;
	v17 =	vmin.f32 v29, v31  }
0x17a: {  	v16 =	vmax.f32 v16, $0.0e+00;
	v15 =	vmax.f32 v15, $0.0e+00;
	v11 =	vmin.f32 v13, v11  }
0x17b: {  	v13 =	vmax.f32 v14, $0.0e+00;
	v14 =	vmax.f32 v29, v31;
	v0 =	vadd.f32 v15, v0  }
0x17c: {  	v15 =	vmax.f32 v24, v23;
	v23 =	vmin.f32 v24, v23;
	v24 =	vmax.f32 v10, v20  }
0x17d: {  	v10 =	vmin.f32 v10, v20;
	v0 =	vadd.f32 v13, v0;
	v13 =	vmax.f32 v15, v24  }
0x17e: {  	v20 =	vmax.f32 v23, v10;
	v10 =	vmin.f32 v23, v10;
	v15 =	vmin.f32 v15, v24  }
0x17f: {  	v0 =	vadd.f32 v16, v0;
	v16 =	vmax.f32 v20, v11;
	v11 =	vmin.f32 v20, v11  }
0x180: {  	v20 =	vmax.f32 v14, v15;
	v14 =	vmin.f32 v14, v15;
	v15 =	vmax.f32 v13, v16  }
0x181: {  	v13 =	vmin.f32 v13, v16;
	v16 =	vmax.f32 v20, v11;
	v0 =	vadd.f32 v18, v0  }
0x182: {  	s15 =	sshra.s32 s14, $0x2;
	v18 =	vmin.f32 v20, v11;
	v20 =	vmax.f32 v14, v10;
	v10 =	vmin.f32 v14, v10  }
0x183: {  	v26 =	vld [tilespmem:s15+$0x250];
	v11 =	vadd.f32 v19, v0;
	v0 =	vmax.f32 v9, v17;
	v9 =	vmax.f32 v49, v10  }
0x184: {  	v8 =	vmax.f32 v8, v16;
	v6 =	vmax.f32 v6, v20;
	v7 =	vmax.f32 v7, v18;
	v29 =	vld [tilespmem:s15+$0x2D0]  }
0x185: {  	v5 =	vmax.f32 v5, v13;
	v4 =	vmax.f32 v4, v15;
	v14 =	vmin.f32 v0, v8;
	v10 =	vld [tilespmem:s15+$0x350]  }
0x186: {  	v18 =	vmin.f32 v6, v4;
	v19 =	vmin.f32 v7, v22;
	v16 =	vmin.f32 v9, v5;
	v13 =	vld [tilespmem:s15+$0x3D0]  }
0x187: {  	v0 =	vmax.f32 v0, v8;
	v8 =	vmin.f32 v14, v18;
	v20 =	vmin.f32 v16, v19;
	v15 =	vld [tilespmem:s15+$0x1D0]  }
0x188: {  	v6 =	vmax.f32 v6, v4;
	v5 =	vmax.f32 v9, v5;
	v4 =	vmax.f32 v8, v20;
	v17 =	vld [tilespmem:s15+$0x150]  }
0x189: {  	v7 =	vmax.f32 v7, v22;
	v9 =	vmax.f32 v0, v6;
	v0 =	vmin.f32 v0, v6;
	v20 =	vld [tilespmem:s15+$0xD0]  }
0x18a: {  	v23 =	vmax.f32 v5, v7;
	v5 =	vmin.f32 v5, v7;
	v14 =	vmax.f32 v14, v18;
	v22 =	vld [tilespmem:s15+$0x50]  }
0x18b: {  	v16 =	vmax.f32 v16, v19;
	v49 =	vmin.f32 v9, v23;
	v6 =	vmax.f32 v0, v5  }
.Ltmp5:
0x18c: {  	v7 =	vmin.f32 v0, v5;
	v8 =	vmax.f32 v14, v16;
	v5 =	vmin.f32 v14, v16;
	(pc) =	sbr.rel @p1 .LBB2_13-.Ltmp5, $4  }
0x18d: {  	v9 =	vmax.f32 v9, v23;
	v18 =	vsub.f32 v10, v39;
	v19 =	vsub.f32 v13, v39  }
0x18e: {  	v14 =	vsub.f32 v26, v39;
	v16 =	vsub.f32 v29, v39  }
0x18f: {  	v27 =	vmax.f32 v17, v15;
	v23 =	vmax.f32 v22, v20;
	v24 =	vmin.f32 v22, v20  }
0x190: {  	s14 =	sadd.s32 $0x1000, s14;
	v25 =	vmax.f32 v26, v29;
	v26 =	vmin.f32 v26, v29;
	v28 =	vmin.f32 v17, v15  }
0x191: {  	v0 =	vsub.f32 v22, v39  }
0x192: {  	v15 =	vsub.f32 v15, v39;
	v22 =	vmax.f32 v10, v13;
	v20 =	vsub.f32 v20, v39  }
0x193: {  	v17 =	vsub.f32 v17, v39;
	v10 =	vmin.f32 v10, v13;
	v13 =	vmax.f32 v23, v27  }
0x194: {  	v29 =	vmin.f32 v24, v28;
	v23 =	vmin.f32 v23, v27;
	v0 =	vmax.f32 v0, $0.0e+00  }
0x195: {  	v24 =	vmax.f32 v24, v28;
	v18 =	vmax.f32 v18, $0.0e+00;
	v0 =	vadd.f32 v0, v11  }
0x196: {  	v19 =	vmax.f32 v19, $0.0e+00;
	v16 =	vmax.f32 v16, $0.0e+00;
	v20 =	vmax.f32 v20, $0.0e+00  }
0x197: {  	v58 =	vimm.f32 $-Inf;
	v31 =	vmin.f32 v26, v10;
	v0 =	vadd.f32 v20, v0  }
0x198: {  	v10 =	vmax.f32 v26, v10;
	v17 =	vmax.f32 v17, $0.0e+00;
	v15 =	vmax.f32 v15, $0.0e+00  }
0x199: {  	v11 =	vmax.f32 v25, v22;
	v20 =	vmin.f32 v25, v22;
	v0 =	vadd.f32 v17, v0;
	v17 =	vld [tilespmem:s13+$0x1F460]  }
0x19a: {  	v22 =	vmax.f32 v13, v11;
	v25 =	vmin.f32 v29, v31;
	v11 =	vmin.f32 v13, v11  }
0x19b: {  	v13 =	vmax.f32 v14, $0.0e+00;
	v14 =	vmax.f32 v29, v31;
	v0 =	vadd.f32 v15, v0  }
0x19c: {  	v15 =	vmax.f32 v24, v23;
	v23 =	vmin.f32 v24, v23;
	v24 =	vmax.f32 v10, v20  }
0x19d: {  	v10 =	vmin.f32 v10, v20;
	v20 =	vmax.f32 v15, v24;
	v15 =	vmin.f32 v15, v24  }
0x19e: {  	v0 =	vadd.f32 v13, v0;
	v13 =	vshll.u32 v17, $0x7;
	v17 =	vor.u32 $0x60, v32  }
0x19f: {  	v13 =	vor.u32 v17, v13;
	v17 =	vmax.f32 v23, v10;
	v10 =	vmin.f32 v23, v10  }
0x1a0: {  	v0 =	vadd.f32 v16, v0;
	v16 =	vmax.f32 v17, v11;
	v11 =	vmin.f32 v17, v11  }
0x1a1: {  	s31 =	simm.s32 $0x0;
	v17 =	vmax.f32 v14, v15;
	v14 =	vmin.f32 v14, v15;
	v15 =	vmax.f32 v20, v16  }
0x1a2: {  	v26 =	vld [tilespmem:s31+$0x260];
	v0 =	vadd.f32 v18, v0;
	v16 =	vmin.f32 v20, v16;
	v18 =	vmax.f32 v17, v11  }
0x1a3: {  	v29 =	vld [tilespmem:s31+$0x2E0];
	v11 =	vmin.f32 v17, v11;
	v17 =	vmax.f32 v14, v10;
	v10 =	vmin.f32 v14, v10  }
0x1a4: {  	v6 =	vmax.f32 v6, v17;
	v7 =	vmax.f32 v7, v11;
	v8 =	vmax.f32 v8, v18  }
0x1a5: {  	v5 =	vmax.f32 v5, v16;
	v4 =	vmax.f32 v4, v15;
	v50 =	vadd.f32 v19, v0  }
0x1a6: {  	v0 =	vmax.f32 v9, v25;
	v9 =	vmax.f32 v49, v10;
	v16 =	vmin.f32 v6, v4  }
0x1a7: {  	v18 =	vmin.f32 v7, v22;
	v4 =	vmax.f32 v6, v4;
	v6 =	vmax.f32 v7, v22  }
0x1a8: {  	v20 =	vld [tilespmem:s31+$0xE0];
	v25 =	vmax.f32 v26, v29;
	v11 =	vmin.f32 v0, v8;
	v14 =	vmin.f32 v9, v5  }
0x1a9: {  	v10 =	vld [tilespmem:s31+$0x360];
	v0 =	vmax.f32 v0, v8;
	v5 =	vmax.f32 v9, v5;
	v9 =	vimm.f32 $-Inf  }
0x1aa: {  	s14 =	simm.s32 $0x0;
	v22 =	vld [tilespmem:s31+$0x60];
	v8 =	vmin.f32 v11, v16;
	v17 =	vmin.f32 v14, v18;
	v7 =	vmax.f32 v0, v4  }
0x1ab: {  	v48 =	vld.idx.msk [tilespmem:v13+s14+$0x0], $0xffff;
	v0 =	vmin.f32 v0, v4;
	v4 =	vmax.f32 v5, v6;
	v5 =	vmin.f32 v5, v6  }
0x1ac: {  	v13 =	vld [tilespmem:s31+$0x3E0];
	v6 =	vmax.f32 v11, v16;
	v11 =	vimm.f32 $0.0e+00;
	v49 =	vmax.f32 v8, v17  }
0x1ad: {  	v15 =	vld [tilespmem:s31+$0x1E0];
	v8 =	vmax.f32 v14, v18;
	v55 =	vmin.f32 v7, v4;
	v54 =	vmax.f32 v0, v5  }
0x1ae: {  	v17 =	vld [tilespmem:s31+$0x160];
	v53 =	vmin.f32 v0, v5;
	v56 =	vmax.f32 v7, v4;
	v7 =	vimm.f32 $-Inf  }
0x1af: {  	v5 =	vimm.f32 $-Inf;
	v4 =	vimm.f32 $-Inf;
	v52 =	vmax.f32 v6, v8  }
0x1b0: {  	v51 =	vmin.f32 v6, v8;
	v6 =	vimm.f32 $-Inf;
	v8 =	vimm.f32 $-Inf  }
0x1b1: {  	v23 =	vmax.f32 v22, v20;
	v18 =	vsub.f32 v10, v48;
	v19 =	vsub.f32 v13, v48  }
0x1b2: {  	v24 =	vmin.f32 v22, v20;
	v14 =	vsub.f32 v26, v48;
	v16 =	vsub.f32 v29, v48  }
0x1b3: {  	s14 =	simm.s32 $0x1000;
	v26 =	vmin.f32 v26, v29;
	v27 =	vmax.f32 v17, v15;
	v28 =	vmin.f32 v17, v15  }
.LBB2_15:
0x1b4: {  	p1 =	sne.s32 s14, $0x7C000;
	v0 =	vsub.f32 v22, v48;
	v15 =	vsub.f32 v15, v48;
	v22 =	vmax.f32 v10, v13  }
0x1b5: {  	v20 =	vsub.f32 v20, v48;
	v17 =	vsub.f32 v17, v48;
	v10 =	vmin.f32 v10, v13  }
0x1b6: {  	v13 =	vmax.f32 v23, v27;
	v29 =	vmin.f32 v24, v28;
	v0 =	vmax.f32 v0, $0.0e+00  }
0x1b7: {  	v31 =	vmin.f32 v26, v10;
	v0 =	vadd.f32 v0, v11;
	v11 =	vmax.f32 v25, v22  }
0x1b8: {  	v23 =	vmin.f32 v23, v27;
	v24 =	vmax.f32 v24, v28;
	v20 =	vmax.f32 v20, $0.0e+00  }
0x1b9: {  	v10 =	vmax.f32 v26, v10;
	v0 =	vadd.f32 v20, v0;
	v20 =	vmin.f32 v25, v22  }
0x1ba: {  	v18 =	vmax.f32 v18, $0.0e+00;
	v19 =	vmax.f32 v19, $0.0e+00;
	v17 =	vmax.f32 v17, $0.0e+00  }
0x1bb: {  	v22 =	vmax.f32 v13, v11;
	v0 =	vadd.f32 v17, v0;
	v17 =	vmin.f32 v29, v31  }
0x1bc: {  	v16 =	vmax.f32 v16, $0.0e+00;
	v15 =	vmax.f32 v15, $0.0e+00;
	v11 =	vmin.f32 v13, v11  }
0x1bd: {  	v13 =	vmax.f32 v14, $0.0e+00;
	v14 =	vmax.f32 v29, v31;
	v0 =	vadd.f32 v15, v0  }
0x1be: {  	v15 =	vmax.f32 v24, v23;
	v23 =	vmin.f32 v24, v23;
	v24 =	vmax.f32 v10, v20  }
0x1bf: {  	v10 =	vmin.f32 v10, v20;
	v0 =	vadd.f32 v13, v0;
	v13 =	vmax.f32 v15, v24  }
0x1c0: {  	v20 =	vmax.f32 v23, v10;
	v10 =	vmin.f32 v23, v10;
	v15 =	vmin.f32 v15, v24  }
0x1c1: {  	v0 =	vadd.f32 v16, v0;
	v16 =	vmax.f32 v20, v11;
	v11 =	vmin.f32 v20, v11  }
0x1c2: {  	v20 =	vmax.f32 v14, v15;
	v14 =	vmin.f32 v14, v15;
	v15 =	vmax.f32 v13, v16  }
0x1c3: {  	v13 =	vmin.f32 v13, v16;
	v16 =	vmax.f32 v20, v11;
	v0 =	vadd.f32 v18, v0  }
0x1c4: {  	s15 =	sshra.s32 s14, $0x2;
	v18 =	vmin.f32 v20, v11;
	v20 =	vmax.f32 v14, v10;
	v10 =	vmin.f32 v14, v10  }
0x1c5: {  	v26 =	vld [tilespmem:s15+$0x260];
	v11 =	vadd.f32 v19, v0;
	v0 =	vmax.f32 v9, v17;
	v9 =	vmax.f32 v58, v10  }
0x1c6: {  	v8 =	vmax.f32 v8, v16;
	v6 =	vmax.f32 v6, v20;
	v7 =	vmax.f32 v7, v18;
	v29 =	vld [tilespmem:s15+$0x2E0]  }
0x1c7: {  	v5 =	vmax.f32 v5, v13;
	v4 =	vmax.f32 v4, v15;
	v14 =	vmin.f32 v0, v8;
	v10 =	vld [tilespmem:s15+$0x360]  }
0x1c8: {  	v18 =	vmin.f32 v6, v4;
	v19 =	vmin.f32 v7, v22;
	v16 =	vmin.f32 v9, v5;
	v13 =	vld [tilespmem:s15+$0x3E0]  }
0x1c9: {  	v0 =	vmax.f32 v0, v8;
	v8 =	vmin.f32 v14, v18;
	v20 =	vmin.f32 v16, v19;
	v15 =	vld [tilespmem:s15+$0x1E0]  }
0x1ca: {  	v6 =	vmax.f32 v6, v4;
	v5 =	vmax.f32 v9, v5;
	v4 =	vmax.f32 v8, v20;
	v17 =	vld [tilespmem:s15+$0x160]  }
0x1cb: {  	v7 =	vmax.f32 v7, v22;
	v9 =	vmax.f32 v0, v6;
	v0 =	vmin.f32 v0, v6;
	v20 =	vld [tilespmem:s15+$0xE0]  }
0x1cc: {  	v23 =	vmax.f32 v5, v7;
	v5 =	vmin.f32 v5, v7;
	v14 =	vmax.f32 v14, v18;
	v22 =	vld [tilespmem:s15+$0x60]  }
0x1cd: {  	v16 =	vmax.f32 v16, v19;
	v58 =	vmin.f32 v9, v23;
	v6 =	vmax.f32 v0, v5  }
.Ltmp6:
0x1ce: {  	v7 =	vmin.f32 v0, v5;
	v8 =	vmax.f32 v14, v16;
	v5 =	vmin.f32 v14, v16;
	(pc) =	sbr.rel @p1 .LBB2_15-.Ltmp6, $4  }
0x1cf: {  	v9 =	vmax.f32 v9, v23;
	v18 =	vsub.f32 v10, v48;
	v19 =	vsub.f32 v13, v48  }
0x1d0: {  	v14 =	vsub.f32 v26, v48;
	v16 =	vsub.f32 v29, v48  }
0x1d1: {  	v27 =	vmax.f32 v17, v15;
	v23 =	vmax.f32 v22, v20;
	v24 =	vmin.f32 v22, v20  }
0x1d2: {  	s14 =	sadd.s32 $0x1000, s14;
	v25 =	vmax.f32 v26, v29;
	v26 =	vmin.f32 v26, v29;
	v28 =	vmin.f32 v17, v15  }
0x1d3: {  	v0 =	vsub.f32 v22, v48  }
0x1d4: {  	v15 =	vsub.f32 v15, v48;
	v22 =	vmax.f32 v10, v13;
	v20 =	vsub.f32 v20, v48  }
0x1d5: {  	v17 =	vsub.f32 v17, v48;
	v10 =	vmin.f32 v10, v13;
	v0 =	vmax.f32 v0, $0.0e+00  }
0x1d6: {  	v13 =	vmax.f32 v23, v27;
	v29 =	vmin.f32 v24, v28;
	v0 =	vadd.f32 v0, v11  }
0x1d7: {  	v23 =	vmin.f32 v23, v27;
	v24 =	vmax.f32 v24, v28;
	v20 =	vmax.f32 v20, $0.0e+00  }
0x1d8: {  	v18 =	vmax.f32 v18, $0.0e+00;
	v19 =	vmax.f32 v19, $0.0e+00;
	v0 =	vadd.f32 v20, v0  }
0x1d9: {  	v16 =	vmax.f32 v16, $0.0e+00;
	v31 =	vmin.f32 v26, v10;
	v17 =	vmax.f32 v17, $0.0e+00  }
0x1da: {  	v10 =	vmax.f32 v26, v10;
	v11 =	vmax.f32 v25, v22;
	v0 =	vadd.f32 v17, v0;
	v17 =	vld [tilespmem:s13+$0x1F470]  }
0x1db: {  	v15 =	vmax.f32 v15, $0.0e+00;
	v20 =	vmin.f32 v25, v22;
	v22 =	vmax.f32 v13, v11  }
0x1dc: {  	v25 =	vmin.f32 v29, v31;
	v11 =	vmin.f32 v13, v11;
	v13 =	vmax.f32 v14, $0.0e+00  }
0x1dd: {  	v14 =	vmax.f32 v29, v31;
	v0 =	vadd.f32 v15, v0;
	v15 =	vmax.f32 v24, v23  }
0x1de: {  	v23 =	vmin.f32 v24, v23;
	v24 =	vmax.f32 v10, v20;
	v10 =	vmin.f32 v10, v20  }
0x1df: {  	v0 =	vadd.f32 v13, v0;
	v13 =	vshll.u32 v17, $0x7;
	v17 =	vor.u32 $0x70, v32  }
0x1e0: {  	v20 =	vmax.f32 v15, v24;
	v15 =	vmin.f32 v15, v24;
	v13 =	vor.u32 v17, v13  }
0x1e1: {  	v17 =	vmax.f32 v23, v10;
	v10 =	vmin.f32 v23, v10;
	v0 =	vadd.f32 v16, v0  }
0x1e2: {  	v16 =	vmax.f32 v17, v11;
	v11 =	vmin.f32 v17, v11;
	v17 =	vmax.f32 v14, v15  }
0x1e3: {  	v14 =	vmin.f32 v14, v15;
	v15 =	vmax.f32 v20, v16;
	v0 =	vadd.f32 v18, v0  }
0x1e4: {  	v18 =	vmax.f32 v17, v11;
	v11 =	vmin.f32 v17, v11;
	v17 =	vmax.f32 v14, v10  }
0x1e5: {  	v16 =	vmin.f32 v20, v16;
	v10 =	vmin.f32 v14, v10;
	v6 =	vmax.f32 v6, v17  }
0x1e6: {  	s31 =	simm.s32 $0x0;
	v7 =	vmax.f32 v7, v11;
	v8 =	vmax.f32 v8, v18;
	v5 =	vmax.f32 v5, v16  }
0x1e7: {  	v24 =	vld [tilespmem:s31+$0xF0];
	v4 =	vmax.f32 v4, v15;
	v59 =	vadd.f32 v19, v0;
	v0 =	vmax.f32 v9, v25  }
0x1e8: {  	v23 =	vld [tilespmem:s31+$0x170];
	v9 =	vmax.f32 v58, v10;
	v17 =	vmin.f32 v6, v4;
	v18 =	vmin.f32 v7, v22  }
0x1e9: {  	v15 =	vld [tilespmem:s31+$0x370];
	v4 =	vmax.f32 v6, v4;
	v6 =	vmax.f32 v7, v22;
	v11 =	vmin.f32 v0, v8  }
0x1ea: {  	v16 =	vld [tilespmem:s31+$0x3F0];
	v14 =	vmin.f32 v9, v5;
	v0 =	vmax.f32 v0, v8;
	v5 =	vmax.f32 v9, v5  }
0x1eb: {  	v10 =	vld [tilespmem:s31+$0x270];
	v8 =	vmin.f32 v11, v17;
	v20 =	vmin.f32 v14, v18;
	v7 =	vmax.f32 v0, v4  }
0x1ec: {  	v19 =	vld [tilespmem:s31+$0x1F0];
	v0 =	vmin.f32 v0, v4;
	v9 =	vmax.f32 v14, v18;
	v14 =	vimm.f32 $-Inf  }
0x1ed: {  	s30 =	simm.s32 $0x0;
	v25 =	vld [tilespmem:s31+$0x70];
	v58 =	vmax.f32 v8, v20;
	v8 =	vmax.f32 v5, v6;
	v5 =	vmin.f32 v5, v6  }
0x1ee: {  	v57 =	vld.idx.msk [tilespmem:v13+s30+$0x0], $0xffff;
	v6 =	vmax.f32 v11, v17;
	v17 =	vimm.f32 $0.0e+00;
	v4 =	vmin.f32 v7, v8  }
0x1ef: {  	v13 =	vld [tilespmem:s31+$0x2F0];
	v63 =	vmax.f32 v0, v5;
	v62 =	vmin.f32 v0, v5;
	v61 =	vmax.f32 v6, v9  }
0x1f0: {  	v60 =	vmin.f32 v6, v9;
	v5 =	vmax.f32 v7, v8;
	v9 =	vimm.f32 $-Inf  }
0x1f1: {  	v8 =	vimm.f32 $-Inf;
	v7 =	vimm.f32 $-Inf;
	v6 =	vimm.f32 $-Inf  }
0x1f2: {  	v29 =	vmax.f32 v25, v24;
	v27 =	vmin.f32 v25, v24;
	v31 =	vmax.f32 v23, v19  }
0x1f3: {  	v0 =	vmin.f32 v23, v19;
	v18 =	vsub.f32 v15, v57;
	v11 =	vsub.f32 v16, v57  }
0x1f4: {  	v22 =	vsub.f32 v10, v57;
	v20 =	vsub.f32 v13, v57;
	v28 =	vmax.f32 v10, v13  }
0x1f5: {  	s13 =	simm.s32 $0x1000;
	v26 =	vmin.f32 v10, v13;
	v13 =	vimm.f32 $-Inf;
	v10 =	vimm.f32 $-Inf  }
.LBB2_17:
0x1f6: {  	p1 =	sne.s32 s13, $0x7C000;
	v25 =	vsub.f32 v25, v57;
	v19 =	vsub.f32 v19, v57;
	v32 =	vmax.f32 v15, v16  }
0x1f7: {  	v24 =	vsub.f32 v24, v57;
	v23 =	vsub.f32 v23, v57;
	v15 =	vmin.f32 v15, v16  }
0x1f8: {  	v33 =	vmin.f32 v27, v0;
	v16 =	vmax.f32 v25, $0.0e+00;
	v25 =	vmax.f32 v29, v31  }
0x1f9: {  	v34 =	vmin.f32 v26, v15;
	v16 =	vadd.f32 v16, v17;
	v17 =	vmax.f32 v28, v32  }
0x1fa: {  	v0 =	vmax.f32 v27, v0;
	v24 =	vmax.f32 v24, $0.0e+00;
	v29 =	vmin.f32 v29, v31  }
0x1fb: {  	v15 =	vmax.f32 v26, v15;
	v16 =	vadd.f32 v24, v16;
	v24 =	vmin.f32 v28, v32  }
0x1fc: {  	v18 =	vmax.f32 v18, $0.0e+00;
	v11 =	vmax.f32 v11, $0.0e+00;
	v23 =	vmax.f32 v23, $0.0e+00  }
0x1fd: {  	v26 =	vmax.f32 v25, v17;
	v16 =	vadd.f32 v23, v16;
	v23 =	vmin.f32 v33, v34  }
0x1fe: {  	v20 =	vmax.f32 v20, $0.0e+00;
	v19 =	vmax.f32 v19, $0.0e+00;
	v17 =	vmin.f32 v25, v17  }
0x1ff: {  	v16 =	vadd.f32 v19, v16;
	v19 =	vmax.f32 v22, $0.0e+00;
	v22 =	vmax.f32 v33, v34  }
0x200: {  	v25 =	vmax.f32 v0, v29;
	v0 =	vmin.f32 v0, v29;
	v27 =	vmax.f32 v15, v24  }
0x201: {  	v15 =	vmin.f32 v15, v24;
	v16 =	vadd.f32 v19, v16;
	v19 =	vmax.f32 v25, v27  }
0x202: {  	v24 =	vmin.f32 v25, v27;
	v25 =	vmax.f32 v0, v15;
	v0 =	vmin.f32 v0, v15  }
0x203: {  	v15 =	vadd.f32 v20, v16;
	v16 =	vmax.f32 v25, v17;
	v17 =	vmin.f32 v25, v17  }
0x204: {  	v20 =	vmax.f32 v22, v24;
	v22 =	vmin.f32 v22, v24;
	v24 =	vmax.f32 v19, v16  }
0x205: {  	v16 =	vmin.f32 v19, v16;
	v15 =	vadd.f32 v18, v15;
	v18 =	vmax.f32 v20, v17  }
0x206: {  	s14 =	sshra.s32 s13, $0x2;
	v19 =	vmin.f32 v20, v17;
	v20 =	vmax.f32 v22, v0;
	v0 =	vmin.f32 v22, v0  }
0x207: {  	v0 =	vmax.f32 v13, v0;
	v32 =	vld [tilespmem:s14+$0x270];
	v17 =	vadd.f32 v11, v15;
	v11 =	vmax.f32 v14, v23  }
0x208: {  	v9 =	vmax.f32 v9, v19;
	v10 =	vmax.f32 v10, v20;
	v8 =	vmax.f32 v8, v18;
	v33 =	vld [tilespmem:s14+$0x2F0]  }
0x209: {  	v7 =	vmax.f32 v7, v16;
	v6 =	vmax.f32 v6, v24;
	v13 =	vmin.f32 v11, v8;
	v15 =	vld [tilespmem:s14+$0x370]  }
0x20a: {  	v20 =	vmin.f32 v9, v26;
	v14 =	vmin.f32 v0, v7;
	v18 =	vmin.f32 v10, v6;
	v16 =	vld [tilespmem:s14+$0x3F0]  }
0x20b: {  	v8 =	vmax.f32 v11, v8;
	v22 =	vmin.f32 v14, v20;
	v11 =	vmin.f32 v13, v18;
	v19 =	vld [tilespmem:s14+$0x1F0]  }
0x20c: {  	v0 =	vmax.f32 v0, v7;
	v7 =	vmax.f32 v10, v6;
	v6 =	vmax.f32 v11, v22;
	v23 =	vld [tilespmem:s14+$0x170]  }
0x20d: {  	v9 =	vmax.f32 v9, v26;
	v22 =	vmax.f32 v8, v7;
	v7 =	vmin.f32 v8, v7;
	v24 =	vld [tilespmem:s14+$0xF0]  }
0x20e: {  	v26 =	vmax.f32 v0, v9;
	v0 =	vmin.f32 v0, v9;
	v11 =	vmax.f32 v13, v18;
	v25 =	vld [tilespmem:s14+$0x70]  }
0x20f: {  	v14 =	vmax.f32 v14, v20;
	v13 =	vmin.f32 v22, v26;
	v10 =	vmax.f32 v7, v0  }
.Ltmp7:
0x210: {  	v9 =	vmin.f32 v7, v0;
	v8 =	vmax.f32 v11, v14;
	v7 =	vmin.f32 v11, v14;
	(pc) =	sbr.rel @p1 .LBB2_17-.Ltmp7, $4  }
0x211: {  	v14 =	vmax.f32 v22, v26;
	v18 =	vsub.f32 v15, v57;
	v11 =	vsub.f32 v16, v57  }
0x212: {  	v22 =	vsub.f32 v32, v57;
	v20 =	vsub.f32 v33, v57  }
0x213: {  	v31 =	vmax.f32 v23, v19;
	v29 =	vmax.f32 v25, v24;
	v27 =	vmin.f32 v25, v24  }
0x214: {  	s13 =	sadd.s32 $0x1000, s13;
	v28 =	vmax.f32 v32, v33;
	v26 =	vmin.f32 v32, v33;
	v0 =	vmin.f32 v23, v19  }
0x215: {  	v25 =	vsub.f32 v25, v57;
	v24 =	vsub.f32 v24, v57  }
0x216: {  	v32 =	vmax.f32 v15, v16;
	v15 =	vmin.f32 v15, v16;
	v33 =	vsub.f32 v23, v57  }
0x217: {  	v23 =	vmin.f32 v27, v0;
	v0 =	vmax.f32 v27, v0;
	v25 =	vmax.f32 v25, $0.0e+00  }
0x218: {  	v27 =	vmax.f32 v28, v32;
	v32 =	vmin.f32 v28, v32;
	v16 =	vadd.f32 v25, v17  }
0x219: {  	v34 =	vmax.f32 v24, $0.0e+00;
	v24 =	vmax.f32 v29, v31;
	v25 =	vmin.f32 v29, v31  }
0x21a: {  	v29 =	vmax.f32 v0, v25;
	v16 =	vadd.f32 v34, v16;
	v34 =	vmax.f32 v26, v15  }
0x21b: {  	v0 =	vmin.f32 v0, v25;
	v31 =	vmax.f32 v34, v32;
	v32 =	vmin.f32 v34, v32  }
0x21c: {  	v19 =	vsub.f32 v19, v57;
	v34 =	vmax.f32 v0, v32;
	v0 =	vmin.f32 v0, v32;
	v32 =	vld [tilespmem:$0x1FFF0]  }
0x21d: {  	v22 =	vmax.f32 v22, $0.0e+00;
	v17 =	vmax.f32 v33, $0.0e+00;
	v33 =	vmin.f32 v26, v15  }
0x21e: {  	v15 =	vmax.f32 v24, v27;
	v24 =	vmin.f32 v24, v27;
	v16 =	vadd.f32 v17, v16  }
0x21f: {  	v19 =	vmax.f32 v19, $0.0e+00;
	v17 =	vmax.f32 v23, v33;
	v28 =	vmax.f32 v34, v24  }
0x220: {  	v16 =	vadd.f32 v19, v16;
	v19 =	vmin.f32 v23, v33;
	v33 =	vmax.f32 v29, v31  }
0x221: {  	v23 =	vmin.f32 v29, v31;
	v29 =	vmin.f32 v34, v24;
	v24 =	vsub.f32 v32, v2  }
0x222: {  	v26 =	vld [tilespmem:$0x1FF70];
	v16 =	vadd.f32 v22, v16  }
0x223: {  	v20 =	vmax.f32 v20, $0.0e+00;
	v18 =	vmax.f32 v18, $0.0e+00;
	v34 =	vmax.f32 v24, $0.0e+00;
	v24 =	vld [tilespmem:$0x1FFA0]  }
0x224: {  	v11 =	vmax.f32 v11, $0.0e+00;
	v25 =	vld [tilespmem:$0x1FF80];
	v31 =	vmax.f32 v17, v23;
	v16 =	vadd.f32 v20, v16  }
0x225: {  	v27 =	vld [tilespmem:$0x1FFB0];
	v17 =	vmin.f32 v17, v23;
	v23 =	vmax.f32 v31, v29;
	v22 =	vmin.f32 v31, v29  }
0x226: {  	v31 =	vld [tilespmem:$0x1FF00];
	v20 =	vmin.f32 v33, v28;
	v16 =	vadd.f32 v18, v16;
	v18 =	vmax.f32 v33, v28  }
0x227: {  	v32 =	vld [tilespmem:$0x1FFC0];
	v33 =	vmax.f32 v17, v0;
	v0 =	vmin.f32 v17, v0;
	v17 =	vsub.f32 v26, v3  }
0x228: {  	v11 =	vadd.f32 v11, v16;
	v16 =	vsub.f32 v24, v2  }
0x229: {  	v14 =	vmax.f32 v14, v19;
	v0 =	vmax.f32 v13, v0;
	v13 =	vsub.f32 v25, v34;
	v24 =	vld [tilespmem:$0x1FFD0]  }
0x22a: {  	v19 =	vsub.f32 v27, v2;
	v29 =	vld [tilespmem:$0x1FF20];
	v28 =	vmax.f32 v17, $0.0e+00;
	v16 =	vmax.f32 v16, $0.0e+00  }
0x22b: {  	v9 =	vmax.f32 v9, v22;
	v13 =	vsub.f32 v13, v16;
	v16 =	vsub.f32 v31, v28;
	v28 =	vld [tilespmem:$0x1FFE0]  }
0x22c: {  	v19 =	vmax.f32 v19, $0.0e+00;
	v10 =	vmax.f32 v10, v33;
	v33 =	vld [tilespmem:$0x1FF30];
	v22 =	vsub.f32 v32, v2  }
0x22d: {  	v32 =	vld [tilespmem:$0x1FF90];
	v13 =	vsub.f32 v13, v19  }
0x22e: {  	v34 =	vmax.f32 v22, $0.0e+00;
	v22 =	vsub.f32 v24, v2  }
0x22f: {  	v17 =	vsub.f32 v29, v3;
	v13 =	vsub.f32 v13, v34  }
0x230: {  	v27 =	vmax.f32 v22, $0.0e+00;
	v22 =	vsub.f32 v28, v2  }
0x231: {  	v26 =	vld [tilespmem:$0x1FF40];
	v17 =	vmax.f32 v17, $0.0e+00;
	v19 =	vsub.f32 v33, v3;
	v13 =	vsub.f32 v13, v27  }
0x232: {  	v31 =	vld [tilespmem:$0x1FF50];
	v16 =	vsub.f32 v16, v17;
	v2 =	vsub.f32 v32, v2;
	v33 =	vmax.f32 v22, $0.0e+00  }
0x233: {  	v24 =	vld [tilespmem:$0x1FEF0];
	v25 =	vmax.f32 v19, $0.0e+00;
	v13 =	vsub.f32 v13, v33  }
0x234: {  	v16 =	vsub.f32 v16, v25;
	v25 =	vld [tilespmem:$0x1FF10];
	v2 =	vmax.f32 v2, $0.0e+00  }
0x235: {  	v5 =	vsub.f32 v5, v48;
	v22 =	vld [tilespmem:$0x1FF60];
	v2 =	vsub.f32 v13, v2  }
0x236: {  	v19 =	vsub.f32 v26, v3;
	v28 =	vld [tilespmem:$0x1FEA0]  }
0x237: {  	v4 =	vsub.f32 v4, v48;
	v5 =	vmax.f32 v5, $0.0e+00;
	v1 =	vadd.f32 v2, v1;
	v2 =	vld [tilespmem:$0x1FE80]  }
0x238: {  	v5 =	vsub.f32 v59, v5;
	v29 =	vmax.f32 v19, $0.0e+00;
	v19 =	vsub.f32 v31, v3;
	v31 =	vld [tilespmem:$0x1FEB0]  }
0x239: {  	v4 =	vmax.f32 v4, $0.0e+00;
	v16 =	vsub.f32 v16, v29;
	v17 =	vsub.f32 v24, v12  }
0x23a: {  	v59 =	vsub.f32 v58, v48;
	v32 =	vld [tilespmem:$0x1FEC0];
	v34 =	vmax.f32 v19, $0.0e+00;
	v19 =	vsub.f32 v22, v3  }
0x23b: {  	v16 =	vsub.f32 v16, v34;
	v27 =	vmax.f32 v17, $0.0e+00;
	v17 =	vsub.f32 v28, v12  }
0x23c: {  	v3 =	vsub.f32 v25, v3;
	v26 =	vmax.f32 v19, $0.0e+00;
	v2 =	vsub.f32 v2, v27  }
0x23d: {  	v29 =	vmax.f32 v17, $0.0e+00;
	v13 =	vsub.f32 v16, v26;
	v16 =	vsub.f32 v31, v12  }
0x23e: {  	v4 =	vsub.f32 v5, v4;
	v3 =	vmax.f32 v3, $0.0e+00;
	v2 =	vsub.f32 v2, v29  }
0x23f: {  	v3 =	vsub.f32 v13, v3;
	v13 =	vsub.f32 v32, v12;
	v16 =	vmax.f32 v16, $0.0e+00  }
0x240: {  	v8 =	vmax.f32 v8, v23;
	v23 =	vsub.f32 v36, v21;
	v24 =	vld [tilespmem:$0x1FEE0];
	v2 =	vsub.f32 v2, v16  }
0x241: {  	v36 =	vsub.f32 v47, v30;
	v34 =	vld [tilespmem:$0x1FED0];
	v1 =	vadd.f32 v3, v1;
	v3 =	vmax.f32 v13, $0.0e+00  }
0x242: {  	v7 =	vmax.f32 v7, v20;
	v20 =	vsub.f32 v37, v21;
	v2 =	vsub.f32 v2, v3;
	v3 =	vld [tilespmem:$0x1FE40]  }
0x243: {  	v37 =	vmax.f32 v36, $0.0e+00;
	v36 =	vsub.f32 v52, v39;
	v52 =	vsub.f32 v61, v48;
	v26 =	vld [tilespmem:$0x1FE90]  }
0x244: {  	v41 =	vsub.f32 v41, v37;
	v33 =	vsub.f32 v38, v21  }
0x245: {  	v22 =	vmax.f32 v20, $0.0e+00;
	v25 =	vsub.f32 v35, v21;
	v20 =	vsub.f32 v45, v30  }
0x246: {  	v38 =	vmax.f32 v33, $0.0e+00;
	v45 =	vsub.f32 v63, v48;
	v31 =	vld [tilespmem:$0x1FE60];
	v13 =	vsub.f32 v34, v12  }
0x247: {  	v29 =	vmax.f32 v25, $0.0e+00;
	v34 =	vld [tilespmem:$0x1FE50];
	v25 =	vsub.f32 v55, v39;
	v3 =	vsub.f32 v3, v38  }
0x248: {  	v17 =	vmax.f32 v23, $0.0e+00;
	v27 =	vsub.f32 v26, v12;
	v16 =	vsub.f32 v24, v12  }
0x249: {  	v33 =	vld [tilespmem:$0x1FE70];
	v13 =	vmax.f32 v13, $0.0e+00;
	v24 =	vsub.f32 v43, v30;
	v3 =	vsub.f32 v3, v22  }
0x24a: {  	v28 =	vmax.f32 v16, $0.0e+00;
	v2 =	vsub.f32 v2, v13;
	v13 =	vmin.f32 v14, v8  }
0x24b: {  	v8 =	vmax.f32 v14, v8;
	v14 =	vmin.f32 v0, v7;
	v3 =	vsub.f32 v3, v17  }
0x24c: {  	v0 =	vmax.f32 v0, v7;
	v7 =	vsub.f32 v34, v21;
	v17 =	vsub.f32 v31, v21  }
0x24d: {  	v12 =	vmax.f32 v27, $0.0e+00;
	v2 =	vsub.f32 v2, v28;
	v3 =	vsub.f32 v3, v29  }
0x24e: {  	v34 =	vsub.f32 v40, v30;
	v32 =	vmax.f32 v17, $0.0e+00;
	v17 =	vsub.f32 v33, v21  }
0x24f: {  	v6 =	vmax.f32 v6, v18;
	v2 =	vsub.f32 v2, v12;
	v3 =	vsub.f32 v3, v32  }
0x250: {  	v38 =	vsub.f32 v46, v30;
	v22 =	vsub.f32 v56, v39;
	v35 =	vmax.f32 v17, $0.0e+00  }
0x251: {  	v27 =	vmax.f32 v24, $0.0e+00;
	v1 =	vadd.f32 v2, v1;
	v2 =	vsub.f32 v3, v35  }
0x252: {  	v7 =	vmax.f32 v7, $0.0e+00;
	v46 =	vmin.f32 v9, v15;
	v9 =	vmax.f32 v9, v15  }
0x253: {  	v47 =	vmax.f32 v38, $0.0e+00;
	v15 =	vmax.f32 v22, $0.0e+00;
	v2 =	vsub.f32 v2, v7  }
0x254: {  	v28 =	vmax.f32 v25, $0.0e+00;
	v26 =	vsub.f32 v50, v15;
	v7 =	vsub.f32 v41, v47  }
0x255: {  	v21 =	vsub.f32 v44, v30;
	v1 =	vadd.f32 v2, v1;
	v2 =	vmax.f32 v20, $0.0e+00  }
0x256: {  	v3 =	vmin.f32 v10, v6;
	v6 =	vmax.f32 v10, v6;
	v2 =	vsub.f32 v7, v2  }
0x257: {  	v29 =	vsub.f32 v54, v39;
	v12 =	vmax.f32 v21, $0.0e+00;
	v23 =	vmax.f32 v8, v6  }
0x258: {  	v6 =	vmin.f32 v8, v6;
	v8 =	vsub.f32 v26, v28;
	v2 =	vsub.f32 v2, v12  }
0x259: {  	v33 =	vsub.f32 v53, v39;
	v32 =	vsub.f32 v42, v30;
	v16 =	vmax.f32 v29, $0.0e+00  }
0x25a: {  	v8 =	vsub.f32 v8, v16;
	v2 =	vsub.f32 v2, v27  }
0x25b: {  	v40 =	vsub.f32 v51, v39;
	v15 =	vmax.f32 v32, $0.0e+00;
	v35 =	vmax.f32 v33, $0.0e+00  }
0x25c: {  	v38 =	vmax.f32 v36, $0.0e+00;
	v8 =	vsub.f32 v8, v35;
	v2 =	vsub.f32 v2, v15  }
0x25d: {  	v31 =	vmax.f32 v0, v9;
	v0 =	vmin.f32 v0, v9;
	v9 =	vmax.f32 v34, $0.0e+00  }
0x25e: {  	v8 =	vsub.f32 v8, v38;
	v2 =	vsub.f32 v2, v9  }
0x25f: {  	v43 =	vmin.f32 v14, v46;
	v42 =	vmax.f32 v40, $0.0e+00;
	v41 =	vsub.f32 v49, v39  }
0x260: {  	v44 =	vmax.f32 v23, v31;
	v1 =	vadd.f32 v2, v1;
	v2 =	vsub.f32 v8, v42  }
0x261: {  	v10 =	vmax.f32 v14, v46;
	v46 =	vsub.f32 v44, v57;
	v9 =	vmax.f32 v41, $0.0e+00  }
0x262: {  	v56 =	vsub.f32 v60, v48;
	v2 =	vsub.f32 v2, v9  }
0x263: {  	v37 =	vmin.f32 v13, v3;
	v7 =	vmin.f32 v23, v31;
	v49 =	vmax.f32 v46, $0.0e+00  }
0x264: {  	v50 =	vsub.f32 v7, v57;
	v1 =	vadd.f32 v2, v1;
	v2 =	vmax.f32 v45, $0.0e+00  }
0x265: {  	v51 =	vmax.f32 v6, v0;
	v2 =	vsub.f32 v4, v2;
	v4 =	vsub.f32 v11, v49  }
0x266: {  	v47 =	vsub.f32 v62, v48;
	v7 =	vsub.f32 v51, v57;
	v5 =	vmax.f32 v50, $0.0e+00  }
0x267: {  	v3 =	vmax.f32 v13, v3;
	v0 =	vmin.f32 v6, v0;
	v4 =	vsub.f32 v4, v5  }
0x268: {  	v0 =	vsub.f32 v0, v57;
	v54 =	vmax.f32 v7, $0.0e+00;
	v9 =	vmax.f32 v47, $0.0e+00  }
0x269: {  	v55 =	vmax.f32 v3, v10;
	v2 =	vsub.f32 v2, v9;
	v4 =	vsub.f32 v4, v54  }
0x26a: {  	v53 =	vmax.f32 v52, $0.0e+00;
	v0 =	vmax.f32 v0, $0.0e+00;
	v5 =	vsub.f32 v55, v57  }
0x26b: {  	v3 =	vmin.f32 v3, v10;
	v2 =	vsub.f32 v2, v53;
	v0 =	vsub.f32 v4, v0  }
0x26c: {  	v60 =	vmax.f32 v56, $0.0e+00;
	v3 =	vsub.f32 v3, v57;
	v5 =	vmax.f32 v5, $0.0e+00  }
0x26d: {  	v61 =	vmax.f32 v37, v43;
	v2 =	vsub.f32 v2, v60;
	v0 =	vsub.f32 v0, v5  }
0x26e: {  	v63 =	vmax.f32 v59, $0.0e+00;
	v62 =	vsub.f32 v61, v57;
	v3 =	vmax.f32 v3, $0.0e+00  }
.Ltmp8:
0x26f: {  	v2 =	vsub.f32 v2, v63;
	v0 =	vsub.f32 v0, v3;
	(pc) =	sbr.rel @p0 .LBB2_2-.Ltmp8, $3  }
0x270: {  	v3 =	vmax.f32 v62, $0.0e+00  }
0x271: {  	v1 =	vadd.f32 v2, v1;
	v0 =	vsub.f32 v0, v3;
	_ =	sdelay $0x1  }
0x272: {  	s13 =	simm.s32 $0x1;
	p1 =	por $0x0, $0x0;
	v32 =	vlaneseq.u32;
	v1 =	vadd.f32 v0, v1  }
0x273: {  	s12 =	sadd.s32 $0x1, s12  }
0x274: {  	p0 =	sne.s32 s12, s6  }
.Ltmp9:
0x275: {  	[tilespmem:$0x1F500] =	vst v1;
	(pc) =	sbr.rel @p0 .LBB2_1-.Ltmp9, $4  }
0x276: {  	[hbm4b:s5+s2] =	stream.linear.scatter [tilespmem:s11], [sflag:$0x1], $0x80, $0x38;
	[tilespmem:$0x1F580] =	vst v63  }
0x277: {  	_ =	swait.ge [sflag:s8], $0x80  }
0x278: {  	[sflag:s8] =	ssyncset.done $0x0  }
0x279: {  	[sflag:s8] =	ssyncadd.s32 $0xFFFFFF80  }
0x27a: {  	_ =	sfence.sel $0x180000  }
0x27b: {  	[bflag:$0x0] =	sbarrier.arrive $0xFFFF  }
0x27c: {  	p0 =	sne.s32 s1, $0x0;
	_ =	strace $0x90000047  }
0x27d: {  	s0 =	sadd.s32 @!p0 $0x100000, s0;
	[bflag:$0x2] =	sbarrier.arrive $0xFFFF  }
0x27e: {  	[sflag:s0] =	ssyncadd.tile.s32 @!p0 $0x1;
	_ =	shalt  }
.Lfunc_end2:
_tile_overlayer_lowered:
.L_overlay_start_2:
0x27f: {  	(tag) =	ssettag $0x2  }
0x280: {  	s0 =	rddreg [dreg:$0x0];
	s2 =	stileid.u32  }
0x281: {  	s1 =	rddreg [dreg:$0x1];
	p0 =	sne.s32 s2, $0x0  }
0x282: {  	s3 =	rddreg [dreg:$0x2];
	[bflag:$0x3] =	sbarrier.arrive $0xFFFF;
	s2 =	simm.s32 @!p0 $0x1C01  }
0x283: {  	[timem:s3], [sflag:s2] =	dma.local @!p0 [hbm:s0], s1  }
0x284: {  	s0 =	simm.s32 @!p0 $0x1  }
0x285: {  	_ =	swait.ge @!p0 [sflag:s0], s1  }
0x286: {  	s1 =	ssub.s32 @!p0 $0x0, s1;
	[sflag:s0] =	ssyncset.done @!p0 $0x0  }
0x287: {  	[sflag:s0] =	ssyncadd.s32 @!p0 s1  }
0x288: {  	[bflag:$0x3] =	sbarrier.arrive $0xFFFF  }
0x289: {  	_ =	shalt  }

</sc_bundles>
